<compile_context>
chip_gen: v7x
topology: tpu7x:2x2x1
jax: 0.10.2.dev20260603
libtpu: 0.0.44.dev20260713+nightly
codegen_flags: <defaults>
</compile_context>

<pallas_src>
import functools

import jax
import jax.numpy as jnp
import numpy as np
from jax import lax
from jax.experimental import pallas as pl
from jax.experimental.pallas import tpu as pltpu
from jax.experimental.pallas import tpu_sc as plsc

_NC = 2
_NS = 16
_NW = _NC * _NS
_C = 128



def _body_a(x_ref, w_ref, m_ref, mi_ref, hext_ref, ai_ref):
    h = jnp.dot(x_ref[...], w_ref[...], preferred_element_type=jnp.float32)
    hext_ref[...] = jnp.dot(h, m_ref[...], preferred_element_type=jnp.float32)
    ai_ref[...] = jnp.dot(h, mi_ref[...], preferred_element_type=jnp.float32)


def _stage_a(x, W1, M1, Mi1, BN=2000):
    N, D = x.shape
    Dt = M1.shape[1]
    grid = (N // BN,)
    return pl.pallas_call(
        _body_a,
        grid=grid,
        in_specs=[
            pl.BlockSpec((BN, D), lambda i: (i, 0)),
            pl.BlockSpec(W1.shape, lambda i: (0, 0)),
            pl.BlockSpec(M1.shape, lambda i: (0, 0)),
            pl.BlockSpec(Mi1.shape, lambda i: (0, 0)),
        ],
        out_specs=[
            pl.BlockSpec((BN, Dt), lambda i: (i, 0)),
            pl.BlockSpec((BN, 16), lambda i: (i, 0)),
        ],
        out_shape=[
            jax.ShapeDtypeStruct((N, Dt), jnp.float32),
            jax.ShapeDtypeStruct((N, 16), jnp.float32),
        ],
    )(x, W1, M1, Mi1)


def _body_c(a0_ref, a1_ref, p_ref, s_ref, b1_ref, w2_ref, m2_ref, mi2_ref,
            hext_ref, ai_ref):
    A = a0_ref[...] + a1_ref[...]
    num = jnp.dot(A, p_ref[...], preferred_element_type=jnp.float32)
    den = jnp.dot(A, s_ref[...], preferred_element_type=jnp.float32) + 1e-16
    h1 = num / den + b1_ref[...]
    h1 = jnp.where(h1 > 0, h1, jnp.exp(h1) - 1.0)
    h2 = jnp.dot(h1, w2_ref[...], preferred_element_type=jnp.float32)
    hext_ref[...] = jnp.dot(h2, m2_ref[...], preferred_element_type=jnp.float32)
    ai_ref[...] = jnp.dot(h2, mi2_ref[...], preferred_element_type=jnp.float32)


def _stage_c(a0, a1, P1, S1, b1, W2, M2, Mi2, BN=2000):
    N, Dt = a0.shape
    Dt2 = M2.shape[1]
    grid = (N // BN,)
    return pl.pallas_call(
        _body_c,
        grid=grid,
        in_specs=[
            pl.BlockSpec((BN, Dt), lambda i: (i, 0)),
            pl.BlockSpec((BN, Dt), lambda i: (i, 0)),
            pl.BlockSpec(P1.shape, lambda i: (0, 0)),
            pl.BlockSpec(S1.shape, lambda i: (0, 0)),
            pl.BlockSpec(b1.shape, lambda i: (0, 0)),
            pl.BlockSpec(W2.shape, lambda i: (0, 0)),
            pl.BlockSpec(M2.shape, lambda i: (0, 0)),
            pl.BlockSpec(Mi2.shape, lambda i: (0, 0)),
        ],
        out_specs=[
            pl.BlockSpec((BN, Dt2), lambda i: (i, 0)),
            pl.BlockSpec((BN, 16), lambda i: (i, 0)),
        ],
        out_shape=[
            jax.ShapeDtypeStruct((N, Dt2), jnp.float32),
            jax.ShapeDtypeStruct((N, 16), jnp.float32),
        ],
    )(a0, a1, P1, S1, b1, W2, M2, Mi2)


def _body_e(a0_ref, a1_ref, p_ref, s_ref, b2_ref, out_ref):
    A = a0_ref[...] + a1_ref[...]
    num = jnp.dot(A, p_ref[...], preferred_element_type=jnp.float32)
    den = jnp.dot(A, s_ref[...], preferred_element_type=jnp.float32) + 1e-16
    o = num / den + b2_ref[...]
    m = jnp.max(o, axis=1, keepdims=True)
    ex = jnp.exp(o - m)
    lse = m + jnp.log(jnp.sum(ex, axis=1, keepdims=True))
    out_ref[...] = o - lse


def _stage_e(a0, a1, P2, S2, b2, BN=2000):
    N, Dt = a0.shape
    O = P2.shape[1]
    grid = (N // BN,)
    return pl.pallas_call(
        _body_e,
        grid=grid,
        in_specs=[
            pl.BlockSpec((BN, Dt), lambda i: (i, 0)),
            pl.BlockSpec((BN, Dt), lambda i: (i, 0)),
            pl.BlockSpec(P2.shape, lambda i: (0, 0)),
            pl.BlockSpec(S2.shape, lambda i: (0, 0)),
            pl.BlockSpec(b2.shape, lambda i: (0, 0)),
        ],
        out_specs=pl.BlockSpec((BN, O), lambda i: (i, 0)),
        out_shape=jax.ShapeDtypeStruct((N, O), jnp.float32),
    )(a0, a1, P2, S2, b2)



def _make_edge_pass(N, Dt, H, Epad):
    WOFF = H * 32
    NR = Dt // 16
    npt = Epad // (_NW * _C)
    pipelined = Dt <= 64
    EPT = npt * _C
    per = N // _NS
    ZR = 125
    nz = per // ZR
    assert per % ZR == 0 and Epad % (_NW * _C) == 0

    mesh = plsc.VectorSubcoreMesh(core_axis_name="c", subcore_axis_name="s")

    @functools.partial(
        pl.kernel,
        out_type=jax.ShapeDtypeStruct((_NC, N, Dt), jnp.float32),
        mesh=mesh,
        scratch_types=[
            pltpu.VMEM((_C,), jnp.int32),
            pltpu.VMEM((_C,), jnp.int32),
            pltpu.VMEM((_C + 16,), jnp.float32),
            pltpu.VMEM((_C, Dt), jnp.float32),
            pltpu.VMEM((_C, 16), jnp.float32),
            pltpu.VMEM((_C,), jnp.int32),
            pltpu.VMEM((_C,), jnp.int32),
            pltpu.VMEM((_C + 16,), jnp.float32),
            pltpu.VMEM((_C, Dt), jnp.float32),
            pltpu.VMEM((_C, 16), jnp.float32),
            pltpu.VMEM((ZR, Dt), jnp.float32),
            pltpu.VMEM_SHARED((N, Dt), jnp.float32),
            pltpu.SemaphoreType.DMA,
            pltpu.SemaphoreType.DMA,
            pltpu.SemaphoreType.DMA,
            pltpu.SemaphoreType.DMA,
        ],
        compiler_params=pltpu.CompilerParams(use_tc_tiling_on_sc=False),
    )
    def edge_pass(hext, ai_t, rowi, coli, vld, out,
                  rowv, colv, vldv, hbuf, abuf,
                  rowv1, colv1, vldv1, hbuf1, abuf1, zbuf, acc,
                  sem1, sem2, sem3, sem4):
        cid = lax.axis_index("c")
        sid = lax.axis_index("s")

        def zrow(i, c):
            for r in range(NR):
                zbuf[i, pl.ds(r * 16, 16)] = jnp.zeros((16,), jnp.float32)
            return c
        lax.fori_loop(0, ZR, zrow, 0)
        for b in range(nz):
            pltpu.sync_copy(zbuf, acc.at[pl.ds(sid * per + b * ZR, ZR)])
        plsc.subcore_barrier()

        wid = cid * _NS + sid
        chunk0 = wid * npt
        base = chunk0 * _C

        bufs = ((rowv, colv, vldv, hbuf, abuf, sem1, sem2),
                (rowv1, colv1, vldv1, hbuf1, abuf1, sem3, sem4))

        def issue(j, B):
            rv, cv, vvb, hb, ab, gh, ga = B
            off = base + j * _C
            pltpu.sync_copy(rowi.at[pl.ds(off, _C)], rv)
            pltpu.sync_copy(coli.at[pl.ds(off, _C)], cv)
            pltpu.sync_copy(vld.at[pl.ds(off, _C)], vvb.at[pl.ds(0, _C)])
            pltpu.async_copy(hext.at[cv], hb, gh)
            pltpu.async_copy(ai_t.at[rv], ab, ga)

        def work(j, B):
            rv, cv, vvb, hb, ab, gh, ga = B
            pltpu.make_async_copy(hext.at[cv], hb, gh).wait()
            pltpu.make_async_copy(ai_t.at[rv], ab, ga).wait()

            def edge(e, c2):
                aiv = ab[e, :]
                ajv = hb[e, pl.ds(WOFF, 16)]
                s = aiv + ajv
                alpha = jnp.maximum(s, s * 0.2)
                vv = vvb[pl.ds(e, 16)]
                w = jnp.exp(alpha) * vv[0]
                for hh in range(H):
                    ws = w[hh]
                    for r in range(2):
                        sl = pl.ds((2 * hh + r) * 16, 16)
                        hb[e, sl] = hb[e, sl] * ws
                hb[e, pl.ds(WOFF, 16)] = w
                return c2

            lax.fori_loop(0, _C, edge, 0, unroll=2)
            pltpu.sync_copy(hb, acc.at[rv], add=True)

        if pipelined:
            issue(0, bufs[0])

            def chunk2(jj, c):
                j0 = jj * 2
                issue(j0 + 1, bufs[1])
                work(j0, bufs[0])
                issue(j0 + 2, bufs[0])
                work(j0 + 1, bufs[1])
                return c

            lax.fori_loop(0, npt // 2 - 1, chunk2, 0)
            issue(npt - 1, bufs[1])
            work(npt - 2, bufs[0])
            work(npt - 1, bufs[1])
        else:
            def chunk(j, c):
                issue(j, bufs[0])
                work(j, bufs[0])
                return c

            lax.fori_loop(0, npt, chunk, 0)
        plsc.subcore_barrier()

        for b in range(nz):
            r0 = sid * per + b * ZR
            pltpu.sync_copy(acc.at[pl.ds(r0, ZR)], out.at[cid, pl.ds(r0, ZR)])

    return edge_pass



def kernel(x, edge_index, W1, att1, b1, W2, att2, b2):
    N, D = x.shape
    E = edge_index.shape[1]
    H1 = att1.shape[1]
    OC = W1.shape[1] // H1
    Dt1 = H1 * OC + 16
    H2 = att2.shape[1]
    O2 = W2.shape[1] // H2
    Dt2 = H2 * O2 + 16

    ei = edge_index.astype(jnp.int32)
    loop = jnp.arange(N, dtype=jnp.int32)
    row = jnp.concatenate([ei[0], loop])
    col = jnp.concatenate([ei[1], loop])
    validf = jnp.concatenate([
        (ei[0] != ei[1]).astype(jnp.float32),
        jnp.ones((N,), jnp.float32),
    ])
    Etot = E + N
    npt_t = (Etot + _NW * _C - 1) // (_NW * _C)
    npt_t += npt_t % 2
    Epad = npt_t * _NW * _C
    pad = Epad - Etot
    rowp = jnp.concatenate([row, jnp.zeros((pad,), jnp.int32)])
    colp = jnp.concatenate([col, jnp.zeros((pad,), jnp.int32)])
    vldp = jnp.concatenate([validf, jnp.zeros((pad,), jnp.float32)])

    atti1 = att1[0, :, :OC]
    attj1 = att1[0, :, OC:]
    Ai1 = jax.scipy.linalg.block_diag(*[atti1[h].reshape(OC, 1) for h in range(H1)])
    Aj1 = jax.scipy.linalg.block_diag(*[attj1[h].reshape(OC, 1) for h in range(H1)])
    D1 = H1 * OC
    M1 = jnp.concatenate([jnp.eye(D1, dtype=jnp.float32), Aj1,
                          jnp.zeros((D1, Dt1 - D1 - H1), jnp.float32)], axis=1)
    Mi1 = jnp.concatenate([Ai1, jnp.zeros((D1, 16 - H1), jnp.float32)], axis=1)

    P1 = jnp.concatenate([jnp.eye(D1, dtype=jnp.float32),
                          jnp.zeros((Dt1 - D1, D1), jnp.float32)], axis=0)
    S1np = np.zeros((Dt1, D1), np.float32)
    for h in range(H1):
        S1np[D1 + h, h * OC:(h + 1) * OC] = 1.0
    S1 = jnp.asarray(S1np)

    atti2 = att2[0, :, :O2]
    attj2 = att2[0, :, O2:]
    Ai2 = jax.scipy.linalg.block_diag(*[atti2[h].reshape(O2, 1) for h in range(H2)])
    Aj2 = jax.scipy.linalg.block_diag(*[attj2[h].reshape(O2, 1) for h in range(H2)])
    D2 = H2 * O2
    M2 = jnp.concatenate([jnp.eye(D2, dtype=jnp.float32), Aj2,
                          jnp.zeros((D2, Dt2 - D2 - H2), jnp.float32)], axis=1)
    Mi2 = jnp.concatenate([Ai2, jnp.zeros((D2, 16 - H2), jnp.float32)], axis=1)
    P2 = jnp.concatenate([jnp.eye(D2, dtype=jnp.float32),
                          jnp.zeros((Dt2 - D2, D2), jnp.float32)], axis=0)
    S2np = np.zeros((Dt2, D2), np.float32)
    for h in range(H2):
        S2np[D2 + h, h * O2:(h + 1) * O2] = 1.0
    S2 = jnp.asarray(S2np)

    b1r = b1.reshape(1, D1)
    b2r = b2.reshape(1, D2)

    hext1, ai1 = _stage_a(x, W1, M1, Mi1)
    acc1 = _make_edge_pass(N, Dt1, H1, Epad)(hext1, ai1, rowp, colp, vldp)
    hext2, ai2 = _stage_c(acc1[0], acc1[1], P1, S1, b1r, W2, M2, Mi2)
    acc2 = _make_edge_pass(N, Dt2, H2, Epad)(hext2, ai2, rowp, colp, vldp)
    out = _stage_e(acc2[0], acc2[1], P2, S2, b2r)
    return out

# --- scband reference (transcript-rebuilt; emitter-appended) ---
"""Pipeline reference for scband-hyper-model-17428977287300 (READ-ONLY COPY).

The authoritative reference and input builder live on the scoring server;
editing this copy changes nothing except your own understanding.
"""

import jax, jax.numpy as jnp
import numpy as np

NEG_SLOPE = 0.2


def _process_edges(edge_index, num_nodes):
    # remove_self_loops + add_self_loops (old PyG convention)
    mask = edge_index[0] != edge_index[1]
    loop = jnp.arange(num_nodes, dtype=edge_index.dtype)
    loop = jnp.stack([loop, loop])
    ei = jnp.concatenate([edge_index, loop], axis=1)
    valid = jnp.concatenate([mask, jnp.ones((num_nodes,), dtype=bool)])
    return ei, valid


def _geo_layer(x, W, att, bias, ei, valid, heads, out_ch, concat):
    # GeoLayer(att_type='gat', agg_type='sum'), eval mode (dropout=0).
    # Old-PyG convention: x_i = x[edge_index[0]] (aggregation index),
    # x_j = x[edge_index[1]], softmax over edge_index[0].
    N = x.shape[0]
    h = (x @ W).reshape(N, heads, out_ch)
    row, col = ei[0], ei[1]
    x_i = h[row]
    x_j = h[col]
    alpha = (jnp.concatenate([x_i, x_j], axis=-1) * att).sum(axis=-1)  # [E, heads]
    alpha = jax.nn.leaky_relu(alpha, NEG_SLOPE)
    alpha = jnp.where(valid[:, None], alpha, -jnp.inf)
    amax = jax.ops.segment_max(alpha, row, num_segments=N)
    amax = jnp.where(jnp.isfinite(amax), amax, 0.0)
    e = jnp.exp(alpha - amax[row])
    denom = jax.ops.segment_sum(e, row, num_segments=N)
    a = e / (denom[row] + 1e-16)
    msg = x_j * a[:, :, None]
    out = jax.ops.segment_sum(msg, row, num_segments=N)
    if concat:
        out = out.reshape(N, heads * out_ch)
    else:
        out = out.mean(axis=1)
    return out + bias


def setup_inputs(seed: int = 0):
    key = jax.random.key(seed)
    ks = jax.random.split(key, 8)
    N, D = 10000, 128
    E = 320000
    x = jax.random.normal(ks[0], (N, D), dtype=jnp.float32)
    edge_index = jax.random.randint(ks[1], (2, E), 0, N)
    W1 = jax.random.normal(ks[2], (D, 4 * 32), dtype=jnp.float32) * (1.0 / np.sqrt(D))
    att1 = jax.random.normal(ks[3], (1, 4, 2 * 32), dtype=jnp.float32) * 0.1
    b1 = jnp.zeros((4 * 32,), dtype=jnp.float32)
    W2 = jax.random.normal(ks[4], (128, 1 * 32), dtype=jnp.float32) * (1.0 / np.sqrt(128.0))
    att2 = jax.random.normal(ks[5], (1, 1, 2 * 32), dtype=jnp.float32) * 0.1
    b2 = jnp.zeros((32,), dtype=jnp.float32)
    return {"x": x, "edge_index": edge_index, "W1": W1, "att1": att1, "b1": b1,
            "W2": W2, "att2": att2, "b2": b2}


def reference(x, edge_index, W1, att1, b1, W2, att2, b2):
    N = x.shape[0]
    ei, valid = _process_edges(edge_index, N)
    h = _geo_layer(x, W1, att1, b1, ei, valid, 4, 32, True)   # block 1: GAT heads=4 concat
    h = jax.nn.elu(h)                                          # activation 'elu'
    h = _geo_layer(h, W2, att2, b2, ei, valid, 1, 32, False)  # block 2: GAT heads=1, mean over heads
    # activation 'linear' = identity
    return jax.nn.log_softmax(h, axis=1)

if __name__ == "__main__":
    import jax
    _d = setup_inputs()
    print(jax.jit(kernel)(*tuple(_d.values())))

</pallas_src>

<mosaic_0001>
#map = affine_map<(d0, d1) -> (0, 0)>
#map1 = affine_map<(d0, d1) -> (0)>
#map2 = affine_map<(d0, d1) -> (0, 0, 0)>
module attributes {stable_mosaic.version = 14 : i64} {
  func.func @edge_pass(%arg0: i32, %arg1: i32, %arg2: memref<10000x48xf32, #tpu.memory_space<hbm>>, %arg3: memref<10000x16xf32, #tpu.memory_space<hbm>>, %arg4: memref<335872xi32, #tpu.memory_space<hbm>>, %arg5: memref<335872xi32, #tpu.memory_space<hbm>>, %arg6: memref<335872xf32, #tpu.memory_space<hbm>>, %arg7: memref<2x10000x48xf32, #tpu.memory_space<hbm>>, %arg8: memref<128xi32, #tpu.memory_space<vmem>>, %arg9: memref<128xi32, #tpu.memory_space<vmem>>, %arg10: memref<144xf32, #tpu.memory_space<vmem>>, %arg11: memref<128x48xf32, #tpu.memory_space<vmem>>, %arg12: memref<128x16xf32, #tpu.memory_space<vmem>>, %arg13: memref<128xi32, #tpu.memory_space<vmem>>, %arg14: memref<128xi32, #tpu.memory_space<vmem>>, %arg15: memref<144xf32, #tpu.memory_space<vmem>>, %arg16: memref<128x48xf32, #tpu.memory_space<vmem>>, %arg17: memref<128x16xf32, #tpu.memory_space<vmem>>, %arg18: memref<125x48xf32, #tpu.memory_space<vmem>>, %arg19: memref<10000x48xf32, #tpu.memory_space<vmem_shared>>, %arg20: memref<!tpu.dma_semaphore, #tpu.memory_space<semaphore_mem>>, %arg21: memref<!tpu.dma_semaphore, #tpu.memory_space<semaphore_mem>>, %arg22: memref<!tpu.dma_semaphore, #tpu.memory_space<semaphore_mem>>, %arg23: memref<!tpu.dma_semaphore, #tpu.memory_space<semaphore_mem>>) attributes {dimension_semantics = [#tpu.dimension_semantics<core_parallel>, #tpu.dimension_semantics<subcore_parallel>], iteration_bounds = array<i64: 2, 16>, scalar_prefetch = 0 : i64, scratch_operands = 16 : i64, tpu.core_type = #tpu.core_type<sc_vector_subcore>, window_params = [{transform_indices = #map}, {transform_indices = #map}, {transform_indices = #map1}, {transform_indices = #map1}, {transform_indices = #map1}, {transform_indices = #map2}]} {
    %scan3A = arith.constant 0 : i32
    %scan3A_0 = arith.constant 0 : i32
    %scan3A_1 = arith.constant 125 : i32
    %scan3A_2 = arith.addi %scan3A_0, %scan3A_1 : i32
    %scan3A_3 = arith.constant 1 : i32
    scf.for %scan3A_95 = %scan3A_0 to %scan3A_2 step %scan3A_3  : i32 {
      %broadcast_in_dim3A = arith.constant 0.000000e+00 : f32
      %broadcast_in_dim3A_96 = vector.broadcast %broadcast_in_dim3A : f32 to vector<16xf32>
      %swap3A = arith.index_cast %scan3A_95 : i32 to index
      %swap3A_97 = arith.constant 0 : index
      %swap3A_98 = tpu.vector_load %arg18[%swap3A, %swap3A_97] {strides = array<i32>} : memref<125x48xf32, #tpu.memory_space<vmem>>, vector<1x16xf32>,
      %swap3A_99 = vector.shape_cast %swap3A_98 : vector<1x16xf32> to vector<16xf32>
      %swap3A_100 = vector.shape_cast %broadcast_in_dim3A_96 : vector<16xf32> to vector<1x16xf32>
      tpu.vector_store %arg18[%swap3A, %swap3A_97], %swap3A_100 {strides = array<i32>} : memref<125x48xf32, #tpu.memory_space<vmem>>, vector<1x16xf32>,
      %broadcast_in_dim3A_101 = arith.constant 0.000000e+00 : f32
      %broadcast_in_dim3A_102 = vector.broadcast %broadcast_in_dim3A_101 : f32 to vector<16xf32>
      %swap3A_103 = arith.index_cast %scan3A_95 : i32 to index
      %swap3A_104 = arith.constant 16 : index
      %swap3A_105 = tpu.vector_load %arg18[%swap3A_103, %swap3A_104] {strides = array<i32>} : memref<125x48xf32, #tpu.memory_space<vmem>>, vector<1x16xf32>,
      %swap3A_106 = vector.shape_cast %swap3A_105 : vector<1x16xf32> to vector<16xf32>
      %swap3A_107 = vector.shape_cast %broadcast_in_dim3A_102 : vector<16xf32> to vector<1x16xf32>
      tpu.vector_store %arg18[%swap3A_103, %swap3A_104], %swap3A_107 {strides = array<i32>} : memref<125x48xf32, #tpu.memory_space<vmem>>, vector<1x16xf32>,
      %broadcast_in_dim3A_108 = arith.constant 0.000000e+00 : f32
      %broadcast_in_dim3A_109 = vector.broadcast %broadcast_in_dim3A_108 : f32 to vector<16xf32>
      %swap3A_110 = arith.index_cast %scan3A_95 : i32 to index
      %swap3A_111 = arith.constant 32 : index
      %swap3A_112 = tpu.vector_load %arg18[%swap3A_110, %swap3A_111] {strides = array<i32>} : memref<125x48xf32, #tpu.memory_space<vmem>>, vector<1x16xf32>,
      %swap3A_113 = vector.shape_cast %swap3A_112 : vector<1x16xf32> to vector<16xf32>
      %swap3A_114 = vector.shape_cast %broadcast_in_dim3A_109 : vector<16xf32> to vector<1x16xf32>
      tpu.vector_store %arg18[%swap3A_110, %swap3A_111], %swap3A_114 {strides = array<i32>} : memref<125x48xf32, #tpu.memory_space<vmem>>, vector<1x16xf32>,
    }
    %scan3A_4 = arith.constant 125 : i32
    %mul3A = arith.constant 625 : i32
    %mul3A_5 = arith.muli %arg1, %mul3A : i32
    %add3A = arith.constant 0 : i32
    %add3A_6 = arith.addi %mul3A_5, %add3A : i32
    "tpu.region"() ({
      %run_scoped3A = tpu.sem_alloc : memref<!tpu.dma_semaphore, #tpu.memory_space<semaphore_mem>>
      %dma_start3A_95 = arith.constant 0 : i32
      %dma_start3A_96 = tpu.memref_slice %arg19[%add3A_6, %dma_start3A_95] : memref<10000x48xf32, #tpu.memory_space<vmem_shared>> -> memref<125x48xf32, #tpu.memory_space<vmem_shared>>
      %dma_start3A_97 = arith.constant 0 : i32
      %dma_start3A_98 = tpu.memref_slice %arg19[%add3A_6, %dma_start3A_97] : memref<10000x48xf32, #tpu.memory_space<vmem_shared>> -> memref<125x48xf32, #tpu.memory_space<vmem_shared>>
      tpu.enqueue_dma source(%arg18 : memref<125x48xf32, #tpu.memory_space<vmem>>) target(%dma_start3A_98 : memref<125x48xf32, #tpu.memory_space<vmem_shared>>) target_semaphore(%run_scoped3A : memref<!tpu.dma_semaphore, #tpu.memory_space<semaphore_mem>>)
      %dma_wait3A_99 = arith.constant 0 : i32
      %dma_wait3A_100 = tpu.memref_slice %arg19[%add3A_6, %dma_wait3A_99] : memref<10000x48xf32, #tpu.memory_space<vmem_shared>> -> memref<125x48xf32, #tpu.memory_space<vmem_shared>>
      %dma_wait3A_101 = arith.constant 0 : i32
      %dma_wait3A_102 = tpu.memref_slice %arg19[%add3A_6, %dma_wait3A_101] : memref<10000x48xf32, #tpu.memory_space<vmem_shared>> -> memref<125x48xf32, #tpu.memory_space<vmem_shared>>
      tpu.wait_dma2 semaphore(%run_scoped3A : memref<!tpu.dma_semaphore, #tpu.memory_space<semaphore_mem>>) src(%arg18 : memref<125x48xf32, #tpu.memory_space<vmem>>) dst(%dma_wait3A_102 : memref<125x48xf32, #tpu.memory_space<vmem_shared>>)
      tpu.yield
    }) : () -> ()
    %mul3A_7 = arith.constant 625 : i32
    %mul3A_8 = arith.muli %arg1, %mul3A_7 : i32
    %add3A_9 = arith.constant 125 : i32
    %add3A_10 = arith.addi %mul3A_8, %add3A_9 : i32
    "tpu.region"() ({
      %run_scoped3A = tpu.sem_alloc : memref<!tpu.dma_semaphore, #tpu.memory_space<semaphore_mem>>
      %dma_start3A_95 = arith.constant 0 : i32
      %dma_start3A_96 = tpu.memref_slice %arg19[%add3A_10, %dma_start3A_95] : memref<10000x48xf32, #tpu.memory_space<vmem_shared>> -> memref<125x48xf32, #tpu.memory_space<vmem_shared>>
      %dma_start3A_97 = arith.constant 0 : i32
      %dma_start3A_98 = tpu.memref_slice %arg19[%add3A_10, %dma_start3A_97] : memref<10000x48xf32, #tpu.memory_space<vmem_shared>> -> memref<125x48xf32, #tpu.memory_space<vmem_shared>>
      tpu.enqueue_dma source(%arg18 : memref<125x48xf32, #tpu.memory_space<vmem>>) target(%dma_start3A_98 : memref<125x48xf32, #tpu.memory_space<vmem_shared>>) target_semaphore(%run_scoped3A : memref<!tpu.dma_semaphore, #tpu.memory_space<semaphore_mem>>)
      %dma_wait3A_99 = arith.constant 0 : i32
      %dma_wait3A_100 = tpu.memref_slice %arg19[%add3A_10, %dma_wait3A_99] : memref<10000x48xf32, #tpu.memory_space<vmem_shared>> -> memref<125x48xf32, #tpu.memory_space<vmem_shared>>
      %dma_wait3A_101 = arith.constant 0 : i32
      %dma_wait3A_102 = tpu.memref_slice %arg19[%add3A_10, %dma_wait3A_101] : memref<10000x48xf32, #tpu.memory_space<vmem_shared>> -> memref<125x48xf32, #tpu.memory_space<vmem_shared>>
      tpu.wait_dma2 semaphore(%run_scoped3A : memref<!tpu.dma_semaphore, #tpu.memory_space<semaphore_mem>>) src(%arg18 : memref<125x48xf32, #tpu.memory_space<vmem>>) dst(%dma_wait3A_102 : memref<125x48xf32, #tpu.memory_space<vmem_shared>>)
      tpu.yield
    }) : () -> ()
    %mul3A_11 = arith.constant 625 : i32
    %mul3A_12 = arith.muli %arg1, %mul3A_11 : i32
    %add3A_13 = arith.constant 250 : i32
    %add3A_14 = arith.addi %mul3A_12, %add3A_13 : i32
    "tpu.region"() ({
      %run_scoped3A = tpu.sem_alloc : memref<!tpu.dma_semaphore, #tpu.memory_space<semaphore_mem>>
      %dma_start3A_95 = arith.constant 0 : i32
      %dma_start3A_96 = tpu.memref_slice %arg19[%add3A_14, %dma_start3A_95] : memref<10000x48xf32, #tpu.memory_space<vmem_shared>> -> memref<125x48xf32, #tpu.memory_space<vmem_shared>>
      %dma_start3A_97 = arith.constant 0 : i32
      %dma_start3A_98 = tpu.memref_slice %arg19[%add3A_14, %dma_start3A_97] : memref<10000x48xf32, #tpu.memory_space<vmem_shared>> -> memref<125x48xf32, #tpu.memory_space<vmem_shared>>
      tpu.enqueue_dma source(%arg18 : memref<125x48xf32, #tpu.memory_space<vmem>>) target(%dma_start3A_98 : memref<125x48xf32, #tpu.memory_space<vmem_shared>>) target_semaphore(%run_scoped3A : memref<!tpu.dma_semaphore, #tpu.memory_space<semaphore_mem>>)
      %dma_wait3A_99 = arith.constant 0 : i32
      %dma_wait3A_100 = tpu.memref_slice %arg19[%add3A_14, %dma_wait3A_99] : memref<10000x48xf32, #tpu.memory_space<vmem_shared>> -> memref<125x48xf32, #tpu.memory_space<vmem_shared>>
      %dma_wait3A_101 = arith.constant 0 : i32
      %dma_wait3A_102 = tpu.memref_slice %arg19[%add3A_14, %dma_wait3A_101] : memref<10000x48xf32, #tpu.memory_space<vmem_shared>> -> memref<125x48xf32, #tpu.memory_space<vmem_shared>>
      tpu.wait_dma2 semaphore(%run_scoped3A : memref<!tpu.dma_semaphore, #tpu.memory_space<semaphore_mem>>) src(%arg18 : memref<125x48xf32, #tpu.memory_space<vmem>>) dst(%dma_wait3A_102 : memref<125x48xf32, #tpu.memory_space<vmem_shared>>)
      tpu.yield
    }) : () -> ()
    %mul3A_15 = arith.constant 625 : i32
    %mul3A_16 = arith.muli %arg1, %mul3A_15 : i32
    %add3A_17 = arith.constant 375 : i32
    %add3A_18 = arith.addi %mul3A_16, %add3A_17 : i32
    "tpu.region"() ({
      %run_scoped3A = tpu.sem_alloc : memref<!tpu.dma_semaphore, #tpu.memory_space<semaphore_mem>>
      %dma_start3A_95 = arith.constant 0 : i32
      %dma_start3A_96 = tpu.memref_slice %arg19[%add3A_18, %dma_start3A_95] : memref<10000x48xf32, #tpu.memory_space<vmem_shared>> -> memref<125x48xf32, #tpu.memory_space<vmem_shared>>
      %dma_start3A_97 = arith.constant 0 : i32
      %dma_start3A_98 = tpu.memref_slice %arg19[%add3A_18, %dma_start3A_97] : memref<10000x48xf32, #tpu.memory_space<vmem_shared>> -> memref<125x48xf32, #tpu.memory_space<vmem_shared>>
      tpu.enqueue_dma source(%arg18 : memref<125x48xf32, #tpu.memory_space<vmem>>) target(%dma_start3A_98 : memref<125x48xf32, #tpu.memory_space<vmem_shared>>) target_semaphore(%run_scoped3A : memref<!tpu.dma_semaphore, #tpu.memory_space<semaphore_mem>>)
      %dma_wait3A_99 = arith.constant 0 : i32
      %dma_wait3A_100 = tpu.memref_slice %arg19[%add3A_18, %dma_wait3A_99] : memref<10000x48xf32, #tpu.memory_space<vmem_shared>> -> memref<125x48xf32, #tpu.memory_space<vmem_shared>>
      %dma_wait3A_101 = arith.constant 0 : i32
      %dma_wait3A_102 = tpu.memref_slice %arg19[%add3A_18, %dma_wait3A_101] : memref<10000x48xf32, #tpu.memory_space<vmem_shared>> -> memref<125x48xf32, #tpu.memory_space<vmem_shared>>
      tpu.wait_dma2 semaphore(%run_scoped3A : memref<!tpu.dma_semaphore, #tpu.memory_space<semaphore_mem>>) src(%arg18 : memref<125x48xf32, #tpu.memory_space<vmem>>) dst(%dma_wait3A_102 : memref<125x48xf32, #tpu.memory_space<vmem_shared>>)
      tpu.yield
    }) : () -> ()
    %mul3A_19 = arith.constant 625 : i32
    %mul3A_20 = arith.muli %arg1, %mul3A_19 : i32
    %add3A_21 = arith.constant 500 : i32
    %add3A_22 = arith.addi %mul3A_20, %add3A_21 : i32
    "tpu.region"() ({
      %run_scoped3A = tpu.sem_alloc : memref<!tpu.dma_semaphore, #tpu.memory_space<semaphore_mem>>
      %dma_start3A_95 = arith.constant 0 : i32
      %dma_start3A_96 = tpu.memref_slice %arg19[%add3A_22, %dma_start3A_95] : memref<10000x48xf32, #tpu.memory_space<vmem_shared>> -> memref<125x48xf32, #tpu.memory_space<vmem_shared>>
      %dma_start3A_97 = arith.constant 0 : i32
      %dma_start3A_98 = tpu.memref_slice %arg19[%add3A_22, %dma_start3A_97] : memref<10000x48xf32, #tpu.memory_space<vmem_shared>> -> memref<125x48xf32, #tpu.memory_space<vmem_shared>>
      tpu.enqueue_dma source(%arg18 : memref<125x48xf32, #tpu.memory_space<vmem>>) target(%dma_start3A_98 : memref<125x48xf32, #tpu.memory_space<vmem_shared>>) target_semaphore(%run_scoped3A : memref<!tpu.dma_semaphore, #tpu.memory_space<semaphore_mem>>)
      %dma_wait3A_99 = arith.constant 0 : i32
      %dma_wait3A_100 = tpu.memref_slice %arg19[%add3A_22, %dma_wait3A_99] : memref<10000x48xf32, #tpu.memory_space<vmem_shared>> -> memref<125x48xf32, #tpu.memory_space<vmem_shared>>
      %dma_wait3A_101 = arith.constant 0 : i32
      %dma_wait3A_102 = tpu.memref_slice %arg19[%add3A_22, %dma_wait3A_101] : memref<10000x48xf32, #tpu.memory_space<vmem_shared>> -> memref<125x48xf32, #tpu.memory_space<vmem_shared>>
      tpu.wait_dma2 semaphore(%run_scoped3A : memref<!tpu.dma_semaphore, #tpu.memory_space<semaphore_mem>>) src(%arg18 : memref<125x48xf32, #tpu.memory_space<vmem>>) dst(%dma_wait3A_102 : memref<125x48xf32, #tpu.memory_space<vmem_shared>>)
      tpu.yield
    }) : () -> ()
    %barrier3A = arith.constant 0 : index
    tpu.barrier barrier_id(%barrier3A)
    %mul3A_23 = arith.constant 16 : i32
    %mul3A_24 = arith.muli %arg0, %mul3A_23 : i32
    %add3A_25 = arith.addi %mul3A_24, %arg1 : i32
    %mul3A_26 = arith.constant 82 : i32
    %mul3A_27 = arith.muli %add3A_25, %mul3A_26 : i32
    %mul3A_28 = arith.constant 128 : i32
    %mul3A_29 = arith.muli %mul3A_27, %mul3A_28 : i32
    %add3A_30 = arith.constant 0 : i32
    %add3A_31 = arith.addi %mul3A_29, %add3A_30 : i32
    "tpu.region"() ({
      %run_scoped3A = tpu.sem_alloc : memref<!tpu.dma_semaphore, #tpu.memory_space<semaphore_mem>>
      %dma_start3A_95 = tpu.memref_slice %arg4[%add3A_31] : memref<335872xi32, #tpu.memory_space<hbm>> -> memref<128xi32, #tpu.memory_space<hbm>>
      %dma_start3A_96 = tpu.memref_slice %arg4[%add3A_31] : memref<335872xi32, #tpu.memory_space<hbm>> -> memref<128xi32, #tpu.memory_space<hbm>>
      tpu.enqueue_dma source(%dma_start3A_96 : memref<128xi32, #tpu.memory_space<hbm>>) target(%arg8 : memref<128xi32, #tpu.memory_space<vmem>>) target_semaphore(%run_scoped3A : memref<!tpu.dma_semaphore, #tpu.memory_space<semaphore_mem>>)
      %dma_wait3A_97 = tpu.memref_slice %arg4[%add3A_31] : memref<335872xi32, #tpu.memory_space<hbm>> -> memref<128xi32, #tpu.memory_space<hbm>>
      %dma_wait3A_98 = tpu.memref_slice %arg4[%add3A_31] : memref<335872xi32, #tpu.memory_space<hbm>> -> memref<128xi32, #tpu.memory_space<hbm>>
      tpu.wait_dma2 semaphore(%run_scoped3A : memref<!tpu.dma_semaphore, #tpu.memory_space<semaphore_mem>>) src(%dma_wait3A_98 : memref<128xi32, #tpu.memory_space<hbm>>) dst(%arg8 : memref<128xi32, #tpu.memory_space<vmem>>)
      tpu.yield
    }) : () -> ()
    "tpu.region"() ({
      %run_scoped3A = tpu.sem_alloc : memref<!tpu.dma_semaphore, #tpu.memory_space<semaphore_mem>>
      %dma_start3A_95 = tpu.memref_slice %arg5[%add3A_31] : memref<335872xi32, #tpu.memory_space<hbm>> -> memref<128xi32, #tpu.memory_space<hbm>>
      %dma_start3A_96 = tpu.memref_slice %arg5[%add3A_31] : memref<335872xi32, #tpu.memory_space<hbm>> -> memref<128xi32, #tpu.memory_space<hbm>>
      tpu.enqueue_dma source(%dma_start3A_96 : memref<128xi32, #tpu.memory_space<hbm>>) target(%arg9 : memref<128xi32, #tpu.memory_space<vmem>>) target_semaphore(%run_scoped3A : memref<!tpu.dma_semaphore, #tpu.memory_space<semaphore_mem>>)
      %dma_wait3A_97 = tpu.memref_slice %arg5[%add3A_31] : memref<335872xi32, #tpu.memory_space<hbm>> -> memref<128xi32, #tpu.memory_space<hbm>>
      %dma_wait3A_98 = tpu.memref_slice %arg5[%add3A_31] : memref<335872xi32, #tpu.memory_space<hbm>> -> memref<128xi32, #tpu.memory_space<hbm>>
      tpu.wait_dma2 semaphore(%run_scoped3A : memref<!tpu.dma_semaphore, #tpu.memory_space<semaphore_mem>>) src(%dma_wait3A_98 : memref<128xi32, #tpu.memory_space<hbm>>) dst(%arg9 : memref<128xi32, #tpu.memory_space<vmem>>)
      tpu.yield
    }) : () -> ()
    "tpu.region"() ({
      %run_scoped3A = tpu.sem_alloc : memref<!tpu.dma_semaphore, #tpu.memory_space<semaphore_mem>>
      %dma_start3A_95 = arith.constant 0 : i32
      %dma_start3A_96 = tpu.memref_slice %arg10[%dma_start3A_95] : memref<144xf32, #tpu.memory_space<vmem>> -> memref<128xf32, #tpu.memory_space<vmem>>
      %dma_start3A_97 = tpu.memref_slice %arg6[%add3A_31] : memref<335872xf32, #tpu.memory_space<hbm>> -> memref<128xf32, #tpu.memory_space<hbm>>
      %dma_start3A_98 = arith.constant 0 : i32
      %dma_start3A_99 = tpu.memref_slice %arg10[%dma_start3A_98] : memref<144xf32, #tpu.memory_space<vmem>> -> memref<128xf32, #tpu.memory_space<vmem>>
      %dma_start3A_100 = tpu.memref_slice %arg6[%add3A_31] : memref<335872xf32, #tpu.memory_space<hbm>> -> memref<128xf32, #tpu.memory_space<hbm>>
      tpu.enqueue_dma source(%dma_start3A_100 : memref<128xf32, #tpu.memory_space<hbm>>) target(%dma_start3A_99 : memref<128xf32, #tpu.memory_space<vmem>>) target_semaphore(%run_scoped3A : memref<!tpu.dma_semaphore, #tpu.memory_space<semaphore_mem>>)
      %dma_wait3A_101 = arith.constant 0 : i32
      %dma_wait3A_102 = tpu.memref_slice %arg10[%dma_wait3A_101] : memref<144xf32, #tpu.memory_space<vmem>> -> memref<128xf32, #tpu.memory_space<vmem>>
      %dma_wait3A_103 = tpu.memref_slice %arg6[%add3A_31] : memref<335872xf32, #tpu.memory_space<hbm>> -> memref<128xf32, #tpu.memory_space<hbm>>
      %dma_wait3A_104 = arith.constant 0 : i32
      %dma_wait3A_105 = tpu.memref_slice %arg10[%dma_wait3A_104] : memref<144xf32, #tpu.memory_space<vmem>> -> memref<128xf32, #tpu.memory_space<vmem>>
      %dma_wait3A_106 = tpu.memref_slice %arg6[%add3A_31] : memref<335872xf32, #tpu.memory_space<hbm>> -> memref<128xf32, #tpu.memory_space<hbm>>
      tpu.wait_dma2 semaphore(%run_scoped3A : memref<!tpu.dma_semaphore, #tpu.memory_space<semaphore_mem>>) src(%dma_wait3A_106 : memref<128xf32, #tpu.memory_space<hbm>>) dst(%dma_wait3A_105 : memref<128xf32, #tpu.memory_space<vmem>>)
      tpu.yield
    }) : () -> ()
    %dma_start3A = arith.constant 0 : i32
    %dma_start3A_32 = arith.constant 0 : i32
    %dma_start3A_33 = tpu.memref_slice %arg2[%dma_start3A, %dma_start3A_32] : memref<10000x48xf32, #tpu.memory_space<hbm>> -> memref<10000x48xf32, #tpu.memory_space<hbm>>
    tpu.enqueue_indirect_dma source(%dma_start3A_33 : memref<10000x48xf32, #tpu.memory_space<hbm>>) target(%arg11 : memref<128x48xf32, #tpu.memory_space<vmem>>) offsets(%arg9 : memref<128xi32, #tpu.memory_space<vmem>>) semaphore(%arg20 : memref<!tpu.dma_semaphore, #tpu.memory_space<semaphore_mem>>)
    %dma_start3A_34 = arith.constant 0 : i32
    %dma_start3A_35 = arith.constant 0 : i32
    %dma_start3A_36 = tpu.memref_slice %arg3[%dma_start3A_34, %dma_start3A_35] : memref<10000x16xf32, #tpu.memory_space<hbm>> -> memref<10000x16xf32, #tpu.memory_space<hbm>>
    tpu.enqueue_indirect_dma source(%dma_start3A_36 : memref<10000x16xf32, #tpu.memory_space<hbm>>) target(%arg12 : memref<128x16xf32, #tpu.memory_space<vmem>>) offsets(%arg8 : memref<128xi32, #tpu.memory_space<vmem>>) semaphore(%arg21 : memref<!tpu.dma_semaphore, #tpu.memory_space<semaphore_mem>>)
    %scan3A_37 = arith.constant 0 : i32
    %scan3A_38 = arith.constant 0 : i32
    %scan3A_39 = arith.constant 40 : i32
    %scan3A_40 = arith.addi %scan3A_38, %scan3A_39 : i32
    %scan3A_41 = arith.constant 1 : i32
    scf.for %scan3A_95 = %scan3A_38 to %scan3A_40 step %scan3A_41  : i32 {
      %mul3A_96 = arith.constant 2 : i32
      %mul3A_97 = arith.muli %scan3A_95, %mul3A_96 : i32
      %add3A_98 = arith.constant 1 : i32
      %add3A_99 = arith.addi %mul3A_97, %add3A_98 : i32
      %mul3A_100 = arith.constant 128 : i32
      %mul3A_101 = arith.muli %add3A_99, %mul3A_100 : i32
      %add3A_102 = arith.addi %mul3A_29, %mul3A_101 : i32
      "tpu.region"() ({
        %run_scoped3A = tpu.sem_alloc : memref<!tpu.dma_semaphore, #tpu.memory_space<semaphore_mem>>
        %dma_start3A_146 = tpu.memref_slice %arg4[%add3A_102] : memref<335872xi32, #tpu.memory_space<hbm>> -> memref<128xi32, #tpu.memory_space<hbm>>
        %dma_start3A_147 = tpu.memref_slice %arg4[%add3A_102] : memref<335872xi32, #tpu.memory_space<hbm>> -> memref<128xi32, #tpu.memory_space<hbm>>
        tpu.enqueue_dma source(%dma_start3A_147 : memref<128xi32, #tpu.memory_space<hbm>>) target(%arg13 : memref<128xi32, #tpu.memory_space<vmem>>) target_semaphore(%run_scoped3A : memref<!tpu.dma_semaphore, #tpu.memory_space<semaphore_mem>>)
        %dma_wait3A_148 = tpu.memref_slice %arg4[%add3A_102] : memref<335872xi32, #tpu.memory_space<hbm>> -> memref<128xi32, #tpu.memory_space<hbm>>
        %dma_wait3A_149 = tpu.memref_slice %arg4[%add3A_102] : memref<335872xi32, #tpu.memory_space<hbm>> -> memref<128xi32, #tpu.memory_space<hbm>>
        tpu.wait_dma2 semaphore(%run_scoped3A : memref<!tpu.dma_semaphore, #tpu.memory_space<semaphore_mem>>) src(%dma_wait3A_149 : memref<128xi32, #tpu.memory_space<hbm>>) dst(%arg13 : memref<128xi32, #tpu.memory_space<vmem>>)
        tpu.yield
      }) : () -> ()
      "tpu.region"() ({
        %run_scoped3A = tpu.sem_alloc : memref<!tpu.dma_semaphore, #tpu.memory_space<semaphore_mem>>
        %dma_start3A_146 = tpu.memref_slice %arg5[%add3A_102] : memref<335872xi32, #tpu.memory_space<hbm>> -> memref<128xi32, #tpu.memory_space<hbm>>
        %dma_start3A_147 = tpu.memref_slice %arg5[%add3A_102] : memref<335872xi32, #tpu.memory_space<hbm>> -> memref<128xi32, #tpu.memory_space<hbm>>
        tpu.enqueue_dma source(%dma_start3A_147 : memref<128xi32, #tpu.memory_space<hbm>>) target(%arg14 : memref<128xi32, #tpu.memory_space<vmem>>) target_semaphore(%run_scoped3A : memref<!tpu.dma_semaphore, #tpu.memory_space<semaphore_mem>>)
        %dma_wait3A_148 = tpu.memref_slice %arg5[%add3A_102] : memref<335872xi32, #tpu.memory_space<hbm>> -> memref<128xi32, #tpu.memory_space<hbm>>
        %dma_wait3A_149 = tpu.memref_slice %arg5[%add3A_102] : memref<335872xi32, #tpu.memory_space<hbm>> -> memref<128xi32, #tpu.memory_space<hbm>>
        tpu.wait_dma2 semaphore(%run_scoped3A : memref<!tpu.dma_semaphore, #tpu.memory_space<semaphore_mem>>) src(%dma_wait3A_149 : memref<128xi32, #tpu.memory_space<hbm>>) dst(%arg14 : memref<128xi32, #tpu.memory_space<vmem>>)
        tpu.yield
      }) : () -> ()
      "tpu.region"() ({
        %run_scoped3A = tpu.sem_alloc : memref<!tpu.dma_semaphore, #tpu.memory_space<semaphore_mem>>
        %dma_start3A_146 = arith.constant 0 : i32
        %dma_start3A_147 = tpu.memref_slice %arg15[%dma_start3A_146] : memref<144xf32, #tpu.memory_space<vmem>> -> memref<128xf32, #tpu.memory_space<vmem>>
        %dma_start3A_148 = tpu.memref_slice %arg6[%add3A_102] : memref<335872xf32, #tpu.memory_space<hbm>> -> memref<128xf32, #tpu.memory_space<hbm>>
        %dma_start3A_149 = arith.constant 0 : i32
        %dma_start3A_150 = tpu.memref_slice %arg15[%dma_start3A_149] : memref<144xf32, #tpu.memory_space<vmem>> -> memref<128xf32, #tpu.memory_space<vmem>>
        %dma_start3A_151 = tpu.memref_slice %arg6[%add3A_102] : memref<335872xf32, #tpu.memory_space<hbm>> -> memref<128xf32, #tpu.memory_space<hbm>>
        tpu.enqueue_dma source(%dma_start3A_151 : memref<128xf32, #tpu.memory_space<hbm>>) target(%dma_start3A_150 : memref<128xf32, #tpu.memory_space<vmem>>) target_semaphore(%run_scoped3A : memref<!tpu.dma_semaphore, #tpu.memory_space<semaphore_mem>>)
        %dma_wait3A_152 = arith.constant 0 : i32
        %dma_wait3A_153 = tpu.memref_slice %arg15[%dma_wait3A_152] : memref<144xf32, #tpu.memory_space<vmem>> -> memref<128xf32, #tpu.memory_space<vmem>>
        %dma_wait3A_154 = tpu.memref_slice %arg6[%add3A_102] : memref<335872xf32, #tpu.memory_space<hbm>> -> memref<128xf32, #tpu.memory_space<hbm>>
        %dma_wait3A_155 = arith.constant 0 : i32
        %dma_wait3A_156 = tpu.memref_slice %arg15[%dma_wait3A_155] : memref<144xf32, #tpu.memory_space<vmem>> -> memref<128xf32, #tpu.memory_space<vmem>>
        %dma_wait3A_157 = tpu.memref_slice %arg6[%add3A_102] : memref<335872xf32, #tpu.memory_space<hbm>> -> memref<128xf32, #tpu.memory_space<hbm>>
        tpu.wait_dma2 semaphore(%run_scoped3A : memref<!tpu.dma_semaphore, #tpu.memory_space<semaphore_mem>>) src(%dma_wait3A_157 : memref<128xf32, #tpu.memory_space<hbm>>) dst(%dma_wait3A_156 : memref<128xf32, #tpu.memory_space<vmem>>)
        tpu.yield
      }) : () -> ()
      %dma_start3A_103 = arith.constant 0 : i32
      %dma_start3A_104 = arith.constant 0 : i32
      %dma_start3A_105 = tpu.memref_slice %arg2[%dma_start3A_103, %dma_start3A_104] : memref<10000x48xf32, #tpu.memory_space<hbm>> -> memref<10000x48xf32, #tpu.memory_space<hbm>>
      tpu.enqueue_indirect_dma source(%dma_start3A_105 : memref<10000x48xf32, #tpu.memory_space<hbm>>) target(%arg16 : memref<128x48xf32, #tpu.memory_space<vmem>>) offsets(%arg14 : memref<128xi32, #tpu.memory_space<vmem>>) semaphore(%arg22 : memref<!tpu.dma_semaphore, #tpu.memory_space<semaphore_mem>>)
      %dma_start3A_106 = arith.constant 0 : i32
      %dma_start3A_107 = arith.constant 0 : i32
      %dma_start3A_108 = tpu.memref_slice %arg3[%dma_start3A_106, %dma_start3A_107] : memref<10000x16xf32, #tpu.memory_space<hbm>> -> memref<10000x16xf32, #tpu.memory_space<hbm>>
      tpu.enqueue_indirect_dma source(%dma_start3A_108 : memref<10000x16xf32, #tpu.memory_space<hbm>>) target(%arg17 : memref<128x16xf32, #tpu.memory_space<vmem>>) offsets(%arg13 : memref<128xi32, #tpu.memory_space<vmem>>) semaphore(%arg23 : memref<!tpu.dma_semaphore, #tpu.memory_space<semaphore_mem>>)
      %dma_wait3A_109 = arith.constant 0 : i32
      %dma_wait3A_110 = arith.constant 0 : i32
      %dma_wait3A_111 = tpu.memref_slice %arg2[%dma_wait3A_109, %dma_wait3A_110] : memref<10000x48xf32, #tpu.memory_space<hbm>> -> memref<10000x48xf32, #tpu.memory_space<hbm>>
      tpu.wait_indirect_dma semaphore(%arg20 : memref<!tpu.dma_semaphore, #tpu.memory_space<semaphore_mem>>) src(%dma_wait3A_111 : memref<10000x48xf32, #tpu.memory_space<hbm>>) dst(%arg11 : memref<128x48xf32, #tpu.memory_space<vmem>>)
      %dma_wait3A_112 = arith.constant 0 : i32
      %dma_wait3A_113 = arith.constant 0 : i32
      %dma_wait3A_114 = tpu.memref_slice %arg3[%dma_wait3A_112, %dma_wait3A_113] : memref<10000x16xf32, #tpu.memory_space<hbm>> -> memref<10000x16xf32, #tpu.memory_space<hbm>>
      tpu.wait_indirect_dma semaphore(%arg21 : memref<!tpu.dma_semaphore, #tpu.memory_space<semaphore_mem>>) src(%dma_wait3A_114 : memref<10000x16xf32, #tpu.memory_space<hbm>>) dst(%arg12 : memref<128x16xf32, #tpu.memory_space<vmem>>)
      %scan3A_115 = arith.constant 0 : i32
      %scan3A_116 = arith.constant 0 : i32
      %scan3A_117 = arith.constant 128 : i32
      %scan3A_118 = arith.addi %scan3A_116, %scan3A_117 : i32
      %scan3A_119 = arith.constant 2 : i32
      scf.for %scan3A_146 = %scan3A_116 to %scan3A_118 step %scan3A_119  : i32 {
        %get3A = arith.index_cast %scan3A_146 : i32 to index
        %get3A_147 = arith.constant 0 : index
        %get3A_148 = tpu.vector_load %arg12[%get3A, %get3A_147] {strides = array<i32>} : memref<128x16xf32, #tpu.memory_space<vmem>>, vector<1x16xf32>,
        %get3A_149 = vector.shape_cast %get3A_148 : vector<1x16xf32> to vector<16xf32>
        %get3A_150 = arith.index_cast %scan3A_146 : i32 to index
        %get3A_151 = arith.constant 32 : index
        %get3A_152 = tpu.vector_load %arg11[%get3A_150, %get3A_151] {strides = array<i32>} : memref<128x48xf32, #tpu.memory_space<vmem>>, vector<1x16xf32>,
        %get3A_153 = vector.shape_cast %get3A_152 : vector<1x16xf32> to vector<16xf32>
        %add3A_154 = arith.addf %get3A_149, %get3A_153 : vector<16xf32>
        %mul3A_155 = arith.constant 2.000000e-01 : f32
        %mul3A_156 = vector.broadcast %mul3A_155 : f32 to vector<16xf32>
        %mul3A_157 = arith.mulf %add3A_154, %mul3A_156 : vector<16xf32>
        %max3A = arith.maximumf %add3A_154, %mul3A_157 : vector<16xf32>
        %get3A_158 = arith.index_cast %scan3A_146 : i32 to index
        %get3A_159 = tpu.vector_load %arg10[%get3A_158] {strides = array<i32>} : memref<144xf32, #tpu.memory_space<vmem>>, vector<16xf32>,
        %get3A_160 = vector.shape_cast %get3A_159 : vector<16xf32> to vector<16xf32>
        %exp3A = math.exp %max3A : vector<16xf32>
        %slice3A = vector.extract_strided_slice %get3A_160 {offsets = [0], sizes = [1], strides = [1]} : vector<16xf32> to vector<1xf32>
        %squeeze3A = vector.extract %slice3A[0] : f32 from vector<1xf32>
        %mul3A_161 = vector.broadcast %squeeze3A : f32 to vector<16xf32>
        %mul3A_162 = arith.mulf %exp3A, %mul3A_161 : vector<16xf32>
        %slice3A_163 = vector.extract_strided_slice %mul3A_162 {offsets = [0], sizes = [1], strides = [1]} : vector<16xf32> to vector<1xf32>
        %squeeze3A_164 = vector.extract %slice3A_163[0] : f32 from vector<1xf32>
        %get3A_165 = arith.index_cast %scan3A_146 : i32 to index
        %get3A_166 = arith.constant 0 : index
        %get3A_167 = tpu.vector_load %arg11[%get3A_165, %get3A_166] {strides = array<i32>} : memref<128x48xf32, #tpu.memory_space<vmem>>, vector<1x16xf32>,
        %get3A_168 = vector.shape_cast %get3A_167 : vector<1x16xf32> to vector<16xf32>
        %mul3A_169 = vector.broadcast %squeeze3A_164 : f32 to vector<16xf32>
        %mul3A_170 = arith.mulf %get3A_168, %mul3A_169 : vector<16xf32>
        %swap3A = arith.index_cast %scan3A_146 : i32 to index
        %swap3A_171 = arith.constant 0 : index
        %swap3A_172 = tpu.vector_load %arg11[%swap3A, %swap3A_171] {strides = array<i32>} : memref<128x48xf32, #tpu.memory_space<vmem>>, vector<1x16xf32>,
        %swap3A_173 = vector.shape_cast %swap3A_172 : vector<1x16xf32> to vector<16xf32>
        %swap3A_174 = vector.shape_cast %mul3A_170 : vector<16xf32> to vector<1x16xf32>
        tpu.vector_store %arg11[%swap3A, %swap3A_171], %swap3A_174 {strides = array<i32>} : memref<128x48xf32, #tpu.memory_space<vmem>>, vector<1x16xf32>,
        %get3A_175 = arith.index_cast %scan3A_146 : i32 to index
        %get3A_176 = arith.constant 16 : index
        %get3A_177 = tpu.vector_load %arg11[%get3A_175, %get3A_176] {strides = array<i32>} : memref<128x48xf32, #tpu.memory_space<vmem>>, vector<1x16xf32>,
        %get3A_178 = vector.shape_cast %get3A_177 : vector<1x16xf32> to vector<16xf32>
        %mul3A_179 = vector.broadcast %squeeze3A_164 : f32 to vector<16xf32>
        %mul3A_180 = arith.mulf %get3A_178, %mul3A_179 : vector<16xf32>
        %swap3A_181 = arith.index_cast %scan3A_146 : i32 to index
        %swap3A_182 = arith.constant 16 : index
        %swap3A_183 = tpu.vector_load %arg11[%swap3A_181, %swap3A_182] {strides = array<i32>} : memref<128x48xf32, #tpu.memory_space<vmem>>, vector<1x16xf32>,
        %swap3A_184 = vector.shape_cast %swap3A_183 : vector<1x16xf32> to vector<16xf32>
        %swap3A_185 = vector.shape_cast %mul3A_180 : vector<16xf32> to vector<1x16xf32>
        tpu.vector_store %arg11[%swap3A_181, %swap3A_182], %swap3A_185 {strides = array<i32>} : memref<128x48xf32, #tpu.memory_space<vmem>>, vector<1x16xf32>,
        %swap3A_186 = arith.index_cast %scan3A_146 : i32 to index
        %swap3A_187 = arith.constant 32 : index
        %swap3A_188 = tpu.vector_load %arg11[%swap3A_186, %swap3A_187] {strides = array<i32>} : memref<128x48xf32, #tpu.memory_space<vmem>>, vector<1x16xf32>,
        %swap3A_189 = vector.shape_cast %swap3A_188 : vector<1x16xf32> to vector<16xf32>
        %swap3A_190 = vector.shape_cast %mul3A_162 : vector<16xf32> to vector<1x16xf32>
        tpu.vector_store %arg11[%swap3A_186, %swap3A_187], %swap3A_190 {strides = array<i32>} : memref<128x48xf32, #tpu.memory_space<vmem>>, vector<1x16xf32>,
        %scan3A_191 = arith.constant 1 : i32
        %scan3A_192 = arith.addi %scan3A_146, %scan3A_191 : i32
        %get3A_193 = arith.index_cast %scan3A_192 : i32 to index
        %get3A_194 = arith.constant 0 : index
        %get3A_195 = tpu.vector_load %arg12[%get3A_193, %get3A_194] {strides = array<i32>} : memref<128x16xf32, #tpu.memory_space<vmem>>, vector<1x16xf32>,
        %get3A_196 = vector.shape_cast %get3A_195 : vector<1x16xf32> to vector<16xf32>
        %get3A_197 = arith.index_cast %scan3A_192 : i32 to index
        %get3A_198 = arith.constant 32 : index
        %get3A_199 = tpu.vector_load %arg11[%get3A_197, %get3A_198] {strides = array<i32>} : memref<128x48xf32, #tpu.memory_space<vmem>>, vector<1x16xf32>,
        %get3A_200 = vector.shape_cast %get3A_199 : vector<1x16xf32> to vector<16xf32>
        %add3A_201 = arith.addf %get3A_196, %get3A_200 : vector<16xf32>
        %mul3A_202 = arith.constant 2.000000e-01 : f32
        %mul3A_203 = vector.broadcast %mul3A_202 : f32 to vector<16xf32>
        %mul3A_204 = arith.mulf %add3A_201, %mul3A_203 : vector<16xf32>
        %max3A_205 = arith.maximumf %add3A_201, %mul3A_204 : vector<16xf32>
        %get3A_206 = arith.index_cast %scan3A_192 : i32 to index
        %get3A_207 = tpu.vector_load %arg10[%get3A_206] {strides = array<i32>} : memref<144xf32, #tpu.memory_space<vmem>>, vector<16xf32>,
        %get3A_208 = vector.shape_cast %get3A_207 : vector<16xf32> to vector<16xf32>
        %exp3A_209 = math.exp %max3A_205 : vector<16xf32>
        %slice3A_210 = vector.extract_strided_slice %get3A_208 {offsets = [0], sizes = [1], strides = [1]} : vector<16xf32> to vector<1xf32>
        %squeeze3A_211 = vector.extract %slice3A_210[0] : f32 from vector<1xf32>
        %mul3A_212 = vector.broadcast %squeeze3A_211 : f32 to vector<16xf32>
        %mul3A_213 = arith.mulf %exp3A_209, %mul3A_212 : vector<16xf32>
        %slice3A_214 = vector.extract_strided_slice %mul3A_213 {offsets = [0], sizes = [1], strides = [1]} : vector<16xf32> to vector<1xf32>
        %squeeze3A_215 = vector.extract %slice3A_214[0] : f32 from vector<1xf32>
        %get3A_216 = arith.index_cast %scan3A_192 : i32 to index
        %get3A_217 = arith.constant 0 : index
        %get3A_218 = tpu.vector_load %arg11[%get3A_216, %get3A_217] {strides = array<i32>} : memref<128x48xf32, #tpu.memory_space<vmem>>, vector<1x16xf32>,
        %get3A_219 = vector.shape_cast %get3A_218 : vector<1x16xf32> to vector<16xf32>
        %mul3A_220 = vector.broadcast %squeeze3A_215 : f32 to vector<16xf32>
        %mul3A_221 = arith.mulf %get3A_219, %mul3A_220 : vector<16xf32>
        %swap3A_222 = arith.index_cast %scan3A_192 : i32 to index
        %swap3A_223 = arith.constant 0 : index
        %swap3A_224 = tpu.vector_load %arg11[%swap3A_222, %swap3A_223] {strides = array<i32>} : memref<128x48xf32, #tpu.memory_space<vmem>>, vector<1x16xf32>,
        %swap3A_225 = vector.shape_cast %swap3A_224 : vector<1x16xf32> to vector<16xf32>
        %swap3A_226 = vector.shape_cast %mul3A_221 : vector<16xf32> to vector<1x16xf32>
        tpu.vector_store %arg11[%swap3A_222, %swap3A_223], %swap3A_226 {strides = array<i32>} : memref<128x48xf32, #tpu.memory_space<vmem>>, vector<1x16xf32>,
        %get3A_227 = arith.index_cast %scan3A_192 : i32 to index
        %get3A_228 = arith.constant 16 : index
        %get3A_229 = tpu.vector_load %arg11[%get3A_227, %get3A_228] {strides = array<i32>} : memref<128x48xf32, #tpu.memory_space<vmem>>, vector<1x16xf32>,
        %get3A_230 = vector.shape_cast %get3A_229 : vector<1x16xf32> to vector<16xf32>
        %mul3A_231 = vector.broadcast %squeeze3A_215 : f32 to vector<16xf32>
        %mul3A_232 = arith.mulf %get3A_230, %mul3A_231 : vector<16xf32>
        %swap3A_233 = arith.index_cast %scan3A_192 : i32 to index
        %swap3A_234 = arith.constant 16 : index
        %swap3A_235 = tpu.vector_load %arg11[%swap3A_233, %swap3A_234] {strides = array<i32>} : memref<128x48xf32, #tpu.memory_space<vmem>>, vector<1x16xf32>,
        %swap3A_236 = vector.shape_cast %swap3A_235 : vector<1x16xf32> to vector<16xf32>
        %swap3A_237 = vector.shape_cast %mul3A_232 : vector<16xf32> to vector<1x16xf32>
        tpu.vector_store %arg11[%swap3A_233, %swap3A_234], %swap3A_237 {strides = array<i32>} : memref<128x48xf32, #tpu.memory_space<vmem>>, vector<1x16xf32>,
        %swap3A_238 = arith.index_cast %scan3A_192 : i32 to index
        %swap3A_239 = arith.constant 32 : index
        %swap3A_240 = tpu.vector_load %arg11[%swap3A_238, %swap3A_239] {strides = array<i32>} : memref<128x48xf32, #tpu.memory_space<vmem>>, vector<1x16xf32>,
        %swap3A_241 = vector.shape_cast %swap3A_240 : vector<1x16xf32> to vector<16xf32>
        %swap3A_242 = vector.shape_cast %mul3A_213 : vector<16xf32> to vector<1x16xf32>
        tpu.vector_store %arg11[%swap3A_238, %swap3A_239], %swap3A_242 {strides = array<i32>} : memref<128x48xf32, #tpu.memory_space<vmem>>, vector<1x16xf32>,
      }
      %scan3A_120 = arith.constant 128 : i32
      "tpu.region"() ({
        %run_scoped3A = tpu.sem_alloc : memref<!tpu.dma_semaphore, #tpu.memory_space<semaphore_mem>>
        %dma_start3A_146 = arith.constant 0 : i32
        %dma_start3A_147 = arith.constant 0 : i32
        %dma_start3A_148 = tpu.memref_slice %arg19[%dma_start3A_146, %dma_start3A_147] : memref<10000x48xf32, #tpu.memory_space<vmem_shared>> -> memref<10000x48xf32, #tpu.memory_space<vmem_shared>>
        tpu.enqueue_indirect_dma source(%arg11 : memref<128x48xf32, #tpu.memory_space<vmem>>) target(%dma_start3A_148 : memref<10000x48xf32, #tpu.memory_space<vmem_shared>>) offsets(%arg8 : memref<128xi32, #tpu.memory_space<vmem>>) semaphore(%run_scoped3A : memref<!tpu.dma_semaphore, #tpu.memory_space<semaphore_mem>>) {add = true}
        %dma_wait3A_149 = arith.constant 0 : i32
        %dma_wait3A_150 = arith.constant 0 : i32
        %dma_wait3A_151 = tpu.memref_slice %arg19[%dma_wait3A_149, %dma_wait3A_150] : memref<10000x48xf32, #tpu.memory_space<vmem_shared>> -> memref<10000x48xf32, #tpu.memory_space<vmem_shared>>
        tpu.wait_indirect_dma semaphore(%run_scoped3A : memref<!tpu.dma_semaphore, #tpu.memory_space<semaphore_mem>>) src(%arg11 : memref<128x48xf32, #tpu.memory_space<vmem>>) dst(%dma_wait3A_151 : memref<10000x48xf32, #tpu.memory_space<vmem_shared>>)
        tpu.yield
      }) : () -> ()
      %add3A_121 = arith.constant 2 : i32
      %add3A_122 = arith.addi %mul3A_97, %add3A_121 : i32
      %mul3A_123 = arith.constant 128 : i32
      %mul3A_124 = arith.muli %add3A_122, %mul3A_123 : i32
      %add3A_125 = arith.addi %mul3A_29, %mul3A_124 : i32
      "tpu.region"() ({
        %run_scoped3A = tpu.sem_alloc : memref<!tpu.dma_semaphore, #tpu.memory_space<semaphore_mem>>
        %dma_start3A_146 = tpu.memref_slice %arg4[%add3A_125] : memref<335872xi32, #tpu.memory_space<hbm>> -> memref<128xi32, #tpu.memory_space<hbm>>
        %dma_start3A_147 = tpu.memref_slice %arg4[%add3A_125] : memref<335872xi32, #tpu.memory_space<hbm>> -> memref<128xi32, #tpu.memory_space<hbm>>
        tpu.enqueue_dma source(%dma_start3A_147 : memref<128xi32, #tpu.memory_space<hbm>>) target(%arg8 : memref<128xi32, #tpu.memory_space<vmem>>) target_semaphore(%run_scoped3A : memref<!tpu.dma_semaphore, #tpu.memory_space<semaphore_mem>>)
        %dma_wait3A_148 = tpu.memref_slice %arg4[%add3A_125] : memref<335872xi32, #tpu.memory_space<hbm>> -> memref<128xi32, #tpu.memory_space<hbm>>
        %dma_wait3A_149 = tpu.memref_slice %arg4[%add3A_125] : memref<335872xi32, #tpu.memory_space<hbm>> -> memref<128xi32, #tpu.memory_space<hbm>>
        tpu.wait_dma2 semaphore(%run_scoped3A : memref<!tpu.dma_semaphore, #tpu.memory_space<semaphore_mem>>) src(%dma_wait3A_149 : memref<128xi32, #tpu.memory_space<hbm>>) dst(%arg8 : memref<128xi32, #tpu.memory_space<vmem>>)
        tpu.yield
      }) : () -> ()
      "tpu.region"() ({
        %run_scoped3A = tpu.sem_alloc : memref<!tpu.dma_semaphore, #tpu.memory_space<semaphore_mem>>
        %dma_start3A_146 = tpu.memref_slice %arg5[%add3A_125] : memref<335872xi32, #tpu.memory_space<hbm>> -> memref<128xi32, #tpu.memory_space<hbm>>
        %dma_start3A_147 = tpu.memref_slice %arg5[%add3A_125] : memref<335872xi32, #tpu.memory_space<hbm>> -> memref<128xi32, #tpu.memory_space<hbm>>
        tpu.enqueue_dma source(%dma_start3A_147 : memref<128xi32, #tpu.memory_space<hbm>>) target(%arg9 : memref<128xi32, #tpu.memory_space<vmem>>) target_semaphore(%run_scoped3A : memref<!tpu.dma_semaphore, #tpu.memory_space<semaphore_mem>>)
        %dma_wait3A_148 = tpu.memref_slice %arg5[%add3A_125] : memref<335872xi32, #tpu.memory_space<hbm>> -> memref<128xi32, #tpu.memory_space<hbm>>
        %dma_wait3A_149 = tpu.memref_slice %arg5[%add3A_125] : memref<335872xi32, #tpu.memory_space<hbm>> -> memref<128xi32, #tpu.memory_space<hbm>>
        tpu.wait_dma2 semaphore(%run_scoped3A : memref<!tpu.dma_semaphore, #tpu.memory_space<semaphore_mem>>) src(%dma_wait3A_149 : memref<128xi32, #tpu.memory_space<hbm>>) dst(%arg9 : memref<128xi32, #tpu.memory_space<vmem>>)
        tpu.yield
      }) : () -> ()
      "tpu.region"() ({
        %run_scoped3A = tpu.sem_alloc : memref<!tpu.dma_semaphore, #tpu.memory_space<semaphore_mem>>
        %dma_start3A_146 = arith.constant 0 : i32
        %dma_start3A_147 = tpu.memref_slice %arg10[%dma_start3A_146] : memref<144xf32, #tpu.memory_space<vmem>> -> memref<128xf32, #tpu.memory_space<vmem>>
        %dma_start3A_148 = tpu.memref_slice %arg6[%add3A_125] : memref<335872xf32, #tpu.memory_space<hbm>> -> memref<128xf32, #tpu.memory_space<hbm>>
        %dma_start3A_149 = arith.constant 0 : i32
        %dma_start3A_150 = tpu.memref_slice %arg10[%dma_start3A_149] : memref<144xf32, #tpu.memory_space<vmem>> -> memref<128xf32, #tpu.memory_space<vmem>>
        %dma_start3A_151 = tpu.memref_slice %arg6[%add3A_125] : memref<335872xf32, #tpu.memory_space<hbm>> -> memref<128xf32, #tpu.memory_space<hbm>>
        tpu.enqueue_dma source(%dma_start3A_151 : memref<128xf32, #tpu.memory_space<hbm>>) target(%dma_start3A_150 : memref<128xf32, #tpu.memory_space<vmem>>) target_semaphore(%run_scoped3A : memref<!tpu.dma_semaphore, #tpu.memory_space<semaphore_mem>>)
        %dma_wait3A_152 = arith.constant 0 : i32
        %dma_wait3A_153 = tpu.memref_slice %arg10[%dma_wait3A_152] : memref<144xf32, #tpu.memory_space<vmem>> -> memref<128xf32, #tpu.memory_space<vmem>>
        %dma_wait3A_154 = tpu.memref_slice %arg6[%add3A_125] : memref<335872xf32, #tpu.memory_space<hbm>> -> memref<128xf32, #tpu.memory_space<hbm>>
        %dma_wait3A_155 = arith.constant 0 : i32
        %dma_wait3A_156 = tpu.memref_slice %arg10[%dma_wait3A_155] : memref<144xf32, #tpu.memory_space<vmem>> -> memref<128xf32, #tpu.memory_space<vmem>>
        %dma_wait3A_157 = tpu.memref_slice %arg6[%add3A_125] : memref<335872xf32, #tpu.memory_space<hbm>> -> memref<128xf32, #tpu.memory_space<hbm>>
        tpu.wait_dma2 semaphore(%run_scoped3A : memref<!tpu.dma_semaphore, #tpu.memory_space<semaphore_mem>>) src(%dma_wait3A_157 : memref<128xf32, #tpu.memory_space<hbm>>) dst(%dma_wait3A_156 : memref<128xf32, #tpu.memory_space<vmem>>)
        tpu.yield
      }) : () -> ()
      %dma_start3A_126 = arith.constant 0 : i32
      %dma_start3A_127 = arith.constant 0 : i32
      %dma_start3A_128 = tpu.memref_slice %arg2[%dma_start3A_126, %dma_start3A_127] : memref<10000x48xf32, #tpu.memory_space<hbm>> -> memref<10000x48xf32, #tpu.memory_space<hbm>>
      tpu.enqueue_indirect_dma source(%dma_start3A_128 : memref<10000x48xf32, #tpu.memory_space<hbm>>) target(%arg11 : memref<128x48xf32, #tpu.memory_space<vmem>>) offsets(%arg9 : memref<128xi32, #tpu.memory_space<vmem>>) semaphore(%arg20 : memref<!tpu.dma_semaphore, #tpu.memory_space<semaphore_mem>>)
      %dma_start3A_129 = arith.constant 0 : i32
      %dma_start3A_130 = arith.constant 0 : i32
      %dma_start3A_131 = tpu.memref_slice %arg3[%dma_start3A_129, %dma_start3A_130] : memref<10000x16xf32, #tpu.memory_space<hbm>> -> memref<10000x16xf32, #tpu.memory_space<hbm>>
      tpu.enqueue_indirect_dma source(%dma_start3A_131 : memref<10000x16xf32, #tpu.memory_space<hbm>>) target(%arg12 : memref<128x16xf32, #tpu.memory_space<vmem>>) offsets(%arg8 : memref<128xi32, #tpu.memory_space<vmem>>) semaphore(%arg21 : memref<!tpu.dma_semaphore, #tpu.memory_space<semaphore_mem>>)
      %add3A_132 = arith.constant 1 : i32
      %add3A_133 = arith.addi %mul3A_97, %add3A_132 : i32
      %dma_wait3A_134 = arith.constant 0 : i32
      %dma_wait3A_135 = arith.constant 0 : i32
      %dma_wait3A_136 = tpu.memref_slice %arg2[%dma_wait3A_134, %dma_wait3A_135] : memref<10000x48xf32, #tpu.memory_space<hbm>> -> memref<10000x48xf32, #tpu.memory_space<hbm>>
      tpu.wait_indirect_dma semaphore(%arg22 : memref<!tpu.dma_semaphore, #tpu.memory_space<semaphore_mem>>) src(%dma_wait3A_136 : memref<10000x48xf32, #tpu.memory_space<hbm>>) dst(%arg16 : memref<128x48xf32, #tpu.memory_space<vmem>>)
      %dma_wait3A_137 = arith.constant 0 : i32
      %dma_wait3A_138 = arith.constant 0 : i32
      %dma_wait3A_139 = tpu.memref_slice %arg3[%dma_wait3A_137, %dma_wait3A_138] : memref<10000x16xf32, #tpu.memory_space<hbm>> -> memref<10000x16xf32, #tpu.memory_space<hbm>>
      tpu.wait_indirect_dma semaphore(%arg23 : memref<!tpu.dma_semaphore, #tpu.memory_space<semaphore_mem>>) src(%dma_wait3A_139 : memref<10000x16xf32, #tpu.memory_space<hbm>>) dst(%arg17 : memref<128x16xf32, #tpu.memory_space<vmem>>)
      %scan3A_140 = arith.constant 0 : i32
      %scan3A_141 = arith.constant 0 : i32
      %scan3A_142 = arith.constant 128 : i32
      %scan3A_143 = arith.addi %scan3A_141, %scan3A_142 : i32
      %scan3A_144 = arith.constant 2 : i32
      scf.for %scan3A_146 = %scan3A_141 to %scan3A_143 step %scan3A_144  : i32 {
        %get3A = arith.index_cast %scan3A_146 : i32 to index
        %get3A_147 = arith.constant 0 : index
        %get3A_148 = tpu.vector_load %arg17[%get3A, %get3A_147] {strides = array<i32>} : memref<128x16xf32, #tpu.memory_space<vmem>>, vector<1x16xf32>,
        %get3A_149 = vector.shape_cast %get3A_148 : vector<1x16xf32> to vector<16xf32>
        %get3A_150 = arith.index_cast %scan3A_146 : i32 to index
        %get3A_151 = arith.constant 32 : index
        %get3A_152 = tpu.vector_load %arg16[%get3A_150, %get3A_151] {strides = array<i32>} : memref<128x48xf32, #tpu.memory_space<vmem>>, vector<1x16xf32>,
        %get3A_153 = vector.shape_cast %get3A_152 : vector<1x16xf32> to vector<16xf32>
        %add3A_154 = arith.addf %get3A_149, %get3A_153 : vector<16xf32>
        %mul3A_155 = arith.constant 2.000000e-01 : f32
        %mul3A_156 = vector.broadcast %mul3A_155 : f32 to vector<16xf32>
        %mul3A_157 = arith.mulf %add3A_154, %mul3A_156 : vector<16xf32>
        %max3A = arith.maximumf %add3A_154, %mul3A_157 : vector<16xf32>
        %get3A_158 = arith.index_cast %scan3A_146 : i32 to index
        %get3A_159 = tpu.vector_load %arg15[%get3A_158] {strides = array<i32>} : memref<144xf32, #tpu.memory_space<vmem>>, vector<16xf32>,
        %get3A_160 = vector.shape_cast %get3A_159 : vector<16xf32> to vector<16xf32>
        %exp3A = math.exp %max3A : vector<16xf32>
        %slice3A = vector.extract_strided_slice %get3A_160 {offsets = [0], sizes = [1], strides = [1]} : vector<16xf32> to vector<1xf32>
        %squeeze3A = vector.extract %slice3A[0] : f32 from vector<1xf32>
        %mul3A_161 = vector.broadcast %squeeze3A : f32 to vector<16xf32>
        %mul3A_162 = arith.mulf %exp3A, %mul3A_161 : vector<16xf32>
        %slice3A_163 = vector.extract_strided_slice %mul3A_162 {offsets = [0], sizes = [1], strides = [1]} : vector<16xf32> to vector<1xf32>
        %squeeze3A_164 = vector.extract %slice3A_163[0] : f32 from vector<1xf32>
        %get3A_165 = arith.index_cast %scan3A_146 : i32 to index
        %get3A_166 = arith.constant 0 : index
        %get3A_167 = tpu.vector_load %arg16[%get3A_165, %get3A_166] {strides = array<i32>} : memref<128x48xf32, #tpu.memory_space<vmem>>, vector<1x16xf32>,
        %get3A_168 = vector.shape_cast %get3A_167 : vector<1x16xf32> to vector<16xf32>
        %mul3A_169 = vector.broadcast %squeeze3A_164 : f32 to vector<16xf32>
        %mul3A_170 = arith.mulf %get3A_168, %mul3A_169 : vector<16xf32>
        %swap3A = arith.index_cast %scan3A_146 : i32 to index
        %swap3A_171 = arith.constant 0 : index
        %swap3A_172 = tpu.vector_load %arg16[%swap3A, %swap3A_171] {strides = array<i32>} : memref<128x48xf32, #tpu.memory_space<vmem>>, vector<1x16xf32>,
        %swap3A_173 = vector.shape_cast %swap3A_172 : vector<1x16xf32> to vector<16xf32>
        %swap3A_174 = vector.shape_cast %mul3A_170 : vector<16xf32> to vector<1x16xf32>
        tpu.vector_store %arg16[%swap3A, %swap3A_171], %swap3A_174 {strides = array<i32>} : memref<128x48xf32, #tpu.memory_space<vmem>>, vector<1x16xf32>,
        %get3A_175 = arith.index_cast %scan3A_146 : i32 to index
        %get3A_176 = arith.constant 16 : index
        %get3A_177 = tpu.vector_load %arg16[%get3A_175, %get3A_176] {strides = array<i32>} : memref<128x48xf32, #tpu.memory_space<vmem>>, vector<1x16xf32>,
        %get3A_178 = vector.shape_cast %get3A_177 : vector<1x16xf32> to vector<16xf32>
        %mul3A_179 = vector.broadcast %squeeze3A_164 : f32 to vector<16xf32>
        %mul3A_180 = arith.mulf %get3A_178, %mul3A_179 : vector<16xf32>
        %swap3A_181 = arith.index_cast %scan3A_146 : i32 to index
        %swap3A_182 = arith.constant 16 : index
        %swap3A_183 = tpu.vector_load %arg16[%swap3A_181, %swap3A_182] {strides = array<i32>} : memref<128x48xf32, #tpu.memory_space<vmem>>, vector<1x16xf32>,
        %swap3A_184 = vector.shape_cast %swap3A_183 : vector<1x16xf32> to vector<16xf32>
        %swap3A_185 = vector.shape_cast %mul3A_180 : vector<16xf32> to vector<1x16xf32>
        tpu.vector_store %arg16[%swap3A_181, %swap3A_182], %swap3A_185 {strides = array<i32>} : memref<128x48xf32, #tpu.memory_space<vmem>>, vector<1x16xf32>,
        %swap3A_186 = arith.index_cast %scan3A_146 : i32 to index
        %swap3A_187 = arith.constant 32 : index
        %swap3A_188 = tpu.vector_load %arg16[%swap3A_186, %swap3A_187] {strides = array<i32>} : memref<128x48xf32, #tpu.memory_space<vmem>>, vector<1x16xf32>,
        %swap3A_189 = vector.shape_cast %swap3A_188 : vector<1x16xf32> to vector<16xf32>
        %swap3A_190 = vector.shape_cast %mul3A_162 : vector<16xf32> to vector<1x16xf32>
        tpu.vector_store %arg16[%swap3A_186, %swap3A_187], %swap3A_190 {strides = array<i32>} : memref<128x48xf32, #tpu.memory_space<vmem>>, vector<1x16xf32>,
        %scan3A_191 = arith.constant 1 : i32
        %scan3A_192 = arith.addi %scan3A_146, %scan3A_191 : i32
        %get3A_193 = arith.index_cast %scan3A_192 : i32 to index
        %get3A_194 = arith.constant 0 : index
        %get3A_195 = tpu.vector_load %arg17[%get3A_193, %get3A_194] {strides = array<i32>} : memref<128x16xf32, #tpu.memory_space<vmem>>, vector<1x16xf32>,
        %get3A_196 = vector.shape_cast %get3A_195 : vector<1x16xf32> to vector<16xf32>
        %get3A_197 = arith.index_cast %scan3A_192 : i32 to index
        %get3A_198 = arith.constant 32 : index
        %get3A_199 = tpu.vector_load %arg16[%get3A_197, %get3A_198] {strides = array<i32>} : memref<128x48xf32, #tpu.memory_space<vmem>>, vector<1x16xf32>,
        %get3A_200 = vector.shape_cast %get3A_199 : vector<1x16xf32> to vector<16xf32>
        %add3A_201 = arith.addf %get3A_196, %get3A_200 : vector<16xf32>
        %mul3A_202 = arith.constant 2.000000e-01 : f32
        %mul3A_203 = vector.broadcast %mul3A_202 : f32 to vector<16xf32>
        %mul3A_204 = arith.mulf %add3A_201, %mul3A_203 : vector<16xf32>
        %max3A_205 = arith.maximumf %add3A_201, %mul3A_204 : vector<16xf32>
        %get3A_206 = arith.index_cast %scan3A_192 : i32 to index
        %get3A_207 = tpu.vector_load %arg15[%get3A_206] {strides = array<i32>} : memref<144xf32, #tpu.memory_space<vmem>>, vector<16xf32>,
        %get3A_208 = vector.shape_cast %get3A_207 : vector<16xf32> to vector<16xf32>
        %exp3A_209 = math.exp %max3A_205 : vector<16xf32>
        %slice3A_210 = vector.extract_strided_slice %get3A_208 {offsets = [0], sizes = [1], strides = [1]} : vector<16xf32> to vector<1xf32>
        %squeeze3A_211 = vector.extract %slice3A_210[0] : f32 from vector<1xf32>
        %mul3A_212 = vector.broadcast %squeeze3A_211 : f32 to vector<16xf32>
        %mul3A_213 = arith.mulf %exp3A_209, %mul3A_212 : vector<16xf32>
        %slice3A_214 = vector.extract_strided_slice %mul3A_213 {offsets = [0], sizes = [1], strides = [1]} : vector<16xf32> to vector<1xf32>
        %squeeze3A_215 = vector.extract %slice3A_214[0] : f32 from vector<1xf32>
        %get3A_216 = arith.index_cast %scan3A_192 : i32 to index
        %get3A_217 = arith.constant 0 : index
        %get3A_218 = tpu.vector_load %arg16[%get3A_216, %get3A_217] {strides = array<i32>} : memref<128x48xf32, #tpu.memory_space<vmem>>, vector<1x16xf32>,
        %get3A_219 = vector.shape_cast %get3A_218 : vector<1x16xf32> to vector<16xf32>
        %mul3A_220 = vector.broadcast %squeeze3A_215 : f32 to vector<16xf32>
        %mul3A_221 = arith.mulf %get3A_219, %mul3A_220 : vector<16xf32>
        %swap3A_222 = arith.index_cast %scan3A_192 : i32 to index
        %swap3A_223 = arith.constant 0 : index
        %swap3A_224 = tpu.vector_load %arg16[%swap3A_222, %swap3A_223] {strides = array<i32>} : memref<128x48xf32, #tpu.memory_space<vmem>>, vector<1x16xf32>,
        %swap3A_225 = vector.shape_cast %swap3A_224 : vector<1x16xf32> to vector<16xf32>
        %swap3A_226 = vector.shape_cast %mul3A_221 : vector<16xf32> to vector<1x16xf32>
        tpu.vector_store %arg16[%swap3A_222, %swap3A_223], %swap3A_226 {strides = array<i32>} : memref<128x48xf32, #tpu.memory_space<vmem>>, vector<1x16xf32>,
        %get3A_227 = arith.index_cast %scan3A_192 : i32 to index
        %get3A_228 = arith.constant 16 : index
        %get3A_229 = tpu.vector_load %arg16[%get3A_227, %get3A_228] {strides = array<i32>} : memref<128x48xf32, #tpu.memory_space<vmem>>, vector<1x16xf32>,
        %get3A_230 = vector.shape_cast %get3A_229 : vector<1x16xf32> to vector<16xf32>
        %mul3A_231 = vector.broadcast %squeeze3A_215 : f32 to vector<16xf32>
        %mul3A_232 = arith.mulf %get3A_230, %mul3A_231 : vector<16xf32>
        %swap3A_233 = arith.index_cast %scan3A_192 : i32 to index
        %swap3A_234 = arith.constant 16 : index
        %swap3A_235 = tpu.vector_load %arg16[%swap3A_233, %swap3A_234] {strides = array<i32>} : memref<128x48xf32, #tpu.memory_space<vmem>>, vector<1x16xf32>,
        %swap3A_236 = vector.shape_cast %swap3A_235 : vector<1x16xf32> to vector<16xf32>
        %swap3A_237 = vector.shape_cast %mul3A_232 : vector<16xf32> to vector<1x16xf32>
        tpu.vector_store %arg16[%swap3A_233, %swap3A_234], %swap3A_237 {strides = array<i32>} : memref<128x48xf32, #tpu.memory_space<vmem>>, vector<1x16xf32>,
        %swap3A_238 = arith.index_cast %scan3A_192 : i32 to index
        %swap3A_239 = arith.constant 32 : index
        %swap3A_240 = tpu.vector_load %arg16[%swap3A_238, %swap3A_239] {strides = array<i32>} : memref<128x48xf32, #tpu.memory_space<vmem>>, vector<1x16xf32>,
        %swap3A_241 = vector.shape_cast %swap3A_240 : vector<1x16xf32> to vector<16xf32>
        %swap3A_242 = vector.shape_cast %mul3A_213 : vector<16xf32> to vector<1x16xf32>
        tpu.vector_store %arg16[%swap3A_238, %swap3A_239], %swap3A_242 {strides = array<i32>} : memref<128x48xf32, #tpu.memory_space<vmem>>, vector<1x16xf32>,
      }
      %scan3A_145 = arith.constant 128 : i32
      "tpu.region"() ({
        %run_scoped3A = tpu.sem_alloc : memref<!tpu.dma_semaphore, #tpu.memory_space<semaphore_mem>>
        %dma_start3A_146 = arith.constant 0 : i32
        %dma_start3A_147 = arith.constant 0 : i32
        %dma_start3A_148 = tpu.memref_slice %arg19[%dma_start3A_146, %dma_start3A_147] : memref<10000x48xf32, #tpu.memory_space<vmem_shared>> -> memref<10000x48xf32, #tpu.memory_space<vmem_shared>>
        tpu.enqueue_indirect_dma source(%arg16 : memref<128x48xf32, #tpu.memory_space<vmem>>) target(%dma_start3A_148 : memref<10000x48xf32, #tpu.memory_space<vmem_shared>>) offsets(%arg13 : memref<128xi32, #tpu.memory_space<vmem>>) semaphore(%run_scoped3A : memref<!tpu.dma_semaphore, #tpu.memory_space<semaphore_mem>>) {add = true}
        %dma_wait3A_149 = arith.constant 0 : i32
        %dma_wait3A_150 = arith.constant 0 : i32
        %dma_wait3A_151 = tpu.memref_slice %arg19[%dma_wait3A_149, %dma_wait3A_150] : memref<10000x48xf32, #tpu.memory_space<vmem_shared>> -> memref<10000x48xf32, #tpu.memory_space<vmem_shared>>
        tpu.wait_indirect_dma semaphore(%run_scoped3A : memref<!tpu.dma_semaphore, #tpu.memory_space<semaphore_mem>>) src(%arg16 : memref<128x48xf32, #tpu.memory_space<vmem>>) dst(%dma_wait3A_151 : memref<10000x48xf32, #tpu.memory_space<vmem_shared>>)
        tpu.yield
      }) : () -> ()
    }
    %scan3A_42 = arith.constant 40 : i32
    %add3A_43 = arith.constant 10368 : i32
    %add3A_44 = arith.addi %mul3A_29, %add3A_43 : i32
    "tpu.region"() ({
      %run_scoped3A = tpu.sem_alloc : memref<!tpu.dma_semaphore, #tpu.memory_space<semaphore_mem>>
      %dma_start3A_95 = tpu.memref_slice %arg4[%add3A_44] : memref<335872xi32, #tpu.memory_space<hbm>> -> memref<128xi32, #tpu.memory_space<hbm>>
      %dma_start3A_96 = tpu.memref_slice %arg4[%add3A_44] : memref<335872xi32, #tpu.memory_space<hbm>> -> memref<128xi32, #tpu.memory_space<hbm>>
      tpu.enqueue_dma source(%dma_start3A_96 : memref<128xi32, #tpu.memory_space<hbm>>) target(%arg13 : memref<128xi32, #tpu.memory_space<vmem>>) target_semaphore(%run_scoped3A : memref<!tpu.dma_semaphore, #tpu.memory_space<semaphore_mem>>)
      %dma_wait3A_97 = tpu.memref_slice %arg4[%add3A_44] : memref<335872xi32, #tpu.memory_space<hbm>> -> memref<128xi32, #tpu.memory_space<hbm>>
      %dma_wait3A_98 = tpu.memref_slice %arg4[%add3A_44] : memref<335872xi32, #tpu.memory_space<hbm>> -> memref<128xi32, #tpu.memory_space<hbm>>
      tpu.wait_dma2 semaphore(%run_scoped3A : memref<!tpu.dma_semaphore, #tpu.memory_space<semaphore_mem>>) src(%dma_wait3A_98 : memref<128xi32, #tpu.memory_space<hbm>>) dst(%arg13 : memref<128xi32, #tpu.memory_space<vmem>>)
      tpu.yield
    }) : () -> ()
    "tpu.region"() ({
      %run_scoped3A = tpu.sem_alloc : memref<!tpu.dma_semaphore, #tpu.memory_space<semaphore_mem>>
      %dma_start3A_95 = tpu.memref_slice %arg5[%add3A_44] : memref<335872xi32, #tpu.memory_space<hbm>> -> memref<128xi32, #tpu.memory_space<hbm>>
      %dma_start3A_96 = tpu.memref_slice %arg5[%add3A_44] : memref<335872xi32, #tpu.memory_space<hbm>> -> memref<128xi32, #tpu.memory_space<hbm>>
      tpu.enqueue_dma source(%dma_start3A_96 : memref<128xi32, #tpu.memory_space<hbm>>) target(%arg14 : memref<128xi32, #tpu.memory_space<vmem>>) target_semaphore(%run_scoped3A : memref<!tpu.dma_semaphore, #tpu.memory_space<semaphore_mem>>)
      %dma_wait3A_97 = tpu.memref_slice %arg5[%add3A_44] : memref<335872xi32, #tpu.memory_space<hbm>> -> memref<128xi32, #tpu.memory_space<hbm>>
      %dma_wait3A_98 = tpu.memref_slice %arg5[%add3A_44] : memref<335872xi32, #tpu.memory_space<hbm>> -> memref<128xi32, #tpu.memory_space<hbm>>
      tpu.wait_dma2 semaphore(%run_scoped3A : memref<!tpu.dma_semaphore, #tpu.memory_space<semaphore_mem>>) src(%dma_wait3A_98 : memref<128xi32, #tpu.memory_space<hbm>>) dst(%arg14 : memref<128xi32, #tpu.memory_space<vmem>>)
      tpu.yield
    }) : () -> ()
    "tpu.region"() ({
      %run_scoped3A = tpu.sem_alloc : memref<!tpu.dma_semaphore, #tpu.memory_space<semaphore_mem>>
      %dma_start3A_95 = arith.constant 0 : i32
      %dma_start3A_96 = tpu.memref_slice %arg15[%dma_start3A_95] : memref<144xf32, #tpu.memory_space<vmem>> -> memref<128xf32, #tpu.memory_space<vmem>>
      %dma_start3A_97 = tpu.memref_slice %arg6[%add3A_44] : memref<335872xf32, #tpu.memory_space<hbm>> -> memref<128xf32, #tpu.memory_space<hbm>>
      %dma_start3A_98 = arith.constant 0 : i32
      %dma_start3A_99 = tpu.memref_slice %arg15[%dma_start3A_98] : memref<144xf32, #tpu.memory_space<vmem>> -> memref<128xf32, #tpu.memory_space<vmem>>
      %dma_start3A_100 = tpu.memref_slice %arg6[%add3A_44] : memref<335872xf32, #tpu.memory_space<hbm>> -> memref<128xf32, #tpu.memory_space<hbm>>
      tpu.enqueue_dma source(%dma_start3A_100 : memref<128xf32, #tpu.memory_space<hbm>>) target(%dma_start3A_99 : memref<128xf32, #tpu.memory_space<vmem>>) target_semaphore(%run_scoped3A : memref<!tpu.dma_semaphore, #tpu.memory_space<semaphore_mem>>)
      %dma_wait3A_101 = arith.constant 0 : i32
      %dma_wait3A_102 = tpu.memref_slice %arg15[%dma_wait3A_101] : memref<144xf32, #tpu.memory_space<vmem>> -> memref<128xf32, #tpu.memory_space<vmem>>
      %dma_wait3A_103 = tpu.memref_slice %arg6[%add3A_44] : memref<335872xf32, #tpu.memory_space<hbm>> -> memref<128xf32, #tpu.memory_space<hbm>>
      %dma_wait3A_104 = arith.constant 0 : i32
      %dma_wait3A_105 = tpu.memref_slice %arg15[%dma_wait3A_104] : memref<144xf32, #tpu.memory_space<vmem>> -> memref<128xf32, #tpu.memory_space<vmem>>
      %dma_wait3A_106 = tpu.memref_slice %arg6[%add3A_44] : memref<335872xf32, #tpu.memory_space<hbm>> -> memref<128xf32, #tpu.memory_space<hbm>>
      tpu.wait_dma2 semaphore(%run_scoped3A : memref<!tpu.dma_semaphore, #tpu.memory_space<semaphore_mem>>) src(%dma_wait3A_106 : memref<128xf32, #tpu.memory_space<hbm>>) dst(%dma_wait3A_105 : memref<128xf32, #tpu.memory_space<vmem>>)
      tpu.yield
    }) : () -> ()
    %dma_start3A_45 = arith.constant 0 : i32
    %dma_start3A_46 = arith.constant 0 : i32
    %dma_start3A_47 = tpu.memref_slice %arg2[%dma_start3A_45, %dma_start3A_46] : memref<10000x48xf32, #tpu.memory_space<hbm>> -> memref<10000x48xf32, #tpu.memory_space<hbm>>
    tpu.enqueue_indirect_dma source(%dma_start3A_47 : memref<10000x48xf32, #tpu.memory_space<hbm>>) target(%arg16 : memref<128x48xf32, #tpu.memory_space<vmem>>) offsets(%arg14 : memref<128xi32, #tpu.memory_space<vmem>>) semaphore(%arg22 : memref<!tpu.dma_semaphore, #tpu.memory_space<semaphore_mem>>)
    %dma_start3A_48 = arith.constant 0 : i32
    %dma_start3A_49 = arith.constant 0 : i32
    %dma_start3A_50 = tpu.memref_slice %arg3[%dma_start3A_48, %dma_start3A_49] : memref<10000x16xf32, #tpu.memory_space<hbm>> -> memref<10000x16xf32, #tpu.memory_space<hbm>>
    tpu.enqueue_indirect_dma source(%dma_start3A_50 : memref<10000x16xf32, #tpu.memory_space<hbm>>) target(%arg17 : memref<128x16xf32, #tpu.memory_space<vmem>>) offsets(%arg13 : memref<128xi32, #tpu.memory_space<vmem>>) semaphore(%arg23 : memref<!tpu.dma_semaphore, #tpu.memory_space<semaphore_mem>>)
    %dma_wait3A = arith.constant 0 : i32
    %dma_wait3A_51 = arith.constant 0 : i32
    %dma_wait3A_52 = tpu.memref_slice %arg2[%dma_wait3A, %dma_wait3A_51] : memref<10000x48xf32, #tpu.memory_space<hbm>> -> memref<10000x48xf32, #tpu.memory_space<hbm>>
    tpu.wait_indirect_dma semaphore(%arg20 : memref<!tpu.dma_semaphore, #tpu.memory_space<semaphore_mem>>) src(%dma_wait3A_52 : memref<10000x48xf32, #tpu.memory_space<hbm>>) dst(%arg11 : memref<128x48xf32, #tpu.memory_space<vmem>>)
    %dma_wait3A_53 = arith.constant 0 : i32
    %dma_wait3A_54 = arith.constant 0 : i32
    %dma_wait3A_55 = tpu.memref_slice %arg3[%dma_wait3A_53, %dma_wait3A_54] : memref<10000x16xf32, #tpu.memory_space<hbm>> -> memref<10000x16xf32, #tpu.memory_space<hbm>>
    tpu.wait_indirect_dma semaphore(%arg21 : memref<!tpu.dma_semaphore, #tpu.memory_space<semaphore_mem>>) src(%dma_wait3A_55 : memref<10000x16xf32, #tpu.memory_space<hbm>>) dst(%arg12 : memref<128x16xf32, #tpu.memory_space<vmem>>)
    %scan3A_56 = arith.constant 0 : i32
    %scan3A_57 = arith.constant 0 : i32
    %scan3A_58 = arith.constant 128 : i32
    %scan3A_59 = arith.addi %scan3A_57, %scan3A_58 : i32
    %scan3A_60 = arith.constant 2 : i32
    scf.for %scan3A_95 = %scan3A_57 to %scan3A_59 step %scan3A_60  : i32 {
      %get3A = arith.index_cast %scan3A_95 : i32 to index
      %get3A_96 = arith.constant 0 : index
      %get3A_97 = tpu.vector_load %arg12[%get3A, %get3A_96] {strides = array<i32>} : memref<128x16xf32, #tpu.memory_space<vmem>>, vector<1x16xf32>,
      %get3A_98 = vector.shape_cast %get3A_97 : vector<1x16xf32> to vector<16xf32>
      %get3A_99 = arith.index_cast %scan3A_95 : i32 to index
      %get3A_100 = arith.constant 32 : index
      %get3A_101 = tpu.vector_load %arg11[%get3A_99, %get3A_100] {strides = array<i32>} : memref<128x48xf32, #tpu.memory_space<vmem>>, vector<1x16xf32>,
      %get3A_102 = vector.shape_cast %get3A_101 : vector<1x16xf32> to vector<16xf32>
      %add3A_103 = arith.addf %get3A_98, %get3A_102 : vector<16xf32>
      %mul3A_104 = arith.constant 2.000000e-01 : f32
      %mul3A_105 = vector.broadcast %mul3A_104 : f32 to vector<16xf32>
      %mul3A_106 = arith.mulf %add3A_103, %mul3A_105 : vector<16xf32>
      %max3A = arith.maximumf %add3A_103, %mul3A_106 : vector<16xf32>
      %get3A_107 = arith.index_cast %scan3A_95 : i32 to index
      %get3A_108 = tpu.vector_load %arg10[%get3A_107] {strides = array<i32>} : memref<144xf32, #tpu.memory_space<vmem>>, vector<16xf32>,
      %get3A_109 = vector.shape_cast %get3A_108 : vector<16xf32> to vector<16xf32>
      %exp3A = math.exp %max3A : vector<16xf32>
      %slice3A = vector.extract_strided_slice %get3A_109 {offsets = [0], sizes = [1], strides = [1]} : vector<16xf32> to vector<1xf32>
      %squeeze3A = vector.extract %slice3A[0] : f32 from vector<1xf32>
      %mul3A_110 = vector.broadcast %squeeze3A : f32 to vector<16xf32>
      %mul3A_111 = arith.mulf %exp3A, %mul3A_110 : vector<16xf32>
      %slice3A_112 = vector.extract_strided_slice %mul3A_111 {offsets = [0], sizes = [1], strides = [1]} : vector<16xf32> to vector<1xf32>
      %squeeze3A_113 = vector.extract %slice3A_112[0] : f32 from vector<1xf32>
      %get3A_114 = arith.index_cast %scan3A_95 : i32 to index
      %get3A_115 = arith.constant 0 : index
      %get3A_116 = tpu.vector_load %arg11[%get3A_114, %get3A_115] {strides = array<i32>} : memref<128x48xf32, #tpu.memory_space<vmem>>, vector<1x16xf32>,
      %get3A_117 = vector.shape_cast %get3A_116 : vector<1x16xf32> to vector<16xf32>
      %mul3A_118 = vector.broadcast %squeeze3A_113 : f32 to vector<16xf32>
      %mul3A_119 = arith.mulf %get3A_117, %mul3A_118 : vector<16xf32>
      %swap3A = arith.index_cast %scan3A_95 : i32 to index
      %swap3A_120 = arith.constant 0 : index
      %swap3A_121 = tpu.vector_load %arg11[%swap3A, %swap3A_120] {strides = array<i32>} : memref<128x48xf32, #tpu.memory_space<vmem>>, vector<1x16xf32>,
      %swap3A_122 = vector.shape_cast %swap3A_121 : vector<1x16xf32> to vector<16xf32>
      %swap3A_123 = vector.shape_cast %mul3A_119 : vector<16xf32> to vector<1x16xf32>
      tpu.vector_store %arg11[%swap3A, %swap3A_120], %swap3A_123 {strides = array<i32>} : memref<128x48xf32, #tpu.memory_space<vmem>>, vector<1x16xf32>,
      %get3A_124 = arith.index_cast %scan3A_95 : i32 to index
      %get3A_125 = arith.constant 16 : index
      %get3A_126 = tpu.vector_load %arg11[%get3A_124, %get3A_125] {strides = array<i32>} : memref<128x48xf32, #tpu.memory_space<vmem>>, vector<1x16xf32>,
      %get3A_127 = vector.shape_cast %get3A_126 : vector<1x16xf32> to vector<16xf32>
      %mul3A_128 = vector.broadcast %squeeze3A_113 : f32 to vector<16xf32>
      %mul3A_129 = arith.mulf %get3A_127, %mul3A_128 : vector<16xf32>
      %swap3A_130 = arith.index_cast %scan3A_95 : i32 to index
      %swap3A_131 = arith.constant 16 : index
      %swap3A_132 = tpu.vector_load %arg11[%swap3A_130, %swap3A_131] {strides = array<i32>} : memref<128x48xf32, #tpu.memory_space<vmem>>, vector<1x16xf32>,
      %swap3A_133 = vector.shape_cast %swap3A_132 : vector<1x16xf32> to vector<16xf32>
      %swap3A_134 = vector.shape_cast %mul3A_129 : vector<16xf32> to vector<1x16xf32>
      tpu.vector_store %arg11[%swap3A_130, %swap3A_131], %swap3A_134 {strides = array<i32>} : memref<128x48xf32, #tpu.memory_space<vmem>>, vector<1x16xf32>,
      %swap3A_135 = arith.index_cast %scan3A_95 : i32 to index
      %swap3A_136 = arith.constant 32 : index
      %swap3A_137 = tpu.vector_load %arg11[%swap3A_135, %swap3A_136] {strides = array<i32>} : memref<128x48xf32, #tpu.memory_space<vmem>>, vector<1x16xf32>,
      %swap3A_138 = vector.shape_cast %swap3A_137 : vector<1x16xf32> to vector<16xf32>
      %swap3A_139 = vector.shape_cast %mul3A_111 : vector<16xf32> to vector<1x16xf32>
      tpu.vector_store %arg11[%swap3A_135, %swap3A_136], %swap3A_139 {strides = array<i32>} : memref<128x48xf32, #tpu.memory_space<vmem>>, vector<1x16xf32>,
      %scan3A_140 = arith.constant 1 : i32
      %scan3A_141 = arith.addi %scan3A_95, %scan3A_140 : i32
      %get3A_142 = arith.index_cast %scan3A_141 : i32 to index
      %get3A_143 = arith.constant 0 : index
      %get3A_144 = tpu.vector_load %arg12[%get3A_142, %get3A_143] {strides = array<i32>} : memref<128x16xf32, #tpu.memory_space<vmem>>, vector<1x16xf32>,
      %get3A_145 = vector.shape_cast %get3A_144 : vector<1x16xf32> to vector<16xf32>
      %get3A_146 = arith.index_cast %scan3A_141 : i32 to index
      %get3A_147 = arith.constant 32 : index
      %get3A_148 = tpu.vector_load %arg11[%get3A_146, %get3A_147] {strides = array<i32>} : memref<128x48xf32, #tpu.memory_space<vmem>>, vector<1x16xf32>,
      %get3A_149 = vector.shape_cast %get3A_148 : vector<1x16xf32> to vector<16xf32>
      %add3A_150 = arith.addf %get3A_145, %get3A_149 : vector<16xf32>
      %mul3A_151 = arith.constant 2.000000e-01 : f32
      %mul3A_152 = vector.broadcast %mul3A_151 : f32 to vector<16xf32>
      %mul3A_153 = arith.mulf %add3A_150, %mul3A_152 : vector<16xf32>
      %max3A_154 = arith.maximumf %add3A_150, %mul3A_153 : vector<16xf32>
      %get3A_155 = arith.index_cast %scan3A_141 : i32 to index
      %get3A_156 = tpu.vector_load %arg10[%get3A_155] {strides = array<i32>} : memref<144xf32, #tpu.memory_space<vmem>>, vector<16xf32>,
      %get3A_157 = vector.shape_cast %get3A_156 : vector<16xf32> to vector<16xf32>
      %exp3A_158 = math.exp %max3A_154 : vector<16xf32>
      %slice3A_159 = vector.extract_strided_slice %get3A_157 {offsets = [0], sizes = [1], strides = [1]} : vector<16xf32> to vector<1xf32>
      %squeeze3A_160 = vector.extract %slice3A_159[0] : f32 from vector<1xf32>
      %mul3A_161 = vector.broadcast %squeeze3A_160 : f32 to vector<16xf32>
      %mul3A_162 = arith.mulf %exp3A_158, %mul3A_161 : vector<16xf32>
      %slice3A_163 = vector.extract_strided_slice %mul3A_162 {offsets = [0], sizes = [1], strides = [1]} : vector<16xf32> to vector<1xf32>
      %squeeze3A_164 = vector.extract %slice3A_163[0] : f32 from vector<1xf32>
      %get3A_165 = arith.index_cast %scan3A_141 : i32 to index
      %get3A_166 = arith.constant 0 : index
      %get3A_167 = tpu.vector_load %arg11[%get3A_165, %get3A_166] {strides = array<i32>} : memref<128x48xf32, #tpu.memory_space<vmem>>, vector<1x16xf32>,
      %get3A_168 = vector.shape_cast %get3A_167 : vector<1x16xf32> to vector<16xf32>
      %mul3A_169 = vector.broadcast %squeeze3A_164 : f32 to vector<16xf32>
      %mul3A_170 = arith.mulf %get3A_168, %mul3A_169 : vector<16xf32>
      %swap3A_171 = arith.index_cast %scan3A_141 : i32 to index
      %swap3A_172 = arith.constant 0 : index
      %swap3A_173 = tpu.vector_load %arg11[%swap3A_171, %swap3A_172] {strides = array<i32>} : memref<128x48xf32, #tpu.memory_space<vmem>>, vector<1x16xf32>,
      %swap3A_174 = vector.shape_cast %swap3A_173 : vector<1x16xf32> to vector<16xf32>
      %swap3A_175 = vector.shape_cast %mul3A_170 : vector<16xf32> to vector<1x16xf32>
      tpu.vector_store %arg11[%swap3A_171, %swap3A_172], %swap3A_175 {strides = array<i32>} : memref<128x48xf32, #tpu.memory_space<vmem>>, vector<1x16xf32>,
      %get3A_176 = arith.index_cast %scan3A_141 : i32 to index
      %get3A_177 = arith.constant 16 : index
      %get3A_178 = tpu.vector_load %arg11[%get3A_176, %get3A_177] {strides = array<i32>} : memref<128x48xf32, #tpu.memory_space<vmem>>, vector<1x16xf32>,
      %get3A_179 = vector.shape_cast %get3A_178 : vector<1x16xf32> to vector<16xf32>
      %mul3A_180 = vector.broadcast %squeeze3A_164 : f32 to vector<16xf32>
      %mul3A_181 = arith.mulf %get3A_179, %mul3A_180 : vector<16xf32>
      %swap3A_182 = arith.index_cast %scan3A_141 : i32 to index
      %swap3A_183 = arith.constant 16 : index
      %swap3A_184 = tpu.vector_load %arg11[%swap3A_182, %swap3A_183] {strides = array<i32>} : memref<128x48xf32, #tpu.memory_space<vmem>>, vector<1x16xf32>,
      %swap3A_185 = vector.shape_cast %swap3A_184 : vector<1x16xf32> to vector<16xf32>
      %swap3A_186 = vector.shape_cast %mul3A_181 : vector<16xf32> to vector<1x16xf32>
      tpu.vector_store %arg11[%swap3A_182, %swap3A_183], %swap3A_186 {strides = array<i32>} : memref<128x48xf32, #tpu.memory_space<vmem>>, vector<1x16xf32>,
      %swap3A_187 = arith.index_cast %scan3A_141 : i32 to index
      %swap3A_188 = arith.constant 32 : index
      %swap3A_189 = tpu.vector_load %arg11[%swap3A_187, %swap3A_188] {strides = array<i32>} : memref<128x48xf32, #tpu.memory_space<vmem>>, vector<1x16xf32>,
      %swap3A_190 = vector.shape_cast %swap3A_189 : vector<1x16xf32> to vector<16xf32>
      %swap3A_191 = vector.shape_cast %mul3A_162 : vector<16xf32> to vector<1x16xf32>
      tpu.vector_store %arg11[%swap3A_187, %swap3A_188], %swap3A_191 {strides = array<i32>} : memref<128x48xf32, #tpu.memory_space<vmem>>, vector<1x16xf32>,
    }
    %scan3A_61 = arith.constant 128 : i32
    "tpu.region"() ({
      %run_scoped3A = tpu.sem_alloc : memref<!tpu.dma_semaphore, #tpu.memory_space<semaphore_mem>>
      %dma_start3A_95 = arith.constant 0 : i32
      %dma_start3A_96 = arith.constant 0 : i32
      %dma_start3A_97 = tpu.memref_slice %arg19[%dma_start3A_95, %dma_start3A_96] : memref<10000x48xf32, #tpu.memory_space<vmem_shared>> -> memref<10000x48xf32, #tpu.memory_space<vmem_shared>>
      tpu.enqueue_indirect_dma source(%arg11 : memref<128x48xf32, #tpu.memory_space<vmem>>) target(%dma_start3A_97 : memref<10000x48xf32, #tpu.memory_space<vmem_shared>>) offsets(%arg8 : memref<128xi32, #tpu.memory_space<vmem>>) semaphore(%run_scoped3A : memref<!tpu.dma_semaphore, #tpu.memory_space<semaphore_mem>>) {add = true}
      %dma_wait3A_98 = arith.constant 0 : i32
      %dma_wait3A_99 = arith.constant 0 : i32
      %dma_wait3A_100 = tpu.memref_slice %arg19[%dma_wait3A_98, %dma_wait3A_99] : memref<10000x48xf32, #tpu.memory_space<vmem_shared>> -> memref<10000x48xf32, #tpu.memory_space<vmem_shared>>
      tpu.wait_indirect_dma semaphore(%run_scoped3A : memref<!tpu.dma_semaphore, #tpu.memory_space<semaphore_mem>>) src(%arg11 : memref<128x48xf32, #tpu.memory_space<vmem>>) dst(%dma_wait3A_100 : memref<10000x48xf32, #tpu.memory_space<vmem_shared>>)
      tpu.yield
    }) : () -> ()
    %dma_wait3A_62 = arith.constant 0 : i32
    %dma_wait3A_63 = arith.constant 0 : i32
    %dma_wait3A_64 = tpu.memref_slice %arg2[%dma_wait3A_62, %dma_wait3A_63] : memref<10000x48xf32, #tpu.memory_space<hbm>> -> memref<10000x48xf32, #tpu.memory_space<hbm>>
    tpu.wait_indirect_dma semaphore(%arg22 : memref<!tpu.dma_semaphore, #tpu.memory_space<semaphore_mem>>) src(%dma_wait3A_64 : memref<10000x48xf32, #tpu.memory_space<hbm>>) dst(%arg16 : memref<128x48xf32, #tpu.memory_space<vmem>>)
    %dma_wait3A_65 = arith.constant 0 : i32
    %dma_wait3A_66 = arith.constant 0 : i32
    %dma_wait3A_67 = tpu.memref_slice %arg3[%dma_wait3A_65, %dma_wait3A_66] : memref<10000x16xf32, #tpu.memory_space<hbm>> -> memref<10000x16xf32, #tpu.memory_space<hbm>>
    tpu.wait_indirect_dma semaphore(%arg23 : memref<!tpu.dma_semaphore, #tpu.memory_space<semaphore_mem>>) src(%dma_wait3A_67 : memref<10000x16xf32, #tpu.memory_space<hbm>>) dst(%arg17 : memref<128x16xf32, #tpu.memory_space<vmem>>)
    %scan3A_68 = arith.constant 0 : i32
    %scan3A_69 = arith.constant 0 : i32
    %scan3A_70 = arith.constant 128 : i32
    %scan3A_71 = arith.addi %scan3A_69, %scan3A_70 : i32
    %scan3A_72 = arith.constant 2 : i32
    scf.for %scan3A_95 = %scan3A_69 to %scan3A_71 step %scan3A_72  : i32 {
      %get3A = arith.index_cast %scan3A_95 : i32 to index
      %get3A_96 = arith.constant 0 : index
      %get3A_97 = tpu.vector_load %arg17[%get3A, %get3A_96] {strides = array<i32>} : memref<128x16xf32, #tpu.memory_space<vmem>>, vector<1x16xf32>,
      %get3A_98 = vector.shape_cast %get3A_97 : vector<1x16xf32> to vector<16xf32>
      %get3A_99 = arith.index_cast %scan3A_95 : i32 to index
      %get3A_100 = arith.constant 32 : index
      %get3A_101 = tpu.vector_load %arg16[%get3A_99, %get3A_100] {strides = array<i32>} : memref<128x48xf32, #tpu.memory_space<vmem>>, vector<1x16xf32>,
      %get3A_102 = vector.shape_cast %get3A_101 : vector<1x16xf32> to vector<16xf32>
      %add3A_103 = arith.addf %get3A_98, %get3A_102 : vector<16xf32>
      %mul3A_104 = arith.constant 2.000000e-01 : f32
      %mul3A_105 = vector.broadcast %mul3A_104 : f32 to vector<16xf32>
      %mul3A_106 = arith.mulf %add3A_103, %mul3A_105 : vector<16xf32>
      %max3A = arith.maximumf %add3A_103, %mul3A_106 : vector<16xf32>
      %get3A_107 = arith.index_cast %scan3A_95 : i32 to index
      %get3A_108 = tpu.vector_load %arg15[%get3A_107] {strides = array<i32>} : memref<144xf32, #tpu.memory_space<vmem>>, vector<16xf32>,
      %get3A_109 = vector.shape_cast %get3A_108 : vector<16xf32> to vector<16xf32>
      %exp3A = math.exp %max3A : vector<16xf32>
      %slice3A = vector.extract_strided_slice %get3A_109 {offsets = [0], sizes = [1], strides = [1]} : vector<16xf32> to vector<1xf32>
      %squeeze3A = vector.extract %slice3A[0] : f32 from vector<1xf32>
      %mul3A_110 = vector.broadcast %squeeze3A : f32 to vector<16xf32>
      %mul3A_111 = arith.mulf %exp3A, %mul3A_110 : vector<16xf32>
      %slice3A_112 = vector.extract_strided_slice %mul3A_111 {offsets = [0], sizes = [1], strides = [1]} : vector<16xf32> to vector<1xf32>
      %squeeze3A_113 = vector.extract %slice3A_112[0] : f32 from vector<1xf32>
      %get3A_114 = arith.index_cast %scan3A_95 : i32 to index
      %get3A_115 = arith.constant 0 : index
      %get3A_116 = tpu.vector_load %arg16[%get3A_114, %get3A_115] {strides = array<i32>} : memref<128x48xf32, #tpu.memory_space<vmem>>, vector<1x16xf32>,
      %get3A_117 = vector.shape_cast %get3A_116 : vector<1x16xf32> to vector<16xf32>
      %mul3A_118 = vector.broadcast %squeeze3A_113 : f32 to vector<16xf32>
      %mul3A_119 = arith.mulf %get3A_117, %mul3A_118 : vector<16xf32>
      %swap3A = arith.index_cast %scan3A_95 : i32 to index
      %swap3A_120 = arith.constant 0 : index
      %swap3A_121 = tpu.vector_load %arg16[%swap3A, %swap3A_120] {strides = array<i32>} : memref<128x48xf32, #tpu.memory_space<vmem>>, vector<1x16xf32>,
      %swap3A_122 = vector.shape_cast %swap3A_121 : vector<1x16xf32> to vector<16xf32>
      %swap3A_123 = vector.shape_cast %mul3A_119 : vector<16xf32> to vector<1x16xf32>
      tpu.vector_store %arg16[%swap3A, %swap3A_120], %swap3A_123 {strides = array<i32>} : memref<128x48xf32, #tpu.memory_space<vmem>>, vector<1x16xf32>,
      %get3A_124 = arith.index_cast %scan3A_95 : i32 to index
      %get3A_125 = arith.constant 16 : index
      %get3A_126 = tpu.vector_load %arg16[%get3A_124, %get3A_125] {strides = array<i32>} : memref<128x48xf32, #tpu.memory_space<vmem>>, vector<1x16xf32>,
      %get3A_127 = vector.shape_cast %get3A_126 : vector<1x16xf32> to vector<16xf32>
      %mul3A_128 = vector.broadcast %squeeze3A_113 : f32 to vector<16xf32>
      %mul3A_129 = arith.mulf %get3A_127, %mul3A_128 : vector<16xf32>
      %swap3A_130 = arith.index_cast %scan3A_95 : i32 to index
      %swap3A_131 = arith.constant 16 : index
      %swap3A_132 = tpu.vector_load %arg16[%swap3A_130, %swap3A_131] {strides = array<i32>} : memref<128x48xf32, #tpu.memory_space<vmem>>, vector<1x16xf32>,
      %swap3A_133 = vector.shape_cast %swap3A_132 : vector<1x16xf32> to vector<16xf32>
      %swap3A_134 = vector.shape_cast %mul3A_129 : vector<16xf32> to vector<1x16xf32>
      tpu.vector_store %arg16[%swap3A_130, %swap3A_131], %swap3A_134 {strides = array<i32>} : memref<128x48xf32, #tpu.memory_space<vmem>>, vector<1x16xf32>,
      %swap3A_135 = arith.index_cast %scan3A_95 : i32 to index
      %swap3A_136 = arith.constant 32 : index
      %swap3A_137 = tpu.vector_load %arg16[%swap3A_135, %swap3A_136] {strides = array<i32>} : memref<128x48xf32, #tpu.memory_space<vmem>>, vector<1x16xf32>,
      %swap3A_138 = vector.shape_cast %swap3A_137 : vector<1x16xf32> to vector<16xf32>
      %swap3A_139 = vector.shape_cast %mul3A_111 : vector<16xf32> to vector<1x16xf32>
      tpu.vector_store %arg16[%swap3A_135, %swap3A_136], %swap3A_139 {strides = array<i32>} : memref<128x48xf32, #tpu.memory_space<vmem>>, vector<1x16xf32>,
      %scan3A_140 = arith.constant 1 : i32
      %scan3A_141 = arith.addi %scan3A_95, %scan3A_140 : i32
      %get3A_142 = arith.index_cast %scan3A_141 : i32 to index
      %get3A_143 = arith.constant 0 : index
      %get3A_144 = tpu.vector_load %arg17[%get3A_142, %get3A_143] {strides = array<i32>} : memref<128x16xf32, #tpu.memory_space<vmem>>, vector<1x16xf32>,
      %get3A_145 = vector.shape_cast %get3A_144 : vector<1x16xf32> to vector<16xf32>
      %get3A_146 = arith.index_cast %scan3A_141 : i32 to index
      %get3A_147 = arith.constant 32 : index
      %get3A_148 = tpu.vector_load %arg16[%get3A_146, %get3A_147] {strides = array<i32>} : memref<128x48xf32, #tpu.memory_space<vmem>>, vector<1x16xf32>,
      %get3A_149 = vector.shape_cast %get3A_148 : vector<1x16xf32> to vector<16xf32>
      %add3A_150 = arith.addf %get3A_145, %get3A_149 : vector<16xf32>
      %mul3A_151 = arith.constant 2.000000e-01 : f32
      %mul3A_152 = vector.broadcast %mul3A_151 : f32 to vector<16xf32>
      %mul3A_153 = arith.mulf %add3A_150, %mul3A_152 : vector<16xf32>
      %max3A_154 = arith.maximumf %add3A_150, %mul3A_153 : vector<16xf32>
      %get3A_155 = arith.index_cast %scan3A_141 : i32 to index
      %get3A_156 = tpu.vector_load %arg15[%get3A_155] {strides = array<i32>} : memref<144xf32, #tpu.memory_space<vmem>>, vector<16xf32>,
      %get3A_157 = vector.shape_cast %get3A_156 : vector<16xf32> to vector<16xf32>
      %exp3A_158 = math.exp %max3A_154 : vector<16xf32>
      %slice3A_159 = vector.extract_strided_slice %get3A_157 {offsets = [0], sizes = [1], strides = [1]} : vector<16xf32> to vector<1xf32>
      %squeeze3A_160 = vector.extract %slice3A_159[0] : f32 from vector<1xf32>
      %mul3A_161 = vector.broadcast %squeeze3A_160 : f32 to vector<16xf32>
      %mul3A_162 = arith.mulf %exp3A_158, %mul3A_161 : vector<16xf32>
      %slice3A_163 = vector.extract_strided_slice %mul3A_162 {offsets = [0], sizes = [1], strides = [1]} : vector<16xf32> to vector<1xf32>
      %squeeze3A_164 = vector.extract %slice3A_163[0] : f32 from vector<1xf32>
      %get3A_165 = arith.index_cast %scan3A_141 : i32 to index
      %get3A_166 = arith.constant 0 : index
      %get3A_167 = tpu.vector_load %arg16[%get3A_165, %get3A_166] {strides = array<i32>} : memref<128x48xf32, #tpu.memory_space<vmem>>, vector<1x16xf32>,
      %get3A_168 = vector.shape_cast %get3A_167 : vector<1x16xf32> to vector<16xf32>
      %mul3A_169 = vector.broadcast %squeeze3A_164 : f32 to vector<16xf32>
      %mul3A_170 = arith.mulf %get3A_168, %mul3A_169 : vector<16xf32>
      %swap3A_171 = arith.index_cast %scan3A_141 : i32 to index
      %swap3A_172 = arith.constant 0 : index
      %swap3A_173 = tpu.vector_load %arg16[%swap3A_171, %swap3A_172] {strides = array<i32>} : memref<128x48xf32, #tpu.memory_space<vmem>>, vector<1x16xf32>,
      %swap3A_174 = vector.shape_cast %swap3A_173 : vector<1x16xf32> to vector<16xf32>
      %swap3A_175 = vector.shape_cast %mul3A_170 : vector<16xf32> to vector<1x16xf32>
      tpu.vector_store %arg16[%swap3A_171, %swap3A_172], %swap3A_175 {strides = array<i32>} : memref<128x48xf32, #tpu.memory_space<vmem>>, vector<1x16xf32>,
      %get3A_176 = arith.index_cast %scan3A_141 : i32 to index
      %get3A_177 = arith.constant 16 : index
      %get3A_178 = tpu.vector_load %arg16[%get3A_176, %get3A_177] {strides = array<i32>} : memref<128x48xf32, #tpu.memory_space<vmem>>, vector<1x16xf32>,
      %get3A_179 = vector.shape_cast %get3A_178 : vector<1x16xf32> to vector<16xf32>
      %mul3A_180 = vector.broadcast %squeeze3A_164 : f32 to vector<16xf32>
      %mul3A_181 = arith.mulf %get3A_179, %mul3A_180 : vector<16xf32>
      %swap3A_182 = arith.index_cast %scan3A_141 : i32 to index
      %swap3A_183 = arith.constant 16 : index
      %swap3A_184 = tpu.vector_load %arg16[%swap3A_182, %swap3A_183] {strides = array<i32>} : memref<128x48xf32, #tpu.memory_space<vmem>>, vector<1x16xf32>,
      %swap3A_185 = vector.shape_cast %swap3A_184 : vector<1x16xf32> to vector<16xf32>
      %swap3A_186 = vector.shape_cast %mul3A_181 : vector<16xf32> to vector<1x16xf32>
      tpu.vector_store %arg16[%swap3A_182, %swap3A_183], %swap3A_186 {strides = array<i32>} : memref<128x48xf32, #tpu.memory_space<vmem>>, vector<1x16xf32>,
      %swap3A_187 = arith.index_cast %scan3A_141 : i32 to index
      %swap3A_188 = arith.constant 32 : index
      %swap3A_189 = tpu.vector_load %arg16[%swap3A_187, %swap3A_188] {strides = array<i32>} : memref<128x48xf32, #tpu.memory_space<vmem>>, vector<1x16xf32>,
      %swap3A_190 = vector.shape_cast %swap3A_189 : vector<1x16xf32> to vector<16xf32>
      %swap3A_191 = vector.shape_cast %mul3A_162 : vector<16xf32> to vector<1x16xf32>
      tpu.vector_store %arg16[%swap3A_187, %swap3A_188], %swap3A_191 {strides = array<i32>} : memref<128x48xf32, #tpu.memory_space<vmem>>, vector<1x16xf32>,
    }
    %scan3A_73 = arith.constant 128 : i32
    "tpu.region"() ({
      %run_scoped3A = tpu.sem_alloc : memref<!tpu.dma_semaphore, #tpu.memory_space<semaphore_mem>>
      %dma_start3A_95 = arith.constant 0 : i32
      %dma_start3A_96 = arith.constant 0 : i32
      %dma_start3A_97 = tpu.memref_slice %arg19[%dma_start3A_95, %dma_start3A_96] : memref<10000x48xf32, #tpu.memory_space<vmem_shared>> -> memref<10000x48xf32, #tpu.memory_space<vmem_shared>>
      tpu.enqueue_indirect_dma source(%arg16 : memref<128x48xf32, #tpu.memory_space<vmem>>) target(%dma_start3A_97 : memref<10000x48xf32, #tpu.memory_space<vmem_shared>>) offsets(%arg13 : memref<128xi32, #tpu.memory_space<vmem>>) semaphore(%run_scoped3A : memref<!tpu.dma_semaphore, #tpu.memory_space<semaphore_mem>>) {add = true}
      %dma_wait3A_98 = arith.constant 0 : i32
      %dma_wait3A_99 = arith.constant 0 : i32
      %dma_wait3A_100 = tpu.memref_slice %arg19[%dma_wait3A_98, %dma_wait3A_99] : memref<10000x48xf32, #tpu.memory_space<vmem_shared>> -> memref<10000x48xf32, #tpu.memory_space<vmem_shared>>
      tpu.wait_indirect_dma semaphore(%run_scoped3A : memref<!tpu.dma_semaphore, #tpu.memory_space<semaphore_mem>>) src(%arg16 : memref<128x48xf32, #tpu.memory_space<vmem>>) dst(%dma_wait3A_100 : memref<10000x48xf32, #tpu.memory_space<vmem_shared>>)
      tpu.yield
    }) : () -> ()
    %barrier3A_74 = arith.constant 0 : index
    tpu.barrier barrier_id(%barrier3A_74)
    %mul3A_75 = arith.constant 625 : i32
    %mul3A_76 = arith.muli %arg1, %mul3A_75 : i32
    %add3A_77 = arith.constant 0 : i32
    %add3A_78 = arith.addi %mul3A_76, %add3A_77 : i32
    "tpu.region"() ({
      %run_scoped3A = tpu.sem_alloc : memref<!tpu.dma_semaphore, #tpu.memory_space<semaphore_mem>>
      %dma_start3A_95 = arith.constant 0 : i32
      %dma_start3A_96 = tpu.memref_slice %arg7[%arg0, %add3A_78, %dma_start3A_95] : memref<2x10000x48xf32, #tpu.memory_space<hbm>> -> memref<1x125x48xf32, #tpu.memory_space<hbm>>
      %dma_start3A_97 = tpu.memref_squeeze %dma_start3A_96 : memref<1x125x48xf32, #tpu.memory_space<hbm>> -> memref<125x48xf32, #tpu.memory_space<hbm>>
      %dma_start3A_98 = arith.constant 0 : i32
      %dma_start3A_99 = tpu.memref_slice %arg19[%add3A_78, %dma_start3A_98] : memref<10000x48xf32, #tpu.memory_space<vmem_shared>> -> memref<125x48xf32, #tpu.memory_space<vmem_shared>>
      tpu.enqueue_dma source(%dma_start3A_99 : memref<125x48xf32, #tpu.memory_space<vmem_shared>>) target(%dma_start3A_97 : memref<125x48xf32, #tpu.memory_space<hbm>>) target_semaphore(%run_scoped3A : memref<!tpu.dma_semaphore, #tpu.memory_space<semaphore_mem>>)
      %dma_wait3A_100 = arith.constant 0 : i32
      %dma_wait3A_101 = tpu.memref_slice %arg7[%arg0, %add3A_78, %dma_wait3A_100] : memref<2x10000x48xf32, #tpu.memory_space<hbm>> -> memref<1x125x48xf32, #tpu.memory_space<hbm>>
      %dma_wait3A_102 = tpu.memref_squeeze %dma_wait3A_101 : memref<1x125x48xf32, #tpu.memory_space<hbm>> -> memref<125x48xf32, #tpu.memory_space<hbm>>
      %dma_wait3A_103 = arith.constant 0 : i32
      %dma_wait3A_104 = tpu.memref_slice %arg19[%add3A_78, %dma_wait3A_103] : memref<10000x48xf32, #tpu.memory_space<vmem_shared>> -> memref<125x48xf32, #tpu.memory_space<vmem_shared>>
      tpu.wait_dma2 semaphore(%run_scoped3A : memref<!tpu.dma_semaphore, #tpu.memory_space<semaphore_mem>>) src(%dma_wait3A_104 : memref<125x48xf32, #tpu.memory_space<vmem_shared>>) dst(%dma_wait3A_102 : memref<125x48xf32, #tpu.memory_space<hbm>>)
      tpu.yield
    }) : () -> ()
    %mul3A_79 = arith.constant 625 : i32
    %mul3A_80 = arith.muli %arg1, %mul3A_79 : i32
    %add3A_81 = arith.constant 125 : i32
    %add3A_82 = arith.addi %mul3A_80, %add3A_81 : i32
    "tpu.region"() ({
      %run_scoped3A = tpu.sem_alloc : memref<!tpu.dma_semaphore, #tpu.memory_space<semaphore_mem>>
      %dma_start3A_95 = arith.constant 0 : i32
      %dma_start3A_96 = tpu.memref_slice %arg7[%arg0, %add3A_82, %dma_start3A_95] : memref<2x10000x48xf32, #tpu.memory_space<hbm>> -> memref<1x125x48xf32, #tpu.memory_space<hbm>>
      %dma_start3A_97 = tpu.memref_squeeze %dma_start3A_96 : memref<1x125x48xf32, #tpu.memory_space<hbm>> -> memref<125x48xf32, #tpu.memory_space<hbm>>
      %dma_start3A_98 = arith.constant 0 : i32
      %dma_start3A_99 = tpu.memref_slice %arg19[%add3A_82, %dma_start3A_98] : memref<10000x48xf32, #tpu.memory_space<vmem_shared>> -> memref<125x48xf32, #tpu.memory_space<vmem_shared>>
      tpu.enqueue_dma source(%dma_start3A_99 : memref<125x48xf32, #tpu.memory_space<vmem_shared>>) target(%dma_start3A_97 : memref<125x48xf32, #tpu.memory_space<hbm>>) target_semaphore(%run_scoped3A : memref<!tpu.dma_semaphore, #tpu.memory_space<semaphore_mem>>)
      %dma_wait3A_100 = arith.constant 0 : i32
      %dma_wait3A_101 = tpu.memref_slice %arg7[%arg0, %add3A_82, %dma_wait3A_100] : memref<2x10000x48xf32, #tpu.memory_space<hbm>> -> memref<1x125x48xf32, #tpu.memory_space<hbm>>
      %dma_wait3A_102 = tpu.memref_squeeze %dma_wait3A_101 : memref<1x125x48xf32, #tpu.memory_space<hbm>> -> memref<125x48xf32, #tpu.memory_space<hbm>>
      %dma_wait3A_103 = arith.constant 0 : i32
      %dma_wait3A_104 = tpu.memref_slice %arg19[%add3A_82, %dma_wait3A_103] : memref<10000x48xf32, #tpu.memory_space<vmem_shared>> -> memref<125x48xf32, #tpu.memory_space<vmem_shared>>
      tpu.wait_dma2 semaphore(%run_scoped3A : memref<!tpu.dma_semaphore, #tpu.memory_space<semaphore_mem>>) src(%dma_wait3A_104 : memref<125x48xf32, #tpu.memory_space<vmem_shared>>) dst(%dma_wait3A_102 : memref<125x48xf32, #tpu.memory_space<hbm>>)
      tpu.yield
    }) : () -> ()
    %mul3A_83 = arith.constant 625 : i32
    %mul3A_84 = arith.muli %arg1, %mul3A_83 : i32
    %add3A_85 = arith.constant 250 : i32
    %add3A_86 = arith.addi %mul3A_84, %add3A_85 : i32
    "tpu.region"() ({
      %run_scoped3A = tpu.sem_alloc : memref<!tpu.dma_semaphore, #tpu.memory_space<semaphore_mem>>
      %dma_start3A_95 = arith.constant 0 : i32
      %dma_start3A_96 = tpu.memref_slice %arg7[%arg0, %add3A_86, %dma_start3A_95] : memref<2x10000x48xf32, #tpu.memory_space<hbm>> -> memref<1x125x48xf32, #tpu.memory_space<hbm>>
      %dma_start3A_97 = tpu.memref_squeeze %dma_start3A_96 : memref<1x125x48xf32, #tpu.memory_space<hbm>> -> memref<125x48xf32, #tpu.memory_space<hbm>>
      %dma_start3A_98 = arith.constant 0 : i32
      %dma_start3A_99 = tpu.memref_slice %arg19[%add3A_86, %dma_start3A_98] : memref<10000x48xf32, #tpu.memory_space<vmem_shared>> -> memref<125x48xf32, #tpu.memory_space<vmem_shared>>
      tpu.enqueue_dma source(%dma_start3A_99 : memref<125x48xf32, #tpu.memory_space<vmem_shared>>) target(%dma_start3A_97 : memref<125x48xf32, #tpu.memory_space<hbm>>) target_semaphore(%run_scoped3A : memref<!tpu.dma_semaphore, #tpu.memory_space<semaphore_mem>>)
      %dma_wait3A_100 = arith.constant 0 : i32
      %dma_wait3A_101 = tpu.memref_slice %arg7[%arg0, %add3A_86, %dma_wait3A_100] : memref<2x10000x48xf32, #tpu.memory_space<hbm>> -> memref<1x125x48xf32, #tpu.memory_space<hbm>>
      %dma_wait3A_102 = tpu.memref_squeeze %dma_wait3A_101 : memref<1x125x48xf32, #tpu.memory_space<hbm>> -> memref<125x48xf32, #tpu.memory_space<hbm>>
      %dma_wait3A_103 = arith.constant 0 : i32
      %dma_wait3A_104 = tpu.memref_slice %arg19[%add3A_86, %dma_wait3A_103] : memref<10000x48xf32, #tpu.memory_space<vmem_shared>> -> memref<125x48xf32, #tpu.memory_space<vmem_shared>>
      tpu.wait_dma2 semaphore(%run_scoped3A : memref<!tpu.dma_semaphore, #tpu.memory_space<semaphore_mem>>) src(%dma_wait3A_104 : memref<125x48xf32, #tpu.memory_space<vmem_shared>>) dst(%dma_wait3A_102 : memref<125x48xf32, #tpu.memory_space<hbm>>)
      tpu.yield
    }) : () -> ()
    %mul3A_87 = arith.constant 625 : i32
    %mul3A_88 = arith.muli %arg1, %mul3A_87 : i32
    %add3A_89 = arith.constant 375 : i32
    %add3A_90 = arith.addi %mul3A_88, %add3A_89 : i32
    "tpu.region"() ({
      %run_scoped3A = tpu.sem_alloc : memref<!tpu.dma_semaphore, #tpu.memory_space<semaphore_mem>>
      %dma_start3A_95 = arith.constant 0 : i32
      %dma_start3A_96 = tpu.memref_slice %arg7[%arg0, %add3A_90, %dma_start3A_95] : memref<2x10000x48xf32, #tpu.memory_space<hbm>> -> memref<1x125x48xf32, #tpu.memory_space<hbm>>
      %dma_start3A_97 = tpu.memref_squeeze %dma_start3A_96 : memref<1x125x48xf32, #tpu.memory_space<hbm>> -> memref<125x48xf32, #tpu.memory_space<hbm>>
      %dma_start3A_98 = arith.constant 0 : i32
      %dma_start3A_99 = tpu.memref_slice %arg19[%add3A_90, %dma_start3A_98] : memref<10000x48xf32, #tpu.memory_space<vmem_shared>> -> memref<125x48xf32, #tpu.memory_space<vmem_shared>>
      tpu.enqueue_dma source(%dma_start3A_99 : memref<125x48xf32, #tpu.memory_space<vmem_shared>>) target(%dma_start3A_97 : memref<125x48xf32, #tpu.memory_space<hbm>>) target_semaphore(%run_scoped3A : memref<!tpu.dma_semaphore, #tpu.memory_space<semaphore_mem>>)
      %dma_wait3A_100 = arith.constant 0 : i32
      %dma_wait3A_101 = tpu.memref_slice %arg7[%arg0, %add3A_90, %dma_wait3A_100] : memref<2x10000x48xf32, #tpu.memory_space<hbm>> -> memref<1x125x48xf32, #tpu.memory_space<hbm>>
      %dma_wait3A_102 = tpu.memref_squeeze %dma_wait3A_101 : memref<1x125x48xf32, #tpu.memory_space<hbm>> -> memref<125x48xf32, #tpu.memory_space<hbm>>
      %dma_wait3A_103 = arith.constant 0 : i32
      %dma_wait3A_104 = tpu.memref_slice %arg19[%add3A_90, %dma_wait3A_103] : memref<10000x48xf32, #tpu.memory_space<vmem_shared>> -> memref<125x48xf32, #tpu.memory_space<vmem_shared>>
      tpu.wait_dma2 semaphore(%run_scoped3A : memref<!tpu.dma_semaphore, #tpu.memory_space<semaphore_mem>>) src(%dma_wait3A_104 : memref<125x48xf32, #tpu.memory_space<vmem_shared>>) dst(%dma_wait3A_102 : memref<125x48xf32, #tpu.memory_space<hbm>>)
      tpu.yield
    }) : () -> ()
    %mul3A_91 = arith.constant 625 : i32
    %mul3A_92 = arith.muli %arg1, %mul3A_91 : i32
    %add3A_93 = arith.constant 500 : i32
    %add3A_94 = arith.addi %mul3A_92, %add3A_93 : i32
    "tpu.region"() ({
      %run_scoped3A = tpu.sem_alloc : memref<!tpu.dma_semaphore, #tpu.memory_space<semaphore_mem>>
      %dma_start3A_95 = arith.constant 0 : i32
      %dma_start3A_96 = tpu.memref_slice %arg7[%arg0, %add3A_94, %dma_start3A_95] : memref<2x10000x48xf32, #tpu.memory_space<hbm>> -> memref<1x125x48xf32, #tpu.memory_space<hbm>>
      %dma_start3A_97 = tpu.memref_squeeze %dma_start3A_96 : memref<1x125x48xf32, #tpu.memory_space<hbm>> -> memref<125x48xf32, #tpu.memory_space<hbm>>
      %dma_start3A_98 = arith.constant 0 : i32
      %dma_start3A_99 = tpu.memref_slice %arg19[%add3A_94, %dma_start3A_98] : memref<10000x48xf32, #tpu.memory_space<vmem_shared>> -> memref<125x48xf32, #tpu.memory_space<vmem_shared>>
      tpu.enqueue_dma source(%dma_start3A_99 : memref<125x48xf32, #tpu.memory_space<vmem_shared>>) target(%dma_start3A_97 : memref<125x48xf32, #tpu.memory_space<hbm>>) target_semaphore(%run_scoped3A : memref<!tpu.dma_semaphore, #tpu.memory_space<semaphore_mem>>)
      %dma_wait3A_100 = arith.constant 0 : i32
      %dma_wait3A_101 = tpu.memref_slice %arg7[%arg0, %add3A_94, %dma_wait3A_100] : memref<2x10000x48xf32, #tpu.memory_space<hbm>> -> memref<1x125x48xf32, #tpu.memory_space<hbm>>
      %dma_wait3A_102 = tpu.memref_squeeze %dma_wait3A_101 : memref<1x125x48xf32, #tpu.memory_space<hbm>> -> memref<125x48xf32, #tpu.memory_space<hbm>>
      %dma_wait3A_103 = arith.constant 0 : i32
      %dma_wait3A_104 = tpu.memref_slice %arg19[%add3A_94, %dma_wait3A_103] : memref<10000x48xf32, #tpu.memory_space<vmem_shared>> -> memref<125x48xf32, #tpu.memory_space<vmem_shared>>
      tpu.wait_dma2 semaphore(%run_scoped3A : memref<!tpu.dma_semaphore, #tpu.memory_space<semaphore_mem>>) src(%dma_wait3A_104 : memref<125x48xf32, #tpu.memory_space<vmem_shared>>) dst(%dma_wait3A_102 : memref<125x48xf32, #tpu.memory_space<hbm>>)
      tpu.yield
    }) : () -> ()
    return
  }
}

#map = affine_map<(d0, d1) -> (0, 0)>
#map1 = affine_map<(d0, d1) -> (0)>
#map2 = affine_map<(d0, d1) -> (0, 0, 0)>
module attributes {stable_mosaic.version = 14 : i64} {
  func.func @edge_pass(%arg0: i32, %arg1: i32, %arg2: memref<10000x144xf32, #tpu.memory_space<hbm>>, %arg3: memref<10000x16xf32, #tpu.memory_space<hbm>>, %arg4: memref<335872xi32, #tpu.memory_space<hbm>>, %arg5: memref<335872xi32, #tpu.memory_space<hbm>>, %arg6: memref<335872xf32, #tpu.memory_space<hbm>>, %arg7: memref<2x10000x144xf32, #tpu.memory_space<hbm>>, %arg8: memref<128xi32, #tpu.memory_space<vmem>>, %arg9: memref<128xi32, #tpu.memory_space<vmem>>, %arg10: memref<144xf32, #tpu.memory_space<vmem>>, %arg11: memref<128x144xf32, #tpu.memory_space<vmem>>, %arg12: memref<128x16xf32, #tpu.memory_space<vmem>>, %arg13: memref<128xi32, #tpu.memory_space<vmem>>, %arg14: memref<128xi32, #tpu.memory_space<vmem>>, %arg15: memref<144xf32, #tpu.memory_space<vmem>>, %arg16: memref<128x144xf32, #tpu.memory_space<vmem>>, %arg17: memref<128x16xf32, #tpu.memory_space<vmem>>, %arg18: memref<125x144xf32, #tpu.memory_space<vmem>>, %arg19: memref<10000x144xf32, #tpu.memory_space<vmem_shared>>, %arg20: memref<!tpu.dma_semaphore, #tpu.memory_space<semaphore_mem>>, %arg21: memref<!tpu.dma_semaphore, #tpu.memory_space<semaphore_mem>>, %arg22: memref<!tpu.dma_semaphore, #tpu.memory_space<semaphore_mem>>, %arg23: memref<!tpu.dma_semaphore, #tpu.memory_space<semaphore_mem>>) attributes {dimension_semantics = [#tpu.dimension_semantics<core_parallel>, #tpu.dimension_semantics<subcore_parallel>], iteration_bounds = array<i64: 2, 16>, scalar_prefetch = 0 : i64, scratch_operands = 16 : i64, tpu.core_type = #tpu.core_type<sc_vector_subcore>, window_params = [{transform_indices = #map}, {transform_indices = #map}, {transform_indices = #map1}, {transform_indices = #map1}, {transform_indices = #map1}, {transform_indices = #map2}]} {
    %scan3A = arith.constant 0 : i32
    %scan3A_0 = arith.constant 0 : i32
    %scan3A_1 = arith.constant 125 : i32
    %scan3A_2 = arith.addi %scan3A_0, %scan3A_1 : i32
    %scan3A_3 = arith.constant 1 : i32
    scf.for %scan3A_57 = %scan3A_0 to %scan3A_2 step %scan3A_3  : i32 {
      %broadcast_in_dim3A = arith.constant 0.000000e+00 : f32
      %broadcast_in_dim3A_58 = vector.broadcast %broadcast_in_dim3A : f32 to vector<16xf32>
      %swap3A = arith.index_cast %scan3A_57 : i32 to index
      %swap3A_59 = arith.constant 0 : index
      %swap3A_60 = tpu.vector_load %arg18[%swap3A, %swap3A_59] {strides = array<i32>} : memref<125x144xf32, #tpu.memory_space<vmem>>, vector<1x16xf32>,
      %swap3A_61 = vector.shape_cast %swap3A_60 : vector<1x16xf32> to vector<16xf32>
      %swap3A_62 = vector.shape_cast %broadcast_in_dim3A_58 : vector<16xf32> to vector<1x16xf32>
      tpu.vector_store %arg18[%swap3A, %swap3A_59], %swap3A_62 {strides = array<i32>} : memref<125x144xf32, #tpu.memory_space<vmem>>, vector<1x16xf32>,
      %broadcast_in_dim3A_63 = arith.constant 0.000000e+00 : f32
      %broadcast_in_dim3A_64 = vector.broadcast %broadcast_in_dim3A_63 : f32 to vector<16xf32>
      %swap3A_65 = arith.index_cast %scan3A_57 : i32 to index
      %swap3A_66 = arith.constant 16 : index
      %swap3A_67 = tpu.vector_load %arg18[%swap3A_65, %swap3A_66] {strides = array<i32>} : memref<125x144xf32, #tpu.memory_space<vmem>>, vector<1x16xf32>,
      %swap3A_68 = vector.shape_cast %swap3A_67 : vector<1x16xf32> to vector<16xf32>
      %swap3A_69 = vector.shape_cast %broadcast_in_dim3A_64 : vector<16xf32> to vector<1x16xf32>
      tpu.vector_store %arg18[%swap3A_65, %swap3A_66], %swap3A_69 {strides = array<i32>} : memref<125x144xf32, #tpu.memory_space<vmem>>, vector<1x16xf32>,
      %broadcast_in_dim3A_70 = arith.constant 0.000000e+00 : f32
      %broadcast_in_dim3A_71 = vector.broadcast %broadcast_in_dim3A_70 : f32 to vector<16xf32>
      %swap3A_72 = arith.index_cast %scan3A_57 : i32 to index
      %swap3A_73 = arith.constant 32 : index
      %swap3A_74 = tpu.vector_load %arg18[%swap3A_72, %swap3A_73] {strides = array<i32>} : memref<125x144xf32, #tpu.memory_space<vmem>>, vector<1x16xf32>,
      %swap3A_75 = vector.shape_cast %swap3A_74 : vector<1x16xf32> to vector<16xf32>
      %swap3A_76 = vector.shape_cast %broadcast_in_dim3A_71 : vector<16xf32> to vector<1x16xf32>
      tpu.vector_store %arg18[%swap3A_72, %swap3A_73], %swap3A_76 {strides = array<i32>} : memref<125x144xf32, #tpu.memory_space<vmem>>, vector<1x16xf32>,
      %broadcast_in_dim3A_77 = arith.constant 0.000000e+00 : f32
      %broadcast_in_dim3A_78 = vector.broadcast %broadcast_in_dim3A_77 : f32 to vector<16xf32>
      %swap3A_79 = arith.index_cast %scan3A_57 : i32 to index
      %swap3A_80 = arith.constant 48 : index
      %swap3A_81 = tpu.vector_load %arg18[%swap3A_79, %swap3A_80] {strides = array<i32>} : memref<125x144xf32, #tpu.memory_space<vmem>>, vector<1x16xf32>,
      %swap3A_82 = vector.shape_cast %swap3A_81 : vector<1x16xf32> to vector<16xf32>
      %swap3A_83 = vector.shape_cast %broadcast_in_dim3A_78 : vector<16xf32> to vector<1x16xf32>
      tpu.vector_store %arg18[%swap3A_79, %swap3A_80], %swap3A_83 {strides = array<i32>} : memref<125x144xf32, #tpu.memory_space<vmem>>, vector<1x16xf32>,
      %broadcast_in_dim3A_84 = arith.constant 0.000000e+00 : f32
      %broadcast_in_dim3A_85 = vector.broadcast %broadcast_in_dim3A_84 : f32 to vector<16xf32>
      %swap3A_86 = arith.index_cast %scan3A_57 : i32 to index
      %swap3A_87 = arith.constant 64 : index
      %swap3A_88 = tpu.vector_load %arg18[%swap3A_86, %swap3A_87] {strides = array<i32>} : memref<125x144xf32, #tpu.memory_space<vmem>>, vector<1x16xf32>,
      %swap3A_89 = vector.shape_cast %swap3A_88 : vector<1x16xf32> to vector<16xf32>
      %swap3A_90 = vector.shape_cast %broadcast_in_dim3A_85 : vector<16xf32> to vector<1x16xf32>
      tpu.vector_store %arg18[%swap3A_86, %swap3A_87], %swap3A_90 {strides = array<i32>} : memref<125x144xf32, #tpu.memory_space<vmem>>, vector<1x16xf32>,
      %broadcast_in_dim3A_91 = arith.constant 0.000000e+00 : f32
      %broadcast_in_dim3A_92 = vector.broadcast %broadcast_in_dim3A_91 : f32 to vector<16xf32>
      %swap3A_93 = arith.index_cast %scan3A_57 : i32 to index
      %swap3A_94 = arith.constant 80 : index
      %swap3A_95 = tpu.vector_load %arg18[%swap3A_93, %swap3A_94] {strides = array<i32>} : memref<125x144xf32, #tpu.memory_space<vmem>>, vector<1x16xf32>,
      %swap3A_96 = vector.shape_cast %swap3A_95 : vector<1x16xf32> to vector<16xf32>
      %swap3A_97 = vector.shape_cast %broadcast_in_dim3A_92 : vector<16xf32> to vector<1x16xf32>
      tpu.vector_store %arg18[%swap3A_93, %swap3A_94], %swap3A_97 {strides = array<i32>} : memref<125x144xf32, #tpu.memory_space<vmem>>, vector<1x16xf32>,
      %broadcast_in_dim3A_98 = arith.constant 0.000000e+00 : f32
      %broadcast_in_dim3A_99 = vector.broadcast %broadcast_in_dim3A_98 : f32 to vector<16xf32>
      %swap3A_100 = arith.index_cast %scan3A_57 : i32 to index
      %swap3A_101 = arith.constant 96 : index
      %swap3A_102 = tpu.vector_load %arg18[%swap3A_100, %swap3A_101] {strides = array<i32>} : memref<125x144xf32, #tpu.memory_space<vmem>>, vector<1x16xf32>,
      %swap3A_103 = vector.shape_cast %swap3A_102 : vector<1x16xf32> to vector<16xf32>
      %swap3A_104 = vector.shape_cast %broadcast_in_dim3A_99 : vector<16xf32> to vector<1x16xf32>
      tpu.vector_store %arg18[%swap3A_100, %swap3A_101], %swap3A_104 {strides = array<i32>} : memref<125x144xf32, #tpu.memory_space<vmem>>, vector<1x16xf32>,
      %broadcast_in_dim3A_105 = arith.constant 0.000000e+00 : f32
      %broadcast_in_dim3A_106 = vector.broadcast %broadcast_in_dim3A_105 : f32 to vector<16xf32>
      %swap3A_107 = arith.index_cast %scan3A_57 : i32 to index
      %swap3A_108 = arith.constant 112 : index
      %swap3A_109 = tpu.vector_load %arg18[%swap3A_107, %swap3A_108] {strides = array<i32>} : memref<125x144xf32, #tpu.memory_space<vmem>>, vector<1x16xf32>,
      %swap3A_110 = vector.shape_cast %swap3A_109 : vector<1x16xf32> to vector<16xf32>
      %swap3A_111 = vector.shape_cast %broadcast_in_dim3A_106 : vector<16xf32> to vector<1x16xf32>
      tpu.vector_store %arg18[%swap3A_107, %swap3A_108], %swap3A_111 {strides = array<i32>} : memref<125x144xf32, #tpu.memory_space<vmem>>, vector<1x16xf32>,
      %broadcast_in_dim3A_112 = arith.constant 0.000000e+00 : f32
      %broadcast_in_dim3A_113 = vector.broadcast %broadcast_in_dim3A_112 : f32 to vector<16xf32>
      %swap3A_114 = arith.index_cast %scan3A_57 : i32 to index
      %swap3A_115 = arith.constant 128 : index
      %swap3A_116 = tpu.vector_load %arg18[%swap3A_114, %swap3A_115] {strides = array<i32>} : memref<125x144xf32, #tpu.memory_space<vmem>>, vector<1x16xf32>,
      %swap3A_117 = vector.shape_cast %swap3A_116 : vector<1x16xf32> to vector<16xf32>
      %swap3A_118 = vector.shape_cast %broadcast_in_dim3A_113 : vector<16xf32> to vector<1x16xf32>
      tpu.vector_store %arg18[%swap3A_114, %swap3A_115], %swap3A_118 {strides = array<i32>} : memref<125x144xf32, #tpu.memory_space<vmem>>, vector<1x16xf32>,
    }
    %scan3A_4 = arith.constant 125 : i32
    %mul3A = arith.constant 625 : i32
    %mul3A_5 = arith.muli %arg1, %mul3A : i32
    %add3A = arith.constant 0 : i32
    %add3A_6 = arith.addi %mul3A_5, %add3A : i32
    "tpu.region"() ({
      %run_scoped3A = tpu.sem_alloc : memref<!tpu.dma_semaphore, #tpu.memory_space<semaphore_mem>>
      %dma_start3A = arith.constant 0 : i32
      %dma_start3A_57 = tpu.memref_slice %arg19[%add3A_6, %dma_start3A] : memref<10000x144xf32, #tpu.memory_space<vmem_shared>> -> memref<125x144xf32, #tpu.memory_space<vmem_shared>>
      %dma_start3A_58 = arith.constant 0 : i32
      %dma_start3A_59 = tpu.memref_slice %arg19[%add3A_6, %dma_start3A_58] : memref<10000x144xf32, #tpu.memory_space<vmem_shared>> -> memref<125x144xf32, #tpu.memory_space<vmem_shared>>
      tpu.enqueue_dma source(%arg18 : memref<125x144xf32, #tpu.memory_space<vmem>>) target(%dma_start3A_59 : memref<125x144xf32, #tpu.memory_space<vmem_shared>>) target_semaphore(%run_scoped3A : memref<!tpu.dma_semaphore, #tpu.memory_space<semaphore_mem>>)
      %dma_wait3A = arith.constant 0 : i32
      %dma_wait3A_60 = tpu.memref_slice %arg19[%add3A_6, %dma_wait3A] : memref<10000x144xf32, #tpu.memory_space<vmem_shared>> -> memref<125x144xf32, #tpu.memory_space<vmem_shared>>
      %dma_wait3A_61 = arith.constant 0 : i32
      %dma_wait3A_62 = tpu.memref_slice %arg19[%add3A_6, %dma_wait3A_61] : memref<10000x144xf32, #tpu.memory_space<vmem_shared>> -> memref<125x144xf32, #tpu.memory_space<vmem_shared>>
      tpu.wait_dma2 semaphore(%run_scoped3A : memref<!tpu.dma_semaphore, #tpu.memory_space<semaphore_mem>>) src(%arg18 : memref<125x144xf32, #tpu.memory_space<vmem>>) dst(%dma_wait3A_62 : memref<125x144xf32, #tpu.memory_space<vmem_shared>>)
      tpu.yield
    }) : () -> ()
    %mul3A_7 = arith.constant 625 : i32
    %mul3A_8 = arith.muli %arg1, %mul3A_7 : i32
    %add3A_9 = arith.constant 125 : i32
    %add3A_10 = arith.addi %mul3A_8, %add3A_9 : i32
    "tpu.region"() ({
      %run_scoped3A = tpu.sem_alloc : memref<!tpu.dma_semaphore, #tpu.memory_space<semaphore_mem>>
      %dma_start3A = arith.constant 0 : i32
      %dma_start3A_57 = tpu.memref_slice %arg19[%add3A_10, %dma_start3A] : memref<10000x144xf32, #tpu.memory_space<vmem_shared>> -> memref<125x144xf32, #tpu.memory_space<vmem_shared>>
      %dma_start3A_58 = arith.constant 0 : i32
      %dma_start3A_59 = tpu.memref_slice %arg19[%add3A_10, %dma_start3A_58] : memref<10000x144xf32, #tpu.memory_space<vmem_shared>> -> memref<125x144xf32, #tpu.memory_space<vmem_shared>>
      tpu.enqueue_dma source(%arg18 : memref<125x144xf32, #tpu.memory_space<vmem>>) target(%dma_start3A_59 : memref<125x144xf32, #tpu.memory_space<vmem_shared>>) target_semaphore(%run_scoped3A : memref<!tpu.dma_semaphore, #tpu.memory_space<semaphore_mem>>)
      %dma_wait3A = arith.constant 0 : i32
      %dma_wait3A_60 = tpu.memref_slice %arg19[%add3A_10, %dma_wait3A] : memref<10000x144xf32, #tpu.memory_space<vmem_shared>> -> memref<125x144xf32, #tpu.memory_space<vmem_shared>>
      %dma_wait3A_61 = arith.constant 0 : i32
      %dma_wait3A_62 = tpu.memref_slice %arg19[%add3A_10, %dma_wait3A_61] : memref<10000x144xf32, #tpu.memory_space<vmem_shared>> -> memref<125x144xf32, #tpu.memory_space<vmem_shared>>
      tpu.wait_dma2 semaphore(%run_scoped3A : memref<!tpu.dma_semaphore, #tpu.memory_space<semaphore_mem>>) src(%arg18 : memref<125x144xf32, #tpu.memory_space<vmem>>) dst(%dma_wait3A_62 : memref<125x144xf32, #tpu.memory_space<vmem_shared>>)
      tpu.yield
    }) : () -> ()
    %mul3A_11 = arith.constant 625 : i32
    %mul3A_12 = arith.muli %arg1, %mul3A_11 : i32
    %add3A_13 = arith.constant 250 : i32
    %add3A_14 = arith.addi %mul3A_12, %add3A_13 : i32
    "tpu.region"() ({
      %run_scoped3A = tpu.sem_alloc : memref<!tpu.dma_semaphore, #tpu.memory_space<semaphore_mem>>
      %dma_start3A = arith.constant 0 : i32
      %dma_start3A_57 = tpu.memref_slice %arg19[%add3A_14, %dma_start3A] : memref<10000x144xf32, #tpu.memory_space<vmem_shared>> -> memref<125x144xf32, #tpu.memory_space<vmem_shared>>
      %dma_start3A_58 = arith.constant 0 : i32
      %dma_start3A_59 = tpu.memref_slice %arg19[%add3A_14, %dma_start3A_58] : memref<10000x144xf32, #tpu.memory_space<vmem_shared>> -> memref<125x144xf32, #tpu.memory_space<vmem_shared>>
      tpu.enqueue_dma source(%arg18 : memref<125x144xf32, #tpu.memory_space<vmem>>) target(%dma_start3A_59 : memref<125x144xf32, #tpu.memory_space<vmem_shared>>) target_semaphore(%run_scoped3A : memref<!tpu.dma_semaphore, #tpu.memory_space<semaphore_mem>>)
      %dma_wait3A = arith.constant 0 : i32
      %dma_wait3A_60 = tpu.memref_slice %arg19[%add3A_14, %dma_wait3A] : memref<10000x144xf32, #tpu.memory_space<vmem_shared>> -> memref<125x144xf32, #tpu.memory_space<vmem_shared>>
      %dma_wait3A_61 = arith.constant 0 : i32
      %dma_wait3A_62 = tpu.memref_slice %arg19[%add3A_14, %dma_wait3A_61] : memref<10000x144xf32, #tpu.memory_space<vmem_shared>> -> memref<125x144xf32, #tpu.memory_space<vmem_shared>>
      tpu.wait_dma2 semaphore(%run_scoped3A : memref<!tpu.dma_semaphore, #tpu.memory_space<semaphore_mem>>) src(%arg18 : memref<125x144xf32, #tpu.memory_space<vmem>>) dst(%dma_wait3A_62 : memref<125x144xf32, #tpu.memory_space<vmem_shared>>)
      tpu.yield
    }) : () -> ()
    %mul3A_15 = arith.constant 625 : i32
    %mul3A_16 = arith.muli %arg1, %mul3A_15 : i32
    %add3A_17 = arith.constant 375 : i32
    %add3A_18 = arith.addi %mul3A_16, %add3A_17 : i32
    "tpu.region"() ({
      %run_scoped3A = tpu.sem_alloc : memref<!tpu.dma_semaphore, #tpu.memory_space<semaphore_mem>>
      %dma_start3A = arith.constant 0 : i32
      %dma_start3A_57 = tpu.memref_slice %arg19[%add3A_18, %dma_start3A] : memref<10000x144xf32, #tpu.memory_space<vmem_shared>> -> memref<125x144xf32, #tpu.memory_space<vmem_shared>>
      %dma_start3A_58 = arith.constant 0 : i32
      %dma_start3A_59 = tpu.memref_slice %arg19[%add3A_18, %dma_start3A_58] : memref<10000x144xf32, #tpu.memory_space<vmem_shared>> -> memref<125x144xf32, #tpu.memory_space<vmem_shared>>
      tpu.enqueue_dma source(%arg18 : memref<125x144xf32, #tpu.memory_space<vmem>>) target(%dma_start3A_59 : memref<125x144xf32, #tpu.memory_space<vmem_shared>>) target_semaphore(%run_scoped3A : memref<!tpu.dma_semaphore, #tpu.memory_space<semaphore_mem>>)
      %dma_wait3A = arith.constant 0 : i32
      %dma_wait3A_60 = tpu.memref_slice %arg19[%add3A_18, %dma_wait3A] : memref<10000x144xf32, #tpu.memory_space<vmem_shared>> -> memref<125x144xf32, #tpu.memory_space<vmem_shared>>
      %dma_wait3A_61 = arith.constant 0 : i32
      %dma_wait3A_62 = tpu.memref_slice %arg19[%add3A_18, %dma_wait3A_61] : memref<10000x144xf32, #tpu.memory_space<vmem_shared>> -> memref<125x144xf32, #tpu.memory_space<vmem_shared>>
      tpu.wait_dma2 semaphore(%run_scoped3A : memref<!tpu.dma_semaphore, #tpu.memory_space<semaphore_mem>>) src(%arg18 : memref<125x144xf32, #tpu.memory_space<vmem>>) dst(%dma_wait3A_62 : memref<125x144xf32, #tpu.memory_space<vmem_shared>>)
      tpu.yield
    }) : () -> ()
    %mul3A_19 = arith.constant 625 : i32
    %mul3A_20 = arith.muli %arg1, %mul3A_19 : i32
    %add3A_21 = arith.constant 500 : i32
    %add3A_22 = arith.addi %mul3A_20, %add3A_21 : i32
    "tpu.region"() ({
      %run_scoped3A = tpu.sem_alloc : memref<!tpu.dma_semaphore, #tpu.memory_space<semaphore_mem>>
      %dma_start3A = arith.constant 0 : i32
      %dma_start3A_57 = tpu.memref_slice %arg19[%add3A_22, %dma_start3A] : memref<10000x144xf32, #tpu.memory_space<vmem_shared>> -> memref<125x144xf32, #tpu.memory_space<vmem_shared>>
      %dma_start3A_58 = arith.constant 0 : i32
      %dma_start3A_59 = tpu.memref_slice %arg19[%add3A_22, %dma_start3A_58] : memref<10000x144xf32, #tpu.memory_space<vmem_shared>> -> memref<125x144xf32, #tpu.memory_space<vmem_shared>>
      tpu.enqueue_dma source(%arg18 : memref<125x144xf32, #tpu.memory_space<vmem>>) target(%dma_start3A_59 : memref<125x144xf32, #tpu.memory_space<vmem_shared>>) target_semaphore(%run_scoped3A : memref<!tpu.dma_semaphore, #tpu.memory_space<semaphore_mem>>)
      %dma_wait3A = arith.constant 0 : i32
      %dma_wait3A_60 = tpu.memref_slice %arg19[%add3A_22, %dma_wait3A] : memref<10000x144xf32, #tpu.memory_space<vmem_shared>> -> memref<125x144xf32, #tpu.memory_space<vmem_shared>>
      %dma_wait3A_61 = arith.constant 0 : i32
      %dma_wait3A_62 = tpu.memref_slice %arg19[%add3A_22, %dma_wait3A_61] : memref<10000x144xf32, #tpu.memory_space<vmem_shared>> -> memref<125x144xf32, #tpu.memory_space<vmem_shared>>
      tpu.wait_dma2 semaphore(%run_scoped3A : memref<!tpu.dma_semaphore, #tpu.memory_space<semaphore_mem>>) src(%arg18 : memref<125x144xf32, #tpu.memory_space<vmem>>) dst(%dma_wait3A_62 : memref<125x144xf32, #tpu.memory_space<vmem_shared>>)
      tpu.yield
    }) : () -> ()
    %barrier3A = arith.constant 0 : index
    tpu.barrier barrier_id(%barrier3A)
    %mul3A_23 = arith.constant 16 : i32
    %mul3A_24 = arith.muli %arg0, %mul3A_23 : i32
    %add3A_25 = arith.addi %mul3A_24, %arg1 : i32
    %mul3A_26 = arith.constant 82 : i32
    %mul3A_27 = arith.muli %add3A_25, %mul3A_26 : i32
    %mul3A_28 = arith.constant 128 : i32
    %mul3A_29 = arith.muli %mul3A_27, %mul3A_28 : i32
    %scan3A_30 = arith.constant 0 : i32
    %scan3A_31 = arith.constant 0 : i32
    %scan3A_32 = arith.constant 82 : i32
    %scan3A_33 = arith.addi %scan3A_31, %scan3A_32 : i32
    %scan3A_34 = arith.constant 1 : i32
    scf.for %scan3A_57 = %scan3A_31 to %scan3A_33 step %scan3A_34  : i32 {
      %mul3A_58 = arith.constant 128 : i32
      %mul3A_59 = arith.muli %scan3A_57, %mul3A_58 : i32
      %add3A_60 = arith.addi %mul3A_29, %mul3A_59 : i32
      "tpu.region"() ({
        %run_scoped3A = tpu.sem_alloc : memref<!tpu.dma_semaphore, #tpu.memory_space<semaphore_mem>>
        %dma_start3A_77 = tpu.memref_slice %arg4[%add3A_60] : memref<335872xi32, #tpu.memory_space<hbm>> -> memref<128xi32, #tpu.memory_space<hbm>>
        %dma_start3A_78 = tpu.memref_slice %arg4[%add3A_60] : memref<335872xi32, #tpu.memory_space<hbm>> -> memref<128xi32, #tpu.memory_space<hbm>>
        tpu.enqueue_dma source(%dma_start3A_78 : memref<128xi32, #tpu.memory_space<hbm>>) target(%arg8 : memref<128xi32, #tpu.memory_space<vmem>>) target_semaphore(%run_scoped3A : memref<!tpu.dma_semaphore, #tpu.memory_space<semaphore_mem>>)
        %dma_wait3A_79 = tpu.memref_slice %arg4[%add3A_60] : memref<335872xi32, #tpu.memory_space<hbm>> -> memref<128xi32, #tpu.memory_space<hbm>>
        %dma_wait3A_80 = tpu.memref_slice %arg4[%add3A_60] : memref<335872xi32, #tpu.memory_space<hbm>> -> memref<128xi32, #tpu.memory_space<hbm>>
        tpu.wait_dma2 semaphore(%run_scoped3A : memref<!tpu.dma_semaphore, #tpu.memory_space<semaphore_mem>>) src(%dma_wait3A_80 : memref<128xi32, #tpu.memory_space<hbm>>) dst(%arg8 : memref<128xi32, #tpu.memory_space<vmem>>)
        tpu.yield
      }) : () -> ()
      "tpu.region"() ({
        %run_scoped3A = tpu.sem_alloc : memref<!tpu.dma_semaphore, #tpu.memory_space<semaphore_mem>>
        %dma_start3A_77 = tpu.memref_slice %arg5[%add3A_60] : memref<335872xi32, #tpu.memory_space<hbm>> -> memref<128xi32, #tpu.memory_space<hbm>>
        %dma_start3A_78 = tpu.memref_slice %arg5[%add3A_60] : memref<335872xi32, #tpu.memory_space<hbm>> -> memref<128xi32, #tpu.memory_space<hbm>>
        tpu.enqueue_dma source(%dma_start3A_78 : memref<128xi32, #tpu.memory_space<hbm>>) target(%arg9 : memref<128xi32, #tpu.memory_space<vmem>>) target_semaphore(%run_scoped3A : memref<!tpu.dma_semaphore, #tpu.memory_space<semaphore_mem>>)
        %dma_wait3A_79 = tpu.memref_slice %arg5[%add3A_60] : memref<335872xi32, #tpu.memory_space<hbm>> -> memref<128xi32, #tpu.memory_space<hbm>>
        %dma_wait3A_80 = tpu.memref_slice %arg5[%add3A_60] : memref<335872xi32, #tpu.memory_space<hbm>> -> memref<128xi32, #tpu.memory_space<hbm>>
        tpu.wait_dma2 semaphore(%run_scoped3A : memref<!tpu.dma_semaphore, #tpu.memory_space<semaphore_mem>>) src(%dma_wait3A_80 : memref<128xi32, #tpu.memory_space<hbm>>) dst(%arg9 : memref<128xi32, #tpu.memory_space<vmem>>)
        tpu.yield
      }) : () -> ()
      "tpu.region"() ({
        %run_scoped3A = tpu.sem_alloc : memref<!tpu.dma_semaphore, #tpu.memory_space<semaphore_mem>>
        %dma_start3A_77 = arith.constant 0 : i32
        %dma_start3A_78 = tpu.memref_slice %arg10[%dma_start3A_77] : memref<144xf32, #tpu.memory_space<vmem>> -> memref<128xf32, #tpu.memory_space<vmem>>
        %dma_start3A_79 = tpu.memref_slice %arg6[%add3A_60] : memref<335872xf32, #tpu.memory_space<hbm>> -> memref<128xf32, #tpu.memory_space<hbm>>
        %dma_start3A_80 = arith.constant 0 : i32
        %dma_start3A_81 = tpu.memref_slice %arg10[%dma_start3A_80] : memref<144xf32, #tpu.memory_space<vmem>> -> memref<128xf32, #tpu.memory_space<vmem>>
        %dma_start3A_82 = tpu.memref_slice %arg6[%add3A_60] : memref<335872xf32, #tpu.memory_space<hbm>> -> memref<128xf32, #tpu.memory_space<hbm>>
        tpu.enqueue_dma source(%dma_start3A_82 : memref<128xf32, #tpu.memory_space<hbm>>) target(%dma_start3A_81 : memref<128xf32, #tpu.memory_space<vmem>>) target_semaphore(%run_scoped3A : memref<!tpu.dma_semaphore, #tpu.memory_space<semaphore_mem>>)
        %dma_wait3A_83 = arith.constant 0 : i32
        %dma_wait3A_84 = tpu.memref_slice %arg10[%dma_wait3A_83] : memref<144xf32, #tpu.memory_space<vmem>> -> memref<128xf32, #tpu.memory_space<vmem>>
        %dma_wait3A_85 = tpu.memref_slice %arg6[%add3A_60] : memref<335872xf32, #tpu.memory_space<hbm>> -> memref<128xf32, #tpu.memory_space<hbm>>
        %dma_wait3A_86 = arith.constant 0 : i32
        %dma_wait3A_87 = tpu.memref_slice %arg10[%dma_wait3A_86] : memref<144xf32, #tpu.memory_space<vmem>> -> memref<128xf32, #tpu.memory_space<vmem>>
        %dma_wait3A_88 = tpu.memref_slice %arg6[%add3A_60] : memref<335872xf32, #tpu.memory_space<hbm>> -> memref<128xf32, #tpu.memory_space<hbm>>
        tpu.wait_dma2 semaphore(%run_scoped3A : memref<!tpu.dma_semaphore, #tpu.memory_space<semaphore_mem>>) src(%dma_wait3A_88 : memref<128xf32, #tpu.memory_space<hbm>>) dst(%dma_wait3A_87 : memref<128xf32, #tpu.memory_space<vmem>>)
        tpu.yield
      }) : () -> ()
      %dma_start3A = arith.constant 0 : i32
      %dma_start3A_61 = arith.constant 0 : i32
      %dma_start3A_62 = tpu.memref_slice %arg2[%dma_start3A, %dma_start3A_61] : memref<10000x144xf32, #tpu.memory_space<hbm>> -> memref<10000x144xf32, #tpu.memory_space<hbm>>
      tpu.enqueue_indirect_dma source(%dma_start3A_62 : memref<10000x144xf32, #tpu.memory_space<hbm>>) target(%arg11 : memref<128x144xf32, #tpu.memory_space<vmem>>) offsets(%arg9 : memref<128xi32, #tpu.memory_space<vmem>>) semaphore(%arg20 : memref<!tpu.dma_semaphore, #tpu.memory_space<semaphore_mem>>)
      %dma_start3A_63 = arith.constant 0 : i32
      %dma_start3A_64 = arith.constant 0 : i32
      %dma_start3A_65 = tpu.memref_slice %arg3[%dma_start3A_63, %dma_start3A_64] : memref<10000x16xf32, #tpu.memory_space<hbm>> -> memref<10000x16xf32, #tpu.memory_space<hbm>>
      tpu.enqueue_indirect_dma source(%dma_start3A_65 : memref<10000x16xf32, #tpu.memory_space<hbm>>) target(%arg12 : memref<128x16xf32, #tpu.memory_space<vmem>>) offsets(%arg8 : memref<128xi32, #tpu.memory_space<vmem>>) semaphore(%arg21 : memref<!tpu.dma_semaphore, #tpu.memory_space<semaphore_mem>>)
      %dma_wait3A = arith.constant 0 : i32
      %dma_wait3A_66 = arith.constant 0 : i32
      %dma_wait3A_67 = tpu.memref_slice %arg2[%dma_wait3A, %dma_wait3A_66] : memref<10000x144xf32, #tpu.memory_space<hbm>> -> memref<10000x144xf32, #tpu.memory_space<hbm>>
      tpu.wait_indirect_dma semaphore(%arg20 : memref<!tpu.dma_semaphore, #tpu.memory_space<semaphore_mem>>) src(%dma_wait3A_67 : memref<10000x144xf32, #tpu.memory_space<hbm>>) dst(%arg11 : memref<128x144xf32, #tpu.memory_space<vmem>>)
      %dma_wait3A_68 = arith.constant 0 : i32
      %dma_wait3A_69 = arith.constant 0 : i32
      %dma_wait3A_70 = tpu.memref_slice %arg3[%dma_wait3A_68, %dma_wait3A_69] : memref<10000x16xf32, #tpu.memory_space<hbm>> -> memref<10000x16xf32, #tpu.memory_space<hbm>>
      tpu.wait_indirect_dma semaphore(%arg21 : memref<!tpu.dma_semaphore, #tpu.memory_space<semaphore_mem>>) src(%dma_wait3A_70 : memref<10000x16xf32, #tpu.memory_space<hbm>>) dst(%arg12 : memref<128x16xf32, #tpu.memory_space<vmem>>)
      %scan3A_71 = arith.constant 0 : i32
      %scan3A_72 = arith.constant 0 : i32
      %scan3A_73 = arith.constant 128 : i32
      %scan3A_74 = arith.addi %scan3A_72, %scan3A_73 : i32
      %scan3A_75 = arith.constant 2 : i32
      scf.for %scan3A_77 = %scan3A_72 to %scan3A_74 step %scan3A_75  : i32 {
        %get3A = arith.index_cast %scan3A_77 : i32 to index
        %get3A_78 = arith.constant 0 : index
        %get3A_79 = tpu.vector_load %arg12[%get3A, %get3A_78] {strides = array<i32>} : memref<128x16xf32, #tpu.memory_space<vmem>>, vector<1x16xf32>,
        %get3A_80 = vector.shape_cast %get3A_79 : vector<1x16xf32> to vector<16xf32>
        %get3A_81 = arith.index_cast %scan3A_77 : i32 to index
        %get3A_82 = arith.constant 128 : index
        %get3A_83 = tpu.vector_load %arg11[%get3A_81, %get3A_82] {strides = array<i32>} : memref<128x144xf32, #tpu.memory_space<vmem>>, vector<1x16xf32>,
        %get3A_84 = vector.shape_cast %get3A_83 : vector<1x16xf32> to vector<16xf32>
        %add3A_85 = arith.addf %get3A_80, %get3A_84 : vector<16xf32>
        %mul3A_86 = arith.constant 2.000000e-01 : f32
        %mul3A_87 = vector.broadcast %mul3A_86 : f32 to vector<16xf32>
        %mul3A_88 = arith.mulf %add3A_85, %mul3A_87 : vector<16xf32>
        %max3A = arith.maximumf %add3A_85, %mul3A_88 : vector<16xf32>
        %get3A_89 = arith.index_cast %scan3A_77 : i32 to index
        %get3A_90 = tpu.vector_load %arg10[%get3A_89] {strides = array<i32>} : memref<144xf32, #tpu.memory_space<vmem>>, vector<16xf32>,
        %get3A_91 = vector.shape_cast %get3A_90 : vector<16xf32> to vector<16xf32>
        %exp3A = math.exp %max3A : vector<16xf32>
        %slice3A = vector.extract_strided_slice %get3A_91 {offsets = [0], sizes = [1], strides = [1]} : vector<16xf32> to vector<1xf32>
        %squeeze3A = vector.extract %slice3A[0] : f32 from vector<1xf32>
        %mul3A_92 = vector.broadcast %squeeze3A : f32 to vector<16xf32>
        %mul3A_93 = arith.mulf %exp3A, %mul3A_92 : vector<16xf32>
        %slice3A_94 = vector.extract_strided_slice %mul3A_93 {offsets = [0], sizes = [1], strides = [1]} : vector<16xf32> to vector<1xf32>
        %squeeze3A_95 = vector.extract %slice3A_94[0] : f32 from vector<1xf32>
        %get3A_96 = arith.index_cast %scan3A_77 : i32 to index
        %get3A_97 = arith.constant 0 : index
        %get3A_98 = tpu.vector_load %arg11[%get3A_96, %get3A_97] {strides = array<i32>} : memref<128x144xf32, #tpu.memory_space<vmem>>, vector<1x16xf32>,
        %get3A_99 = vector.shape_cast %get3A_98 : vector<1x16xf32> to vector<16xf32>
        %mul3A_100 = vector.broadcast %squeeze3A_95 : f32 to vector<16xf32>
        %mul3A_101 = arith.mulf %get3A_99, %mul3A_100 : vector<16xf32>
        %swap3A = arith.index_cast %scan3A_77 : i32 to index
        %swap3A_102 = arith.constant 0 : index
        %swap3A_103 = tpu.vector_load %arg11[%swap3A, %swap3A_102] {strides = array<i32>} : memref<128x144xf32, #tpu.memory_space<vmem>>, vector<1x16xf32>,
        %swap3A_104 = vector.shape_cast %swap3A_103 : vector<1x16xf32> to vector<16xf32>
        %swap3A_105 = vector.shape_cast %mul3A_101 : vector<16xf32> to vector<1x16xf32>
        tpu.vector_store %arg11[%swap3A, %swap3A_102], %swap3A_105 {strides = array<i32>} : memref<128x144xf32, #tpu.memory_space<vmem>>, vector<1x16xf32>,
        %get3A_106 = arith.index_cast %scan3A_77 : i32 to index
        %get3A_107 = arith.constant 16 : index
        %get3A_108 = tpu.vector_load %arg11[%get3A_106, %get3A_107] {strides = array<i32>} : memref<128x144xf32, #tpu.memory_space<vmem>>, vector<1x16xf32>,
        %get3A_109 = vector.shape_cast %get3A_108 : vector<1x16xf32> to vector<16xf32>
        %mul3A_110 = vector.broadcast %squeeze3A_95 : f32 to vector<16xf32>
        %mul3A_111 = arith.mulf %get3A_109, %mul3A_110 : vector<16xf32>
        %swap3A_112 = arith.index_cast %scan3A_77 : i32 to index
        %swap3A_113 = arith.constant 16 : index
        %swap3A_114 = tpu.vector_load %arg11[%swap3A_112, %swap3A_113] {strides = array<i32>} : memref<128x144xf32, #tpu.memory_space<vmem>>, vector<1x16xf32>,
        %swap3A_115 = vector.shape_cast %swap3A_114 : vector<1x16xf32> to vector<16xf32>
        %swap3A_116 = vector.shape_cast %mul3A_111 : vector<16xf32> to vector<1x16xf32>
        tpu.vector_store %arg11[%swap3A_112, %swap3A_113], %swap3A_116 {strides = array<i32>} : memref<128x144xf32, #tpu.memory_space<vmem>>, vector<1x16xf32>,
        %slice3A_117 = vector.extract_strided_slice %mul3A_93 {offsets = [1], sizes = [1], strides = [1]} : vector<16xf32> to vector<1xf32>
        %squeeze3A_118 = vector.extract %slice3A_117[0] : f32 from vector<1xf32>
        %get3A_119 = arith.index_cast %scan3A_77 : i32 to index
        %get3A_120 = arith.constant 32 : index
        %get3A_121 = tpu.vector_load %arg11[%get3A_119, %get3A_120] {strides = array<i32>} : memref<128x144xf32, #tpu.memory_space<vmem>>, vector<1x16xf32>,
        %get3A_122 = vector.shape_cast %get3A_121 : vector<1x16xf32> to vector<16xf32>
        %mul3A_123 = vector.broadcast %squeeze3A_118 : f32 to vector<16xf32>
        %mul3A_124 = arith.mulf %get3A_122, %mul3A_123 : vector<16xf32>
        %swap3A_125 = arith.index_cast %scan3A_77 : i32 to index
        %swap3A_126 = arith.constant 32 : index
        %swap3A_127 = tpu.vector_load %arg11[%swap3A_125, %swap3A_126] {strides = array<i32>} : memref<128x144xf32, #tpu.memory_space<vmem>>, vector<1x16xf32>,
        %swap3A_128 = vector.shape_cast %swap3A_127 : vector<1x16xf32> to vector<16xf32>
        %swap3A_129 = vector.shape_cast %mul3A_124 : vector<16xf32> to vector<1x16xf32>
        tpu.vector_store %arg11[%swap3A_125, %swap3A_126], %swap3A_129 {strides = array<i32>} : memref<128x144xf32, #tpu.memory_space<vmem>>, vector<1x16xf32>,
        %get3A_130 = arith.index_cast %scan3A_77 : i32 to index
        %get3A_131 = arith.constant 48 : index
        %get3A_132 = tpu.vector_load %arg11[%get3A_130, %get3A_131] {strides = array<i32>} : memref<128x144xf32, #tpu.memory_space<vmem>>, vector<1x16xf32>,
        %get3A_133 = vector.shape_cast %get3A_132 : vector<1x16xf32> to vector<16xf32>
        %mul3A_134 = vector.broadcast %squeeze3A_118 : f32 to vector<16xf32>
        %mul3A_135 = arith.mulf %get3A_133, %mul3A_134 : vector<16xf32>
        %swap3A_136 = arith.index_cast %scan3A_77 : i32 to index
        %swap3A_137 = arith.constant 48 : index
        %swap3A_138 = tpu.vector_load %arg11[%swap3A_136, %swap3A_137] {strides = array<i32>} : memref<128x144xf32, #tpu.memory_space<vmem>>, vector<1x16xf32>,
        %swap3A_139 = vector.shape_cast %swap3A_138 : vector<1x16xf32> to vector<16xf32>
        %swap3A_140 = vector.shape_cast %mul3A_135 : vector<16xf32> to vector<1x16xf32>
        tpu.vector_store %arg11[%swap3A_136, %swap3A_137], %swap3A_140 {strides = array<i32>} : memref<128x144xf32, #tpu.memory_space<vmem>>, vector<1x16xf32>,
        %slice3A_141 = vector.extract_strided_slice %mul3A_93 {offsets = [2], sizes = [1], strides = [1]} : vector<16xf32> to vector<1xf32>
        %squeeze3A_142 = vector.extract %slice3A_141[0] : f32 from vector<1xf32>
        %get3A_143 = arith.index_cast %scan3A_77 : i32 to index
        %get3A_144 = arith.constant 64 : index
        %get3A_145 = tpu.vector_load %arg11[%get3A_143, %get3A_144] {strides = array<i32>} : memref<128x144xf32, #tpu.memory_space<vmem>>, vector<1x16xf32>,
        %get3A_146 = vector.shape_cast %get3A_145 : vector<1x16xf32> to vector<16xf32>
        %mul3A_147 = vector.broadcast %squeeze3A_142 : f32 to vector<16xf32>
        %mul3A_148 = arith.mulf %get3A_146, %mul3A_147 : vector<16xf32>
        %swap3A_149 = arith.index_cast %scan3A_77 : i32 to index
        %swap3A_150 = arith.constant 64 : index
        %swap3A_151 = tpu.vector_load %arg11[%swap3A_149, %swap3A_150] {strides = array<i32>} : memref<128x144xf32, #tpu.memory_space<vmem>>, vector<1x16xf32>,
        %swap3A_152 = vector.shape_cast %swap3A_151 : vector<1x16xf32> to vector<16xf32>
        %swap3A_153 = vector.shape_cast %mul3A_148 : vector<16xf32> to vector<1x16xf32>
        tpu.vector_store %arg11[%swap3A_149, %swap3A_150], %swap3A_153 {strides = array<i32>} : memref<128x144xf32, #tpu.memory_space<vmem>>, vector<1x16xf32>,
        %get3A_154 = arith.index_cast %scan3A_77 : i32 to index
        %get3A_155 = arith.constant 80 : index
        %get3A_156 = tpu.vector_load %arg11[%get3A_154, %get3A_155] {strides = array<i32>} : memref<128x144xf32, #tpu.memory_space<vmem>>, vector<1x16xf32>,
        %get3A_157 = vector.shape_cast %get3A_156 : vector<1x16xf32> to vector<16xf32>
        %mul3A_158 = vector.broadcast %squeeze3A_142 : f32 to vector<16xf32>
        %mul3A_159 = arith.mulf %get3A_157, %mul3A_158 : vector<16xf32>
        %swap3A_160 = arith.index_cast %scan3A_77 : i32 to index
        %swap3A_161 = arith.constant 80 : index
        %swap3A_162 = tpu.vector_load %arg11[%swap3A_160, %swap3A_161] {strides = array<i32>} : memref<128x144xf32, #tpu.memory_space<vmem>>, vector<1x16xf32>,
        %swap3A_163 = vector.shape_cast %swap3A_162 : vector<1x16xf32> to vector<16xf32>
        %swap3A_164 = vector.shape_cast %mul3A_159 : vector<16xf32> to vector<1x16xf32>
        tpu.vector_store %arg11[%swap3A_160, %swap3A_161], %swap3A_164 {strides = array<i32>} : memref<128x144xf32, #tpu.memory_space<vmem>>, vector<1x16xf32>,
        %slice3A_165 = vector.extract_strided_slice %mul3A_93 {offsets = [3], sizes = [1], strides = [1]} : vector<16xf32> to vector<1xf32>
        %squeeze3A_166 = vector.extract %slice3A_165[0] : f32 from vector<1xf32>
        %get3A_167 = arith.index_cast %scan3A_77 : i32 to index
        %get3A_168 = arith.constant 96 : index
        %get3A_169 = tpu.vector_load %arg11[%get3A_167, %get3A_168] {strides = array<i32>} : memref<128x144xf32, #tpu.memory_space<vmem>>, vector<1x16xf32>,
        %get3A_170 = vector.shape_cast %get3A_169 : vector<1x16xf32> to vector<16xf32>
        %mul3A_171 = vector.broadcast %squeeze3A_166 : f32 to vector<16xf32>
        %mul3A_172 = arith.mulf %get3A_170, %mul3A_171 : vector<16xf32>
        %swap3A_173 = arith.index_cast %scan3A_77 : i32 to index
        %swap3A_174 = arith.constant 96 : index
        %swap3A_175 = tpu.vector_load %arg11[%swap3A_173, %swap3A_174] {strides = array<i32>} : memref<128x144xf32, #tpu.memory_space<vmem>>, vector<1x16xf32>,
        %swap3A_176 = vector.shape_cast %swap3A_175 : vector<1x16xf32> to vector<16xf32>
        %swap3A_177 = vector.shape_cast %mul3A_172 : vector<16xf32> to vector<1x16xf32>
        tpu.vector_store %arg11[%swap3A_173, %swap3A_174], %swap3A_177 {strides = array<i32>} : memref<128x144xf32, #tpu.memory_space<vmem>>, vector<1x16xf32>,
        %get3A_178 = arith.index_cast %scan3A_77 : i32 to index
        %get3A_179 = arith.constant 112 : index
        %get3A_180 = tpu.vector_load %arg11[%get3A_178, %get3A_179] {strides = array<i32>} : memref<128x144xf32, #tpu.memory_space<vmem>>, vector<1x16xf32>,
        %get3A_181 = vector.shape_cast %get3A_180 : vector<1x16xf32> to vector<16xf32>
        %mul3A_182 = vector.broadcast %squeeze3A_166 : f32 to vector<16xf32>
        %mul3A_183 = arith.mulf %get3A_181, %mul3A_182 : vector<16xf32>
        %swap3A_184 = arith.index_cast %scan3A_77 : i32 to index
        %swap3A_185 = arith.constant 112 : index
        %swap3A_186 = tpu.vector_load %arg11[%swap3A_184, %swap3A_185] {strides = array<i32>} : memref<128x144xf32, #tpu.memory_space<vmem>>, vector<1x16xf32>,
        %swap3A_187 = vector.shape_cast %swap3A_186 : vector<1x16xf32> to vector<16xf32>
        %swap3A_188 = vector.shape_cast %mul3A_183 : vector<16xf32> to vector<1x16xf32>
        tpu.vector_store %arg11[%swap3A_184, %swap3A_185], %swap3A_188 {strides = array<i32>} : memref<128x144xf32, #tpu.memory_space<vmem>>, vector<1x16xf32>,
        %swap3A_189 = arith.index_cast %scan3A_77 : i32 to index
        %swap3A_190 = arith.constant 128 : index
        %swap3A_191 = tpu.vector_load %arg11[%swap3A_189, %swap3A_190] {strides = array<i32>} : memref<128x144xf32, #tpu.memory_space<vmem>>, vector<1x16xf32>,
        %swap3A_192 = vector.shape_cast %swap3A_191 : vector<1x16xf32> to vector<16xf32>
        %swap3A_193 = vector.shape_cast %mul3A_93 : vector<16xf32> to vector<1x16xf32>
        tpu.vector_store %arg11[%swap3A_189, %swap3A_190], %swap3A_193 {strides = array<i32>} : memref<128x144xf32, #tpu.memory_space<vmem>>, vector<1x16xf32>,
        %scan3A_194 = arith.constant 1 : i32
        %scan3A_195 = arith.addi %scan3A_77, %scan3A_194 : i32
        %get3A_196 = arith.index_cast %scan3A_195 : i32 to index
        %get3A_197 = arith.constant 0 : index
        %get3A_198 = tpu.vector_load %arg12[%get3A_196, %get3A_197] {strides = array<i32>} : memref<128x16xf32, #tpu.memory_space<vmem>>, vector<1x16xf32>,
        %get3A_199 = vector.shape_cast %get3A_198 : vector<1x16xf32> to vector<16xf32>
        %get3A_200 = arith.index_cast %scan3A_195 : i32 to index
        %get3A_201 = arith.constant 128 : index
        %get3A_202 = tpu.vector_load %arg11[%get3A_200, %get3A_201] {strides = array<i32>} : memref<128x144xf32, #tpu.memory_space<vmem>>, vector<1x16xf32>,
        %get3A_203 = vector.shape_cast %get3A_202 : vector<1x16xf32> to vector<16xf32>
        %add3A_204 = arith.addf %get3A_199, %get3A_203 : vector<16xf32>
        %mul3A_205 = arith.constant 2.000000e-01 : f32
        %mul3A_206 = vector.broadcast %mul3A_205 : f32 to vector<16xf32>
        %mul3A_207 = arith.mulf %add3A_204, %mul3A_206 : vector<16xf32>
        %max3A_208 = arith.maximumf %add3A_204, %mul3A_207 : vector<16xf32>
        %get3A_209 = arith.index_cast %scan3A_195 : i32 to index
        %get3A_210 = tpu.vector_load %arg10[%get3A_209] {strides = array<i32>} : memref<144xf32, #tpu.memory_space<vmem>>, vector<16xf32>,
        %get3A_211 = vector.shape_cast %get3A_210 : vector<16xf32> to vector<16xf32>
        %exp3A_212 = math.exp %max3A_208 : vector<16xf32>
        %slice3A_213 = vector.extract_strided_slice %get3A_211 {offsets = [0], sizes = [1], strides = [1]} : vector<16xf32> to vector<1xf32>
        %squeeze3A_214 = vector.extract %slice3A_213[0] : f32 from vector<1xf32>
        %mul3A_215 = vector.broadcast %squeeze3A_214 : f32 to vector<16xf32>
        %mul3A_216 = arith.mulf %exp3A_212, %mul3A_215 : vector<16xf32>
        %slice3A_217 = vector.extract_strided_slice %mul3A_216 {offsets = [0], sizes = [1], strides = [1]} : vector<16xf32> to vector<1xf32>
        %squeeze3A_218 = vector.extract %slice3A_217[0] : f32 from vector<1xf32>
        %get3A_219 = arith.index_cast %scan3A_195 : i32 to index
        %get3A_220 = arith.constant 0 : index
        %get3A_221 = tpu.vector_load %arg11[%get3A_219, %get3A_220] {strides = array<i32>} : memref<128x144xf32, #tpu.memory_space<vmem>>, vector<1x16xf32>,
        %get3A_222 = vector.shape_cast %get3A_221 : vector<1x16xf32> to vector<16xf32>
        %mul3A_223 = vector.broadcast %squeeze3A_218 : f32 to vector<16xf32>
        %mul3A_224 = arith.mulf %get3A_222, %mul3A_223 : vector<16xf32>
        %swap3A_225 = arith.index_cast %scan3A_195 : i32 to index
        %swap3A_226 = arith.constant 0 : index
        %swap3A_227 = tpu.vector_load %arg11[%swap3A_225, %swap3A_226] {strides = array<i32>} : memref<128x144xf32, #tpu.memory_space<vmem>>, vector<1x16xf32>,
        %swap3A_228 = vector.shape_cast %swap3A_227 : vector<1x16xf32> to vector<16xf32>
        %swap3A_229 = vector.shape_cast %mul3A_224 : vector<16xf32> to vector<1x16xf32>
        tpu.vector_store %arg11[%swap3A_225, %swap3A_226], %swap3A_229 {strides = array<i32>} : memref<128x144xf32, #tpu.memory_space<vmem>>, vector<1x16xf32>,
        %get3A_230 = arith.index_cast %scan3A_195 : i32 to index
        %get3A_231 = arith.constant 16 : index
        %get3A_232 = tpu.vector_load %arg11[%get3A_230, %get3A_231] {strides = array<i32>} : memref<128x144xf32, #tpu.memory_space<vmem>>, vector<1x16xf32>,
        %get3A_233 = vector.shape_cast %get3A_232 : vector<1x16xf32> to vector<16xf32>
        %mul3A_234 = vector.broadcast %squeeze3A_218 : f32 to vector<16xf32>
        %mul3A_235 = arith.mulf %get3A_233, %mul3A_234 : vector<16xf32>
        %swap3A_236 = arith.index_cast %scan3A_195 : i32 to index
        %swap3A_237 = arith.constant 16 : index
        %swap3A_238 = tpu.vector_load %arg11[%swap3A_236, %swap3A_237] {strides = array<i32>} : memref<128x144xf32, #tpu.memory_space<vmem>>, vector<1x16xf32>,
        %swap3A_239 = vector.shape_cast %swap3A_238 : vector<1x16xf32> to vector<16xf32>
        %swap3A_240 = vector.shape_cast %mul3A_235 : vector<16xf32> to vector<1x16xf32>
        tpu.vector_store %arg11[%swap3A_236, %swap3A_237], %swap3A_240 {strides = array<i32>} : memref<128x144xf32, #tpu.memory_space<vmem>>, vector<1x16xf32>,
        %slice3A_241 = vector.extract_strided_slice %mul3A_216 {offsets = [1], sizes = [1], strides = [1]} : vector<16xf32> to vector<1xf32>
        %squeeze3A_242 = vector.extract %slice3A_241[0] : f32 from vector<1xf32>
        %get3A_243 = arith.index_cast %scan3A_195 : i32 to index
        %get3A_244 = arith.constant 32 : index
        %get3A_245 = tpu.vector_load %arg11[%get3A_243, %get3A_244] {strides = array<i32>} : memref<128x144xf32, #tpu.memory_space<vmem>>, vector<1x16xf32>,
        %get3A_246 = vector.shape_cast %get3A_245 : vector<1x16xf32> to vector<16xf32>
        %mul3A_247 = vector.broadcast %squeeze3A_242 : f32 to vector<16xf32>
        %mul3A_248 = arith.mulf %get3A_246, %mul3A_247 : vector<16xf32>
        %swap3A_249 = arith.index_cast %scan3A_195 : i32 to index
        %swap3A_250 = arith.constant 32 : index
        %swap3A_251 = tpu.vector_load %arg11[%swap3A_249, %swap3A_250] {strides = array<i32>} : memref<128x144xf32, #tpu.memory_space<vmem>>, vector<1x16xf32>,
        %swap3A_252 = vector.shape_cast %swap3A_251 : vector<1x16xf32> to vector<16xf32>
        %swap3A_253 = vector.shape_cast %mul3A_248 : vector<16xf32> to vector<1x16xf32>
        tpu.vector_store %arg11[%swap3A_249, %swap3A_250], %swap3A_253 {strides = array<i32>} : memref<128x144xf32, #tpu.memory_space<vmem>>, vector<1x16xf32>,
        %get3A_254 = arith.index_cast %scan3A_195 : i32 to index
        %get3A_255 = arith.constant 48 : index
        %get3A_256 = tpu.vector_load %arg11[%get3A_254, %get3A_255] {strides = array<i32>} : memref<128x144xf32, #tpu.memory_space<vmem>>, vector<1x16xf32>,
        %get3A_257 = vector.shape_cast %get3A_256 : vector<1x16xf32> to vector<16xf32>
        %mul3A_258 = vector.broadcast %squeeze3A_242 : f32 to vector<16xf32>
        %mul3A_259 = arith.mulf %get3A_257, %mul3A_258 : vector<16xf32>
        %swap3A_260 = arith.index_cast %scan3A_195 : i32 to index
        %swap3A_261 = arith.constant 48 : index
        %swap3A_262 = tpu.vector_load %arg11[%swap3A_260, %swap3A_261] {strides = array<i32>} : memref<128x144xf32, #tpu.memory_space<vmem>>, vector<1x16xf32>,
        %swap3A_263 = vector.shape_cast %swap3A_262 : vector<1x16xf32> to vector<16xf32>
        %swap3A_264 = vector.shape_cast %mul3A_259 : vector<16xf32> to vector<1x16xf32>
        tpu.vector_store %arg11[%swap3A_260, %swap3A_261], %swap3A_264 {strides = array<i32>} : memref<128x144xf32, #tpu.memory_space<vmem>>, vector<1x16xf32>,
        %slice3A_265 = vector.extract_strided_slice %mul3A_216 {offsets = [2], sizes = [1], strides = [1]} : vector<16xf32> to vector<1xf32>
        %squeeze3A_266 = vector.extract %slice3A_265[0] : f32 from vector<1xf32>
        %get3A_267 = arith.index_cast %scan3A_195 : i32 to index
        %get3A_268 = arith.constant 64 : index
        %get3A_269 = tpu.vector_load %arg11[%get3A_267, %get3A_268] {strides = array<i32>} : memref<128x144xf32, #tpu.memory_space<vmem>>, vector<1x16xf32>,
        %get3A_270 = vector.shape_cast %get3A_269 : vector<1x16xf32> to vector<16xf32>
        %mul3A_271 = vector.broadcast %squeeze3A_266 : f32 to vector<16xf32>
        %mul3A_272 = arith.mulf %get3A_270, %mul3A_271 : vector<16xf32>
        %swap3A_273 = arith.index_cast %scan3A_195 : i32 to index
        %swap3A_274 = arith.constant 64 : index
        %swap3A_275 = tpu.vector_load %arg11[%swap3A_273, %swap3A_274] {strides = array<i32>} : memref<128x144xf32, #tpu.memory_space<vmem>>, vector<1x16xf32>,
        %swap3A_276 = vector.shape_cast %swap3A_275 : vector<1x16xf32> to vector<16xf32>
        %swap3A_277 = vector.shape_cast %mul3A_272 : vector<16xf32> to vector<1x16xf32>
        tpu.vector_store %arg11[%swap3A_273, %swap3A_274], %swap3A_277 {strides = array<i32>} : memref<128x144xf32, #tpu.memory_space<vmem>>, vector<1x16xf32>,
        %get3A_278 = arith.index_cast %scan3A_195 : i32 to index
        %get3A_279 = arith.constant 80 : index
        %get3A_280 = tpu.vector_load %arg11[%get3A_278, %get3A_279] {strides = array<i32>} : memref<128x144xf32, #tpu.memory_space<vmem>>, vector<1x16xf32>,
        %get3A_281 = vector.shape_cast %get3A_280 : vector<1x16xf32> to vector<16xf32>
        %mul3A_282 = vector.broadcast %squeeze3A_266 : f32 to vector<16xf32>
        %mul3A_283 = arith.mulf %get3A_281, %mul3A_282 : vector<16xf32>
        %swap3A_284 = arith.index_cast %scan3A_195 : i32 to index
        %swap3A_285 = arith.constant 80 : index
        %swap3A_286 = tpu.vector_load %arg11[%swap3A_284, %swap3A_285] {strides = array<i32>} : memref<128x144xf32, #tpu.memory_space<vmem>>, vector<1x16xf32>,
        %swap3A_287 = vector.shape_cast %swap3A_286 : vector<1x16xf32> to vector<16xf32>
        %swap3A_288 = vector.shape_cast %mul3A_283 : vector<16xf32> to vector<1x16xf32>
        tpu.vector_store %arg11[%swap3A_284, %swap3A_285], %swap3A_288 {strides = array<i32>} : memref<128x144xf32, #tpu.memory_space<vmem>>, vector<1x16xf32>,
        %slice3A_289 = vector.extract_strided_slice %mul3A_216 {offsets = [3], sizes = [1], strides = [1]} : vector<16xf32> to vector<1xf32>
        %squeeze3A_290 = vector.extract %slice3A_289[0] : f32 from vector<1xf32>
        %get3A_291 = arith.index_cast %scan3A_195 : i32 to index
        %get3A_292 = arith.constant 96 : index
        %get3A_293 = tpu.vector_load %arg11[%get3A_291, %get3A_292] {strides = array<i32>} : memref<128x144xf32, #tpu.memory_space<vmem>>, vector<1x16xf32>,
        %get3A_294 = vector.shape_cast %get3A_293 : vector<1x16xf32> to vector<16xf32>
        %mul3A_295 = vector.broadcast %squeeze3A_290 : f32 to vector<16xf32>
        %mul3A_296 = arith.mulf %get3A_294, %mul3A_295 : vector<16xf32>
        %swap3A_297 = arith.index_cast %scan3A_195 : i32 to index
        %swap3A_298 = arith.constant 96 : index
        %swap3A_299 = tpu.vector_load %arg11[%swap3A_297, %swap3A_298] {strides = array<i32>} : memref<128x144xf32, #tpu.memory_space<vmem>>, vector<1x16xf32>,
        %swap3A_300 = vector.shape_cast %swap3A_299 : vector<1x16xf32> to vector<16xf32>
        %swap3A_301 = vector.shape_cast %mul3A_296 : vector<16xf32> to vector<1x16xf32>
        tpu.vector_store %arg11[%swap3A_297, %swap3A_298], %swap3A_301 {strides = array<i32>} : memref<128x144xf32, #tpu.memory_space<vmem>>, vector<1x16xf32>,
        %get3A_302 = arith.index_cast %scan3A_195 : i32 to index
        %get3A_303 = arith.constant 112 : index
        %get3A_304 = tpu.vector_load %arg11[%get3A_302, %get3A_303] {strides = array<i32>} : memref<128x144xf32, #tpu.memory_space<vmem>>, vector<1x16xf32>,
        %get3A_305 = vector.shape_cast %get3A_304 : vector<1x16xf32> to vector<16xf32>
        %mul3A_306 = vector.broadcast %squeeze3A_290 : f32 to vector<16xf32>
        %mul3A_307 = arith.mulf %get3A_305, %mul3A_306 : vector<16xf32>
        %swap3A_308 = arith.index_cast %scan3A_195 : i32 to index
        %swap3A_309 = arith.constant 112 : index
        %swap3A_310 = tpu.vector_load %arg11[%swap3A_308, %swap3A_309] {strides = array<i32>} : memref<128x144xf32, #tpu.memory_space<vmem>>, vector<1x16xf32>,
        %swap3A_311 = vector.shape_cast %swap3A_310 : vector<1x16xf32> to vector<16xf32>
        %swap3A_312 = vector.shape_cast %mul3A_307 : vector<16xf32> to vector<1x16xf32>
        tpu.vector_store %arg11[%swap3A_308, %swap3A_309], %swap3A_312 {strides = array<i32>} : memref<128x144xf32, #tpu.memory_space<vmem>>, vector<1x16xf32>,
        %swap3A_313 = arith.index_cast %scan3A_195 : i32 to index
        %swap3A_314 = arith.constant 128 : index
        %swap3A_315 = tpu.vector_load %arg11[%swap3A_313, %swap3A_314] {strides = array<i32>} : memref<128x144xf32, #tpu.memory_space<vmem>>, vector<1x16xf32>,
        %swap3A_316 = vector.shape_cast %swap3A_315 : vector<1x16xf32> to vector<16xf32>
        %swap3A_317 = vector.shape_cast %mul3A_216 : vector<16xf32> to vector<1x16xf32>
        tpu.vector_store %arg11[%swap3A_313, %swap3A_314], %swap3A_317 {strides = array<i32>} : memref<128x144xf32, #tpu.memory_space<vmem>>, vector<1x16xf32>,
      }
      %scan3A_76 = arith.constant 128 : i32
      "tpu.region"() ({
        %run_scoped3A = tpu.sem_alloc : memref<!tpu.dma_semaphore, #tpu.memory_space<semaphore_mem>>
        %dma_start3A_77 = arith.constant 0 : i32
        %dma_start3A_78 = arith.constant 0 : i32
        %dma_start3A_79 = tpu.memref_slice %arg19[%dma_start3A_77, %dma_start3A_78] : memref<10000x144xf32, #tpu.memory_space<vmem_shared>> -> memref<10000x144xf32, #tpu.memory_space<vmem_shared>>
        tpu.enqueue_indirect_dma source(%arg11 : memref<128x144xf32, #tpu.memory_space<vmem>>) target(%dma_start3A_79 : memref<10000x144xf32, #tpu.memory_space<vmem_shared>>) offsets(%arg8 : memref<128xi32, #tpu.memory_space<vmem>>) semaphore(%run_scoped3A : memref<!tpu.dma_semaphore, #tpu.memory_space<semaphore_mem>>) {add = true}
        %dma_wait3A_80 = arith.constant 0 : i32
        %dma_wait3A_81 = arith.constant 0 : i32
        %dma_wait3A_82 = tpu.memref_slice %arg19[%dma_wait3A_80, %dma_wait3A_81] : memref<10000x144xf32, #tpu.memory_space<vmem_shared>> -> memref<10000x144xf32, #tpu.memory_space<vmem_shared>>
        tpu.wait_indirect_dma semaphore(%run_scoped3A : memref<!tpu.dma_semaphore, #tpu.memory_space<semaphore_mem>>) src(%arg11 : memref<128x144xf32, #tpu.memory_space<vmem>>) dst(%dma_wait3A_82 : memref<10000x144xf32, #tpu.memory_space<vmem_shared>>)
        tpu.yield
      }) : () -> ()
    }
    %scan3A_35 = arith.constant 82 : i32
    %barrier3A_36 = arith.constant 0 : index
    tpu.barrier barrier_id(%barrier3A_36)
    %mul3A_37 = arith.constant 625 : i32
    %mul3A_38 = arith.muli %arg1, %mul3A_37 : i32
    %add3A_39 = arith.constant 0 : i32
    %add3A_40 = arith.addi %mul3A_38, %add3A_39 : i32
    "tpu.region"() ({
      %run_scoped3A = tpu.sem_alloc : memref<!tpu.dma_semaphore, #tpu.memory_space<semaphore_mem>>
      %dma_start3A = arith.constant 0 : i32
      %dma_start3A_57 = tpu.memref_slice %arg7[%arg0, %add3A_40, %dma_start3A] : memref<2x10000x144xf32, #tpu.memory_space<hbm>> -> memref<1x125x144xf32, #tpu.memory_space<hbm>>
      %dma_start3A_58 = tpu.memref_squeeze %dma_start3A_57 : memref<1x125x144xf32, #tpu.memory_space<hbm>> -> memref<125x144xf32, #tpu.memory_space<hbm>>
      %dma_start3A_59 = arith.constant 0 : i32
      %dma_start3A_60 = tpu.memref_slice %arg19[%add3A_40, %dma_start3A_59] : memref<10000x144xf32, #tpu.memory_space<vmem_shared>> -> memref<125x144xf32, #tpu.memory_space<vmem_shared>>
      tpu.enqueue_dma source(%dma_start3A_60 : memref<125x144xf32, #tpu.memory_space<vmem_shared>>) target(%dma_start3A_58 : memref<125x144xf32, #tpu.memory_space<hbm>>) target_semaphore(%run_scoped3A : memref<!tpu.dma_semaphore, #tpu.memory_space<semaphore_mem>>)
      %dma_wait3A = arith.constant 0 : i32
      %dma_wait3A_61 = tpu.memref_slice %arg7[%arg0, %add3A_40, %dma_wait3A] : memref<2x10000x144xf32, #tpu.memory_space<hbm>> -> memref<1x125x144xf32, #tpu.memory_space<hbm>>
      %dma_wait3A_62 = tpu.memref_squeeze %dma_wait3A_61 : memref<1x125x144xf32, #tpu.memory_space<hbm>> -> memref<125x144xf32, #tpu.memory_space<hbm>>
      %dma_wait3A_63 = arith.constant 0 : i32
      %dma_wait3A_64 = tpu.memref_slice %arg19[%add3A_40, %dma_wait3A_63] : memref<10000x144xf32, #tpu.memory_space<vmem_shared>> -> memref<125x144xf32, #tpu.memory_space<vmem_shared>>
      tpu.wait_dma2 semaphore(%run_scoped3A : memref<!tpu.dma_semaphore, #tpu.memory_space<semaphore_mem>>) src(%dma_wait3A_64 : memref<125x144xf32, #tpu.memory_space<vmem_shared>>) dst(%dma_wait3A_62 : memref<125x144xf32, #tpu.memory_space<hbm>>)
      tpu.yield
    }) : () -> ()
    %mul3A_41 = arith.constant 625 : i32
    %mul3A_42 = arith.muli %arg1, %mul3A_41 : i32
    %add3A_43 = arith.constant 125 : i32
    %add3A_44 = arith.addi %mul3A_42, %add3A_43 : i32
    "tpu.region"() ({
      %run_scoped3A = tpu.sem_alloc : memref<!tpu.dma_semaphore, #tpu.memory_space<semaphore_mem>>
      %dma_start3A = arith.constant 0 : i32
      %dma_start3A_57 = tpu.memref_slice %arg7[%arg0, %add3A_44, %dma_start3A] : memref<2x10000x144xf32, #tpu.memory_space<hbm>> -> memref<1x125x144xf32, #tpu.memory_space<hbm>>
      %dma_start3A_58 = tpu.memref_squeeze %dma_start3A_57 : memref<1x125x144xf32, #tpu.memory_space<hbm>> -> memref<125x144xf32, #tpu.memory_space<hbm>>
      %dma_start3A_59 = arith.constant 0 : i32
      %dma_start3A_60 = tpu.memref_slice %arg19[%add3A_44, %dma_start3A_59] : memref<10000x144xf32, #tpu.memory_space<vmem_shared>> -> memref<125x144xf32, #tpu.memory_space<vmem_shared>>
      tpu.enqueue_dma source(%dma_start3A_60 : memref<125x144xf32, #tpu.memory_space<vmem_shared>>) target(%dma_start3A_58 : memref<125x144xf32, #tpu.memory_space<hbm>>) target_semaphore(%run_scoped3A : memref<!tpu.dma_semaphore, #tpu.memory_space<semaphore_mem>>)
      %dma_wait3A = arith.constant 0 : i32
      %dma_wait3A_61 = tpu.memref_slice %arg7[%arg0, %add3A_44, %dma_wait3A] : memref<2x10000x144xf32, #tpu.memory_space<hbm>> -> memref<1x125x144xf32, #tpu.memory_space<hbm>>
      %dma_wait3A_62 = tpu.memref_squeeze %dma_wait3A_61 : memref<1x125x144xf32, #tpu.memory_space<hbm>> -> memref<125x144xf32, #tpu.memory_space<hbm>>
      %dma_wait3A_63 = arith.constant 0 : i32
      %dma_wait3A_64 = tpu.memref_slice %arg19[%add3A_44, %dma_wait3A_63] : memref<10000x144xf32, #tpu.memory_space<vmem_shared>> -> memref<125x144xf32, #tpu.memory_space<vmem_shared>>
      tpu.wait_dma2 semaphore(%run_scoped3A : memref<!tpu.dma_semaphore, #tpu.memory_space<semaphore_mem>>) src(%dma_wait3A_64 : memref<125x144xf32, #tpu.memory_space<vmem_shared>>) dst(%dma_wait3A_62 : memref<125x144xf32, #tpu.memory_space<hbm>>)
      tpu.yield
    }) : () -> ()
    %mul3A_45 = arith.constant 625 : i32
    %mul3A_46 = arith.muli %arg1, %mul3A_45 : i32
    %add3A_47 = arith.constant 250 : i32
    %add3A_48 = arith.addi %mul3A_46, %add3A_47 : i32
    "tpu.region"() ({
      %run_scoped3A = tpu.sem_alloc : memref<!tpu.dma_semaphore, #tpu.memory_space<semaphore_mem>>
      %dma_start3A = arith.constant 0 : i32
      %dma_start3A_57 = tpu.memref_slice %arg7[%arg0, %add3A_48, %dma_start3A] : memref<2x10000x144xf32, #tpu.memory_space<hbm>> -> memref<1x125x144xf32, #tpu.memory_space<hbm>>
      %dma_start3A_58 = tpu.memref_squeeze %dma_start3A_57 : memref<1x125x144xf32, #tpu.memory_space<hbm>> -> memref<125x144xf32, #tpu.memory_space<hbm>>
      %dma_start3A_59 = arith.constant 0 : i32
      %dma_start3A_60 = tpu.memref_slice %arg19[%add3A_48, %dma_start3A_59] : memref<10000x144xf32, #tpu.memory_space<vmem_shared>> -> memref<125x144xf32, #tpu.memory_space<vmem_shared>>
      tpu.enqueue_dma source(%dma_start3A_60 : memref<125x144xf32, #tpu.memory_space<vmem_shared>>) target(%dma_start3A_58 : memref<125x144xf32, #tpu.memory_space<hbm>>) target_semaphore(%run_scoped3A : memref<!tpu.dma_semaphore, #tpu.memory_space<semaphore_mem>>)
      %dma_wait3A = arith.constant 0 : i32
      %dma_wait3A_61 = tpu.memref_slice %arg7[%arg0, %add3A_48, %dma_wait3A] : memref<2x10000x144xf32, #tpu.memory_space<hbm>> -> memref<1x125x144xf32, #tpu.memory_space<hbm>>
      %dma_wait3A_62 = tpu.memref_squeeze %dma_wait3A_61 : memref<1x125x144xf32, #tpu.memory_space<hbm>> -> memref<125x144xf32, #tpu.memory_space<hbm>>
      %dma_wait3A_63 = arith.constant 0 : i32
      %dma_wait3A_64 = tpu.memref_slice %arg19[%add3A_48, %dma_wait3A_63] : memref<10000x144xf32, #tpu.memory_space<vmem_shared>> -> memref<125x144xf32, #tpu.memory_space<vmem_shared>>
      tpu.wait_dma2 semaphore(%run_scoped3A : memref<!tpu.dma_semaphore, #tpu.memory_space<semaphore_mem>>) src(%dma_wait3A_64 : memref<125x144xf32, #tpu.memory_space<vmem_shared>>) dst(%dma_wait3A_62 : memref<125x144xf32, #tpu.memory_space<hbm>>)
      tpu.yield
    }) : () -> ()
    %mul3A_49 = arith.constant 625 : i32
    %mul3A_50 = arith.muli %arg1, %mul3A_49 : i32
    %add3A_51 = arith.constant 375 : i32
    %add3A_52 = arith.addi %mul3A_50, %add3A_51 : i32
    "tpu.region"() ({
      %run_scoped3A = tpu.sem_alloc : memref<!tpu.dma_semaphore, #tpu.memory_space<semaphore_mem>>
      %dma_start3A = arith.constant 0 : i32
      %dma_start3A_57 = tpu.memref_slice %arg7[%arg0, %add3A_52, %dma_start3A] : memref<2x10000x144xf32, #tpu.memory_space<hbm>> -> memref<1x125x144xf32, #tpu.memory_space<hbm>>
      %dma_start3A_58 = tpu.memref_squeeze %dma_start3A_57 : memref<1x125x144xf32, #tpu.memory_space<hbm>> -> memref<125x144xf32, #tpu.memory_space<hbm>>
      %dma_start3A_59 = arith.constant 0 : i32
      %dma_start3A_60 = tpu.memref_slice %arg19[%add3A_52, %dma_start3A_59] : memref<10000x144xf32, #tpu.memory_space<vmem_shared>> -> memref<125x144xf32, #tpu.memory_space<vmem_shared>>
      tpu.enqueue_dma source(%dma_start3A_60 : memref<125x144xf32, #tpu.memory_space<vmem_shared>>) target(%dma_start3A_58 : memref<125x144xf32, #tpu.memory_space<hbm>>) target_semaphore(%run_scoped3A : memref<!tpu.dma_semaphore, #tpu.memory_space<semaphore_mem>>)
      %dma_wait3A = arith.constant 0 : i32
      %dma_wait3A_61 = tpu.memref_slice %arg7[%arg0, %add3A_52, %dma_wait3A] : memref<2x10000x144xf32, #tpu.memory_space<hbm>> -> memref<1x125x144xf32, #tpu.memory_space<hbm>>
      %dma_wait3A_62 = tpu.memref_squeeze %dma_wait3A_61 : memref<1x125x144xf32, #tpu.memory_space<hbm>> -> memref<125x144xf32, #tpu.memory_space<hbm>>
      %dma_wait3A_63 = arith.constant 0 : i32
      %dma_wait3A_64 = tpu.memref_slice %arg19[%add3A_52, %dma_wait3A_63] : memref<10000x144xf32, #tpu.memory_space<vmem_shared>> -> memref<125x144xf32, #tpu.memory_space<vmem_shared>>
      tpu.wait_dma2 semaphore(%run_scoped3A : memref<!tpu.dma_semaphore, #tpu.memory_space<semaphore_mem>>) src(%dma_wait3A_64 : memref<125x144xf32, #tpu.memory_space<vmem_shared>>) dst(%dma_wait3A_62 : memref<125x144xf32, #tpu.memory_space<hbm>>)
      tpu.yield
    }) : () -> ()
    %mul3A_53 = arith.constant 625 : i32
    %mul3A_54 = arith.muli %arg1, %mul3A_53 : i32
    %add3A_55 = arith.constant 500 : i32
    %add3A_56 = arith.addi %mul3A_54, %add3A_55 : i32
    "tpu.region"() ({
      %run_scoped3A = tpu.sem_alloc : memref<!tpu.dma_semaphore, #tpu.memory_space<semaphore_mem>>
      %dma_start3A = arith.constant 0 : i32
      %dma_start3A_57 = tpu.memref_slice %arg7[%arg0, %add3A_56, %dma_start3A] : memref<2x10000x144xf32, #tpu.memory_space<hbm>> -> memref<1x125x144xf32, #tpu.memory_space<hbm>>
      %dma_start3A_58 = tpu.memref_squeeze %dma_start3A_57 : memref<1x125x144xf32, #tpu.memory_space<hbm>> -> memref<125x144xf32, #tpu.memory_space<hbm>>
      %dma_start3A_59 = arith.constant 0 : i32
      %dma_start3A_60 = tpu.memref_slice %arg19[%add3A_56, %dma_start3A_59] : memref<10000x144xf32, #tpu.memory_space<vmem_shared>> -> memref<125x144xf32, #tpu.memory_space<vmem_shared>>
      tpu.enqueue_dma source(%dma_start3A_60 : memref<125x144xf32, #tpu.memory_space<vmem_shared>>) target(%dma_start3A_58 : memref<125x144xf32, #tpu.memory_space<hbm>>) target_semaphore(%run_scoped3A : memref<!tpu.dma_semaphore, #tpu.memory_space<semaphore_mem>>)
      %dma_wait3A = arith.constant 0 : i32
      %dma_wait3A_61 = tpu.memref_slice %arg7[%arg0, %add3A_56, %dma_wait3A] : memref<2x10000x144xf32, #tpu.memory_space<hbm>> -> memref<1x125x144xf32, #tpu.memory_space<hbm>>
      %dma_wait3A_62 = tpu.memref_squeeze %dma_wait3A_61 : memref<1x125x144xf32, #tpu.memory_space<hbm>> -> memref<125x144xf32, #tpu.memory_space<hbm>>
      %dma_wait3A_63 = arith.constant 0 : i32
      %dma_wait3A_64 = tpu.memref_slice %arg19[%add3A_56, %dma_wait3A_63] : memref<10000x144xf32, #tpu.memory_space<vmem_shared>> -> memref<125x144xf32, #tpu.memory_space<vmem_shared>>
      tpu.wait_dma2 semaphore(%run_scoped3A : memref<!tpu.dma_semaphore, #tpu.memory_space<semaphore_mem>>) src(%dma_wait3A_64 : memref<125x144xf32, #tpu.memory_space<vmem_shared>>) dst(%dma_wait3A_62 : memref<125x144xf32, #tpu.memory_space<hbm>>)
      tpu.yield
    }) : () -> ()
    return
  }
}

module attributes {stable_mosaic.version = 14 : i64} {
  func.func @_body_a(%arg0: i32, %arg1: memref<2000x128xf32, #tpu.memory_space<vmem>>, %arg2: memref<128x128xf32, #tpu.memory_space<vmem>>, %arg3: memref<128x144xf32, #tpu.memory_space<vmem>>, %arg4: memref<128x16xf32, #tpu.memory_space<vmem>>, %arg5: memref<2000x144xf32, #tpu.memory_space<vmem>>, %arg6: memref<2000x16xf32, #tpu.memory_space<vmem>>) attributes {dimension_semantics = [#tpu.dimension_semantics<arbitrary>], iteration_bounds = array<i64: 5>, scalar_prefetch = 0 : i64, scratch_operands = 0 : i64, tpu.core_type = #tpu.core_type<tc>, window_params = [{transform_indices = @transform_0, window_bounds = array<i64: 2000, 128>}, {pipeline_mode = #tpu.pipeline_mode<synchronous>, transform_indices = @transform_1, window_bounds = array<i64: 128, 128>}, {pipeline_mode = #tpu.pipeline_mode<synchronous>, transform_indices = @transform_2, window_bounds = array<i64: 128, 144>}, {pipeline_mode = #tpu.pipeline_mode<synchronous>, transform_indices = @transform_3, window_bounds = array<i64: 128, 16>}, {transform_indices = @transform_4, window_bounds = array<i64: 2000, 144>}, {transform_indices = @transform_5, window_bounds = array<i64: 2000, 16>}]} {
    %get3A = arith.constant 0 : index
    %get3A_0 = arith.constant 0 : index
    %get3A_1 = vector.load %arg1[%get3A, %get3A_0] : memref<2000x128xf32, #tpu.memory_space<vmem>>, vector<2000x128xf32>
    %get3A_2 = arith.constant 0 : index
    %get3A_3 = arith.constant 0 : index
    %get3A_4 = vector.load %arg2[%get3A_2, %get3A_3] : memref<128x128xf32, #tpu.memory_space<vmem>>, vector<128x128xf32>
    %dot_general3A = arith.constant dense<0.000000e+00> : vector<2000x128xf32>
    %dot_general3A_5 = tpu.matmul %get3A_1, %get3A_4, %dot_general3A {dimension_numbers = #tpu.dot_dimension_numbers<[1], [0], [0], [1], [0, 0, 1, 1], [], []>, transpose_lhs_hint = false} : vector<2000x128xf32>, vector<128x128xf32>, vector<2000x128xf32> -> vector<2000x128xf32>
    %get3A_6 = arith.constant 0 : index
    %get3A_7 = arith.constant 0 : index
    %get3A_8 = vector.load %arg3[%get3A_6, %get3A_7] : memref<128x144xf32, #tpu.memory_space<vmem>>, vector<128x144xf32>
    %dot_general3A_9 = arith.constant dense<0.000000e+00> : vector<2000x144xf32>
    %dot_general3A_10 = tpu.matmul %dot_general3A_5, %get3A_8, %dot_general3A_9 {dimension_numbers = #tpu.dot_dimension_numbers<[1], [0], [0], [1], [0, 0, 1, 1], [], []>, transpose_lhs_hint = false} : vector<2000x128xf32>, vector<128x144xf32>, vector<2000x144xf32> -> vector<2000x144xf32>
    %swap3A = arith.constant 0 : index
    %swap3A_11 = arith.constant 0 : index
    %swap3A_12 = vector.load %arg5[%swap3A, %swap3A_11] : memref<2000x144xf32, #tpu.memory_space<vmem>>, vector<2000x144xf32>
    tpu.vector_store %arg5[%swap3A, %swap3A_11], %dot_general3A_10 {strides = array<i32>} : memref<2000x144xf32, #tpu.memory_space<vmem>>, vector<2000x144xf32>,
    %get3A_13 = arith.constant 0 : index
    %get3A_14 = arith.constant 0 : index
    %get3A_15 = vector.load %arg4[%get3A_13, %get3A_14] : memref<128x16xf32, #tpu.memory_space<vmem>>, vector<128x16xf32>
    %dot_general3A_16 = arith.constant dense<0.000000e+00> : vector<2000x16xf32>
    %dot_general3A_17 = tpu.matmul %dot_general3A_5, %get3A_15, %dot_general3A_16 {dimension_numbers = #tpu.dot_dimension_numbers<[1], [0], [0], [1], [0, 0, 1, 1], [], []>, transpose_lhs_hint = false} : vector<2000x128xf32>, vector<128x16xf32>, vector<2000x16xf32> -> vector<2000x16xf32>
    %swap3A_18 = arith.constant 0 : index
    %swap3A_19 = arith.constant 0 : index
    %swap3A_20 = vector.load %arg6[%swap3A_18, %swap3A_19] : memref<2000x16xf32, #tpu.memory_space<vmem>>, vector<2000x16xf32>
    tpu.vector_store %arg6[%swap3A_18, %swap3A_19], %dot_general3A_17 {strides = array<i32>} : memref<2000x16xf32, #tpu.memory_space<vmem>>, vector<2000x16xf32>,
    return
  }
  func.func @transform_0(%arg0: i32) -> (i32, i32) {
    %c0_i32 = arith.constant 0 : i32
    %c0_i32_0 = arith.constant 0 : i32
    return %arg0, %c0_i32 : i32, i32
  }
  func.func @transform_1(%arg0: i32) -> (i32, i32) {
    %c0_i32 = arith.constant 0 : i32
    %c0_i32_0 = arith.constant 0 : i32
    %c0_i32_1 = arith.constant 0 : i32
    return %c0_i32, %c0_i32_0 : i32, i32
  }
  func.func @transform_2(%arg0: i32) -> (i32, i32) {
    %c0_i32 = arith.constant 0 : i32
    %c0_i32_0 = arith.constant 0 : i32
    %c0_i32_1 = arith.constant 0 : i32
    return %c0_i32, %c0_i32_0 : i32, i32
  }
  func.func @transform_3(%arg0: i32) -> (i32, i32) {
    %c0_i32 = arith.constant 0 : i32
    %c0_i32_0 = arith.constant 0 : i32
    %c0_i32_1 = arith.constant 0 : i32
    return %c0_i32, %c0_i32_0 : i32, i32
  }
  func.func @transform_4(%arg0: i32) -> (i32, i32) {
    %c0_i32 = arith.constant 0 : i32
    %c0_i32_0 = arith.constant 0 : i32
    return %arg0, %c0_i32 : i32, i32
  }
  func.func @transform_5(%arg0: i32) -> (i32, i32) {
    %c0_i32 = arith.constant 0 : i32
    %c0_i32_0 = arith.constant 0 : i32
    return %arg0, %c0_i32 : i32, i32
  }
}

module attributes {stable_mosaic.version = 14 : i64} {
  func.func @_body_c(%arg0: i32, %arg1: memref<2000x144xf32, #tpu.memory_space<vmem>>, %arg2: memref<2000x144xf32, #tpu.memory_space<vmem>>, %arg3: memref<144x128xf32, #tpu.memory_space<vmem>>, %arg4: memref<144x128xf32, #tpu.memory_space<vmem>>, %arg5: memref<1x128xf32, #tpu.memory_space<vmem>>, %arg6: memref<128x32xf32, #tpu.memory_space<vmem>>, %arg7: memref<32x48xf32, #tpu.memory_space<vmem>>, %arg8: memref<32x16xf32, #tpu.memory_space<vmem>>, %arg9: memref<2000x48xf32, #tpu.memory_space<vmem>>, %arg10: memref<2000x16xf32, #tpu.memory_space<vmem>>) attributes {dimension_semantics = [#tpu.dimension_semantics<arbitrary>], iteration_bounds = array<i64: 5>, scalar_prefetch = 0 : i64, scratch_operands = 0 : i64, tpu.core_type = #tpu.core_type<tc>, window_params = [{transform_indices = @transform_0, window_bounds = array<i64: 2000, 144>}, {transform_indices = @transform_1, window_bounds = array<i64: 2000, 144>}, {pipeline_mode = #tpu.pipeline_mode<synchronous>, transform_indices = @transform_2, window_bounds = array<i64: 144, 128>}, {pipeline_mode = #tpu.pipeline_mode<synchronous>, transform_indices = @transform_3, window_bounds = array<i64: 144, 128>}, {pipeline_mode = #tpu.pipeline_mode<synchronous>, transform_indices = @transform_4, window_bounds = array<i64: 1, 128>}, {pipeline_mode = #tpu.pipeline_mode<synchronous>, transform_indices = @transform_5, window_bounds = array<i64: 128, 32>}, {pipeline_mode = #tpu.pipeline_mode<synchronous>, transform_indices = @transform_6, window_bounds = array<i64: 32, 48>}, {pipeline_mode = #tpu.pipeline_mode<synchronous>, transform_indices = @transform_7, window_bounds = array<i64: 32, 16>}, {transform_indices = @transform_8, window_bounds = array<i64: 2000, 48>}, {transform_indices = @transform_9, window_bounds = array<i64: 2000, 16>}]} {
    %get3A = arith.constant 0 : index
    %get3A_0 = arith.constant 0 : index
    %get3A_1 = vector.load %arg1[%get3A, %get3A_0] : memref<2000x144xf32, #tpu.memory_space<vmem>>, vector<2000x144xf32>
    %get3A_2 = arith.constant 0 : index
    %get3A_3 = arith.constant 0 : index
    %get3A_4 = vector.load %arg2[%get3A_2, %get3A_3] : memref<2000x144xf32, #tpu.memory_space<vmem>>, vector<2000x144xf32>
    %add3A = arith.addf %get3A_1, %get3A_4 : vector<2000x144xf32>
    %get3A_5 = arith.constant 0 : index
    %get3A_6 = arith.constant 0 : index
    %get3A_7 = vector.load %arg3[%get3A_5, %get3A_6] : memref<144x128xf32, #tpu.memory_space<vmem>>, vector<144x128xf32>
    %dot_general3A = arith.constant dense<0.000000e+00> : vector<2000x128xf32>
    %dot_general3A_8 = tpu.matmul %add3A, %get3A_7, %dot_general3A {dimension_numbers = #tpu.dot_dimension_numbers<[1], [0], [0], [1], [0, 0, 1, 1], [], []>, transpose_lhs_hint = false} : vector<2000x144xf32>, vector<144x128xf32>, vector<2000x128xf32> -> vector<2000x128xf32>
    %get3A_9 = arith.constant 0 : index
    %get3A_10 = arith.constant 0 : index
    %get3A_11 = vector.load %arg4[%get3A_9, %get3A_10] : memref<144x128xf32, #tpu.memory_space<vmem>>, vector<144x128xf32>
    %dot_general3A_12 = arith.constant dense<0.000000e+00> : vector<2000x128xf32>
    %dot_general3A_13 = tpu.matmul %add3A, %get3A_11, %dot_general3A_12 {dimension_numbers = #tpu.dot_dimension_numbers<[1], [0], [0], [1], [0, 0, 1, 1], [], []>, transpose_lhs_hint = false} : vector<2000x144xf32>, vector<144x128xf32>, vector<2000x128xf32> -> vector<2000x128xf32>
    %add3A_14 = arith.constant 1.000000e-16 : f32
    %add3A_15 = vector.broadcast %add3A_14 : f32 to vector<2000x128xf32>
    %add3A_16 = arith.addf %dot_general3A_13, %add3A_15 : vector<2000x128xf32>
    %div3A = arith.divf %dot_general3A_8, %add3A_16 : vector<2000x128xf32>
    %get3A_17 = arith.constant 0 : index
    %get3A_18 = arith.constant 0 : index
    %get3A_19 = vector.load %arg5[%get3A_17, %get3A_18] : memref<1x128xf32, #tpu.memory_space<vmem>>, vector<1x128xf32>
    %add3A_20 = vector.broadcast %get3A_19 : vector<1x128xf32> to vector<2000x128xf32>
    %add3A_21 = arith.addf %div3A, %add3A_20 : vector<2000x128xf32>
    %gt3A = arith.constant 0.000000e+00 : f32
    %gt3A_22 = vector.broadcast %gt3A : f32 to vector<2000x128xf32>
    %gt3A_23 = arith.cmpf ogt, %add3A_21, %gt3A_22 : vector<2000x128xf32>
    %exp3A = math.exp %add3A_21 : vector<2000x128xf32>
    %sub3A = arith.constant 1.000000e+00 : f32
    %sub3A_24 = vector.broadcast %sub3A : f32 to vector<2000x128xf32>
    %sub3A_25 = arith.subf %exp3A, %sub3A_24 : vector<2000x128xf32>
    %select_n3A = arith.select %gt3A_23, %add3A_21, %sub3A_25 : vector<2000x128xi1>, vector<2000x128xf32>
    %get3A_26 = arith.constant 0 : index
    %get3A_27 = arith.constant 0 : index
    %get3A_28 = vector.load %arg6[%get3A_26, %get3A_27] : memref<128x32xf32, #tpu.memory_space<vmem>>, vector<128x32xf32>
    %dot_general3A_29 = arith.constant dense<0.000000e+00> : vector<2000x32xf32>
    %dot_general3A_30 = tpu.matmul %select_n3A, %get3A_28, %dot_general3A_29 {dimension_numbers = #tpu.dot_dimension_numbers<[1], [0], [0], [1], [0, 0, 1, 1], [], []>, transpose_lhs_hint = false} : vector<2000x128xf32>, vector<128x32xf32>, vector<2000x32xf32> -> vector<2000x32xf32>
    %get3A_31 = arith.constant 0 : index
    %get3A_32 = arith.constant 0 : index
    %get3A_33 = vector.load %arg7[%get3A_31, %get3A_32] : memref<32x48xf32, #tpu.memory_space<vmem>>, vector<32x48xf32>
    %dot_general3A_34 = arith.constant dense<0.000000e+00> : vector<2000x48xf32>
    %dot_general3A_35 = tpu.matmul %dot_general3A_30, %get3A_33, %dot_general3A_34 {dimension_numbers = #tpu.dot_dimension_numbers<[1], [0], [0], [1], [0, 0, 1, 1], [], []>, transpose_lhs_hint = false} : vector<2000x32xf32>, vector<32x48xf32>, vector<2000x48xf32> -> vector<2000x48xf32>
    %swap3A = arith.constant 0 : index
    %swap3A_36 = arith.constant 0 : index
    %swap3A_37 = vector.load %arg9[%swap3A, %swap3A_36] : memref<2000x48xf32, #tpu.memory_space<vmem>>, vector<2000x48xf32>
    tpu.vector_store %arg9[%swap3A, %swap3A_36], %dot_general3A_35 {strides = array<i32>} : memref<2000x48xf32, #tpu.memory_space<vmem>>, vector<2000x48xf32>,
    %get3A_38 = arith.constant 0 : index
    %get3A_39 = arith.constant 0 : index
    %get3A_40 = vector.load %arg8[%get3A_38, %get3A_39] : memref<32x16xf32, #tpu.memory_space<vmem>>, vector<32x16xf32>
    %dot_general3A_41 = arith.constant dense<0.000000e+00> : vector<2000x16xf32>
    %dot_general3A_42 = tpu.matmul %dot_general3A_30, %get3A_40, %dot_general3A_41 {dimension_numbers = #tpu.dot_dimension_numbers<[1], [0], [0], [1], [0, 0, 1, 1], [], []>, transpose_lhs_hint = false} : vector<2000x32xf32>, vector<32x16xf32>, vector<2000x16xf32> -> vector<2000x16xf32>
    %swap3A_43 = arith.constant 0 : index
    %swap3A_44 = arith.constant 0 : index
    %swap3A_45 = vector.load %arg10[%swap3A_43, %swap3A_44] : memref<2000x16xf32, #tpu.memory_space<vmem>>, vector<2000x16xf32>
    tpu.vector_store %arg10[%swap3A_43, %swap3A_44], %dot_general3A_42 {strides = array<i32>} : memref<2000x16xf32, #tpu.memory_space<vmem>>, vector<2000x16xf32>,
    return
  }
  func.func @transform_0(%arg0: i32) -> (i32, i32) {
    %c0_i32 = arith.constant 0 : i32
    %c0_i32_0 = arith.constant 0 : i32
    return %arg0, %c0_i32 : i32, i32
  }
  func.func @transform_1(%arg0: i32) -> (i32, i32) {
    %c0_i32 = arith.constant 0 : i32
    %c0_i32_0 = arith.constant 0 : i32
    return %arg0, %c0_i32 : i32, i32
  }
  func.func @transform_2(%arg0: i32) -> (i32, i32) {
    %c0_i32 = arith.constant 0 : i32
    %c0_i32_0 = arith.constant 0 : i32
    %c0_i32_1 = arith.constant 0 : i32
    return %c0_i32, %c0_i32_0 : i32, i32
  }
  func.func @transform_3(%arg0: i32) -> (i32, i32) {
    %c0_i32 = arith.constant 0 : i32
    %c0_i32_0 = arith.constant 0 : i32
    %c0_i32_1 = arith.constant 0 : i32
    return %c0_i32, %c0_i32_0 : i32, i32
  }
  func.func @transform_4(%arg0: i32) -> (i32, i32) {
    %c0_i32 = arith.constant 0 : i32
    %c0_i32_0 = arith.constant 0 : i32
    %c0_i32_1 = arith.constant 0 : i32
    return %c0_i32, %c0_i32_0 : i32, i32
  }
  func.func @transform_5(%arg0: i32) -> (i32, i32) {
    %c0_i32 = arith.constant 0 : i32
    %c0_i32_0 = arith.constant 0 : i32
    %c0_i32_1 = arith.constant 0 : i32
    return %c0_i32, %c0_i32_0 : i32, i32
  }
  func.func @transform_6(%arg0: i32) -> (i32, i32) {
    %c0_i32 = arith.constant 0 : i32
    %c0_i32_0 = arith.constant 0 : i32
    %c0_i32_1 = arith.constant 0 : i32
    return %c0_i32, %c0_i32_0 : i32, i32
  }
  func.func @transform_7(%arg0: i32) -> (i32, i32) {
    %c0_i32 = arith.constant 0 : i32
    %c0_i32_0 = arith.constant 0 : i32
    %c0_i32_1 = arith.constant 0 : i32
    return %c0_i32, %c0_i32_0 : i32, i32
  }
  func.func @transform_8(%arg0: i32) -> (i32, i32) {
    %c0_i32 = arith.constant 0 : i32
    %c0_i32_0 = arith.constant 0 : i32
    return %arg0, %c0_i32 : i32, i32
  }
  func.func @transform_9(%arg0: i32) -> (i32, i32) {
    %c0_i32 = arith.constant 0 : i32
    %c0_i32_0 = arith.constant 0 : i32
    return %arg0, %c0_i32 : i32, i32
  }
}

module attributes {stable_mosaic.version = 14 : i64} {
  func.func @_body_e(%arg0: i32, %arg1: memref<2000x48xf32, #tpu.memory_space<vmem>>, %arg2: memref<2000x48xf32, #tpu.memory_space<vmem>>, %arg3: memref<48x32xf32, #tpu.memory_space<vmem>>, %arg4: memref<48x32xf32, #tpu.memory_space<vmem>>, %arg5: memref<1x32xf32, #tpu.memory_space<vmem>>, %arg6: memref<2000x32xf32, #tpu.memory_space<vmem>>) attributes {dimension_semantics = [#tpu.dimension_semantics<arbitrary>], iteration_bounds = array<i64: 5>, scalar_prefetch = 0 : i64, scratch_operands = 0 : i64, tpu.core_type = #tpu.core_type<tc>, window_params = [{transform_indices = @transform_0, window_bounds = array<i64: 2000, 48>}, {transform_indices = @transform_1, window_bounds = array<i64: 2000, 48>}, {pipeline_mode = #tpu.pipeline_mode<synchronous>, transform_indices = @transform_2, window_bounds = array<i64: 48, 32>}, {pipeline_mode = #tpu.pipeline_mode<synchronous>, transform_indices = @transform_3, window_bounds = array<i64: 48, 32>}, {pipeline_mode = #tpu.pipeline_mode<synchronous>, transform_indices = @transform_4, window_bounds = array<i64: 1, 32>}, {transform_indices = @transform_5, window_bounds = array<i64: 2000, 32>}]} {
    %get3A = arith.constant 0 : index
    %get3A_0 = arith.constant 0 : index
    %get3A_1 = vector.load %arg1[%get3A, %get3A_0] : memref<2000x48xf32, #tpu.memory_space<vmem>>, vector<2000x48xf32>
    %get3A_2 = arith.constant 0 : index
    %get3A_3 = arith.constant 0 : index
    %get3A_4 = vector.load %arg2[%get3A_2, %get3A_3] : memref<2000x48xf32, #tpu.memory_space<vmem>>, vector<2000x48xf32>
    %add3A = arith.addf %get3A_1, %get3A_4 : vector<2000x48xf32>
    %get3A_5 = arith.constant 0 : index
    %get3A_6 = arith.constant 0 : index
    %get3A_7 = vector.load %arg3[%get3A_5, %get3A_6] : memref<48x32xf32, #tpu.memory_space<vmem>>, vector<48x32xf32>
    %dot_general3A = arith.constant dense<0.000000e+00> : vector<2000x32xf32>
    %dot_general3A_8 = tpu.matmul %add3A, %get3A_7, %dot_general3A {dimension_numbers = #tpu.dot_dimension_numbers<[1], [0], [0], [1], [0, 0, 1, 1], [], []>, transpose_lhs_hint = false} : vector<2000x48xf32>, vector<48x32xf32>, vector<2000x32xf32> -> vector<2000x32xf32>
    %get3A_9 = arith.constant 0 : index
    %get3A_10 = arith.constant 0 : index
    %get3A_11 = vector.load %arg4[%get3A_9, %get3A_10] : memref<48x32xf32, #tpu.memory_space<vmem>>, vector<48x32xf32>
    %dot_general3A_12 = arith.constant dense<0.000000e+00> : vector<2000x32xf32>
    %dot_general3A_13 = tpu.matmul %add3A, %get3A_11, %dot_general3A_12 {dimension_numbers = #tpu.dot_dimension_numbers<[1], [0], [0], [1], [0, 0, 1, 1], [], []>, transpose_lhs_hint = false} : vector<2000x48xf32>, vector<48x32xf32>, vector<2000x32xf32> -> vector<2000x32xf32>
    %add3A_14 = arith.constant 1.000000e-16 : f32
    %add3A_15 = vector.broadcast %add3A_14 : f32 to vector<2000x32xf32>
    %add3A_16 = arith.addf %dot_general3A_13, %add3A_15 : vector<2000x32xf32>
    %div3A = arith.divf %dot_general3A_8, %add3A_16 : vector<2000x32xf32>
    %get3A_17 = arith.constant 0 : index
    %get3A_18 = arith.constant 0 : index
    %get3A_19 = vector.load %arg5[%get3A_17, %get3A_18] : memref<1x32xf32, #tpu.memory_space<vmem>>, vector<1x32xf32>
    %add3A_20 = vector.broadcast %get3A_19 : vector<1x32xf32> to vector<2000x32xf32>
    %add3A_21 = arith.addf %div3A, %add3A_20 : vector<2000x32xf32>
    %reduce_max3A = arith.constant dense<0xFF800000> : vector<2000xf32>
    %reduce_max3A_22 = vector.multi_reduction <maximumf>, %add3A_21, %reduce_max3A [1] : vector<2000x32xf32> to vector<2000xf32>
    %broadcast_in_dim3A = vector.shape_cast %reduce_max3A_22 : vector<2000xf32> to vector<2000x1xf32>
    %sub3A = vector.broadcast %broadcast_in_dim3A : vector<2000x1xf32> to vector<2000x32xf32>
    %sub3A_23 = arith.subf %add3A_21, %sub3A : vector<2000x32xf32>
    %exp3A = math.exp %sub3A_23 : vector<2000x32xf32>
    %reduce_sum3A = arith.constant dense<0.000000e+00> : vector<2000xf32>
    %reduce_sum3A_24 = vector.multi_reduction <add>, %exp3A, %reduce_sum3A [1] : vector<2000x32xf32> to vector<2000xf32>
    %broadcast_in_dim3A_25 = vector.shape_cast %reduce_sum3A_24 : vector<2000xf32> to vector<2000x1xf32>
    %log3A = math.log %broadcast_in_dim3A_25 : vector<2000x1xf32>
    %add3A_26 = arith.addf %broadcast_in_dim3A, %log3A : vector<2000x1xf32>
    %sub3A_27 = vector.broadcast %add3A_26 : vector<2000x1xf32> to vector<2000x32xf32>
    %sub3A_28 = arith.subf %add3A_21, %sub3A_27 : vector<2000x32xf32>
    %swap3A = arith.constant 0 : index
    %swap3A_29 = arith.constant 0 : index
    %swap3A_30 = vector.load %arg6[%swap3A, %swap3A_29] : memref<2000x32xf32, #tpu.memory_space<vmem>>, vector<2000x32xf32>
    tpu.vector_store %arg6[%swap3A, %swap3A_29], %sub3A_28 {strides = array<i32>} : memref<2000x32xf32, #tpu.memory_space<vmem>>, vector<2000x32xf32>,
    return
  }
  func.func @transform_0(%arg0: i32) -> (i32, i32) {
    %c0_i32 = arith.constant 0 : i32
    %c0_i32_0 = arith.constant 0 : i32
    return %arg0, %c0_i32 : i32, i32
  }
  func.func @transform_1(%arg0: i32) -> (i32, i32) {
    %c0_i32 = arith.constant 0 : i32
    %c0_i32_0 = arith.constant 0 : i32
    return %arg0, %c0_i32 : i32, i32
  }
  func.func @transform_2(%arg0: i32) -> (i32, i32) {
    %c0_i32 = arith.constant 0 : i32
    %c0_i32_0 = arith.constant 0 : i32
    %c0_i32_1 = arith.constant 0 : i32
    return %c0_i32, %c0_i32_0 : i32, i32
  }
  func.func @transform_3(%arg0: i32) -> (i32, i32) {
    %c0_i32 = arith.constant 0 : i32
    %c0_i32_0 = arith.constant 0 : i32
    %c0_i32_1 = arith.constant 0 : i32
    return %c0_i32, %c0_i32_0 : i32, i32
  }
  func.func @transform_4(%arg0: i32) -> (i32, i32) {
    %c0_i32 = arith.constant 0 : i32
    %c0_i32_0 = arith.constant 0 : i32
    %c0_i32_1 = arith.constant 0 : i32
    return %c0_i32, %c0_i32_0 : i32, i32
  }
  func.func @transform_5(%arg0: i32) -> (i32, i32) {
    %c0_i32 = arith.constant 0 : i32
    %c0_i32_0 = arith.constant 0 : i32
    return %arg0, %c0_i32 : i32, i32
  }
}

</mosaic_0001>

<sc_bundles>
// kernel: kernel.10.cloned.1.call-start
scs
__scs_entry_jumppad:
0x0: {  	(pc) =	sbr.rel $0x88, $3  }
0x1: {  	(tag) =	ssettag $0x0;
	lr =	simm.s32 $0x1  }
0x2: {  	[smem:$0x3F99] =	sst lr;
	_ =	strace $0xD0000000  }
0x3: {  	_ = 	snop  }
0x4: {  	_ = 	snop  }
0x5: {  	_ = 	snop  }
0x6: {  	_ = 	snop  }
0x7: {  	_ = 	snop  }
__scs_overlays_trampoline_lowered:
0x8: {  	[smem:$0x3FA8] =	sst s0  }
0x9: {  	[smem:$0x3FA9] =	sst s1  }
0xa: {  	[smem:$0x3FAA] =	sst s2  }
0xb: {  	[smem:$0x3FAB] =	sst s3  }
0xc: {  	[smem:$0x3FAC] =	sst s4  }
0xd: {  	[smem:$0x3FAD] =	sst s5  }
0xe: {  	[smem:$0x3FAE] =	sst s6  }
0xf: {  	[smem:$0x3FAF] =	sst s7  }
0x10: {  	[smem:$0x3FB0] =	sst s8  }
0x11: {  	[smem:$0x3FB1] =	sst s9;
	s0 =	simm.s32 @!p0 $0x0  }
0x12: {  	s1 =	sld [smem:$0x3F97];
	s0 =	simm.s32 @p0 $0x1  }
0x13: {  	[smem:$0x3FB2] =	sst s0;
	s0 =	simm.s32 @!p1 $0x0  }
0x14: {  	s2 =	sld [smem:$0x3F96];
	s0 =	simm.s32 @p1 $0x1  }
0x15: {  	[smem:$0x3FB3] =	sst s0;
	s0 =	simm.s32 @!p2 $0x0  }
0x16: {  	s3 =	sld [smem:$0x3FDB];
	s0 =	simm.s32 @p2 $0x1  }
0x17: {  	s4 =	simm.s32 $0x1BF5;
	[smem:$0x3FB5] =	sst s0  }
0x18: {  	s0 =	sld [smem:$0x3F98];
	_ =	swait.ge [sflag:s4], $0x0  }
0x19: {  	s7 =	sld [smem:$0x3F99]  }
0x1a: {  	s8 =	sadd.s32 $0xFFFFE003, lr  }
0x1b: {  	s9 =	sadd.s32 $0xFFFFFEF7, lr;
	s5 =	simm.s32 $0xFFFFFFFF;
	p2 =	slt.u32 s8, $0xFFFFF086  }
0x1c: {  	p1 =	slt.u32 s9, $0xF7A;
	s5 =	simm.s32 @!p2 $0x0  }
0x1d: {  	s5 =	simm.s32 @p1 $0x1;
	p0 =	seq.s32 s7, s2  }
0x1e: {  	s7 =	smul.u32 @!p0 $0xF7A, s2;
	p2 =	seq.s32 @!p0 s5, $0x0  }
0x1f: {  	s9 =	smul.u32 $0xF7A, s1;
	s8 =	simm.s32 @!p0 $0x1BF5;
	p2 =	por !p2, p0  }
0x20: {  	[sflag:s8] =	ssyncset.s32 @!p0 $0xFFFFF086;
	s6 =	sadd.s32 @!p0 s3, s7;
	s7 =	simm.s32 @!p0 $0x108  }
0x21: {  	s3 =	sadd.s32 s3, s9;
	s6 =	sadd.s32 @!p0 $0x88, s6;
	s7 =	simm.s32 @p2 $0x1082  }
0x22: {  	[simem:s7], [sflag:s8] =	dma.local @!p0 [hbm:s6], $0xF7A  }
0x23: {  	s9 =	sor.u32 $0xD0000000, s2;
	s6 =	simm.s32 $0x108;
	_ =	swait.ge @!p0 [sflag:s8], $0x0  }
0x24: {  	s3 =	sadd.s32 $0x88, s3;
	s6 =	simm.s32 @!p1 $0x1082;
	[sflag:s4] =	ssyncset.s32 $0xFFFFF086  }
0x25: {  	[simem:s6], [sflag:s4] =	dma.local [hbm:s3], $0xF7A  }
0x26: {  	[smem:$0x3F99] =	sst s1;
	(tag) =	ssettag s2;
	_ =	strace s9  }
0x27: {  	s1 =	sld [smem:$0x3FA9]  }
0x28: {  	s2 =	sld [smem:$0x3FAA]  }
0x29: {  	s4 =	sld [smem:$0x3FAC]  }
0x2a: {  	p0 =	seq.s32 s5, $0x0;
	s5 =	sld [smem:$0x3FAD]  }
0x2b: {  	s6 =	sld [smem:$0x3FAE]  }
0x2c: {  	s7 =	sld [smem:$0x3FAF]  }
0x2d: {  	s3 =	simm.s32 $0x108;
	s8 =	sld [smem:$0x3FB0]  }
0x2e: {  	s3 =	simm.s32 @!p0 $0x1082;
	s9 =	sld [smem:$0x3FB1]  }
0x2f: {  	lr =	sadd.s32 s0, s3;
	s0 =	sld [smem:$0x3FA8]  }
0x30: {  	s3 =	sld [smem:$0x3FAB]  }
0x31: {  	[smem:$0x3FB4] =	sst s10  }
0x32: {  	s10 =	sld [smem:$0x3FB2];
	_ =	sdelay $0x3  }
0x33: {  	p0 =	seq.s32 s10, $0x1;
	s10 =	sld [smem:$0x3FB4];
	_ =	sdelay $0x3  }
0x34: {  	[smem:$0x3FB4] =	sst s10  }
0x35: {  	s10 =	sld [smem:$0x3FB3];
	_ =	sdelay $0x3  }
0x36: {  	p1 =	seq.s32 s10, $0x1;
	s10 =	sld [smem:$0x3FB4];
	_ =	sdelay $0x3  }
0x37: {  	[smem:$0x3FB4] =	sst s10  }
0x38: {  	s10 =	sld [smem:$0x3FB5]  }
0x39: {  	_ = 	snop;
	(pc) =	sbr.ind lr, $3  }
0x3a: {  	_ = 	snop  }
0x3b: {  	_ = 	snop  }
0x3c: {  	p2 =	seq.s32 s10, $0x1;
	s10 =	sld [smem:$0x3FB4]  }
0x3d: {  	_ =	shalt  }
0x3e: {  	_ =	shalt  }
0x3f: {  	_ =	shalt  }
0x40: {  	_ =	shalt  }
0x41: {  	_ =	shalt  }
0x42: {  	_ =	shalt  }
0x43: {  	_ =	shalt  }
0x44: {  	_ =	shalt  }
0x45: {  	_ =	shalt  }
0x46: {  	_ =	shalt  }
0x47: {  	_ =	shalt  }
0x48: {  	_ =	shalt  }
0x49: {  	_ =	shalt  }
0x4a: {  	_ =	shalt  }
0x4b: {  	_ =	shalt  }
0x4c: {  	_ =	shalt  }
0x4d: {  	_ =	shalt  }
0x4e: {  	_ =	shalt  }
0x4f: {  	_ =	shalt  }
0x50: {  	_ =	shalt  }
0x51: {  	_ =	shalt  }
0x52: {  	_ =	shalt  }
0x53: {  	_ =	shalt  }
0x54: {  	_ =	shalt  }
0x55: {  	_ =	shalt  }
0x56: {  	_ =	shalt  }
0x57: {  	_ =	shalt  }
0x58: {  	_ =	shalt  }
0x59: {  	_ =	shalt  }
0x5a: {  	_ =	shalt  }
0x5b: {  	_ =	shalt  }
0x5c: {  	_ =	shalt  }
0x5d: {  	_ =	shalt  }
0x5e: {  	_ =	shalt  }
0x5f: {  	_ =	shalt  }
0x60: {  	_ =	shalt  }
0x61: {  	_ =	shalt  }
0x62: {  	_ =	shalt  }
0x63: {  	_ =	shalt  }
0x64: {  	_ =	shalt  }
0x65: {  	_ =	shalt  }
0x66: {  	_ =	shalt  }
0x67: {  	_ =	shalt  }
0x68: {  	_ =	shalt  }
0x69: {  	_ =	shalt  }
0x6a: {  	_ =	shalt  }
0x6b: {  	_ =	shalt  }
0x6c: {  	_ =	shalt  }
0x6d: {  	_ =	shalt  }
0x6e: {  	_ =	shalt  }
0x6f: {  	_ =	shalt  }
0x70: {  	_ =	shalt  }
0x71: {  	_ =	shalt  }
0x72: {  	_ =	shalt  }
0x73: {  	_ =	shalt  }
0x74: {  	_ =	shalt  }
0x75: {  	_ =	shalt  }
0x76: {  	_ =	shalt  }
0x77: {  	_ =	shalt  }
0x78: {  	_ =	shalt  }
0x79: {  	_ =	shalt  }
0x7a: {  	_ =	shalt  }
0x7b: {  	_ =	shalt  }
0x7c: {  	_ =	shalt  }
0x7d: {  	_ =	shalt  }
0x7e: {  	_ =	shalt  }
0x7f: {  	_ =	shalt  }
0x80: {  	_ =	shalt  }
0x81: {  	_ =	shalt  }
0x82: {  	_ =	shalt  }
0x83: {  	_ =	shalt  }
0x84: {  	_ =	shalt  }
0x85: {  	_ =	shalt  }
0x86: {  	_ =	shalt  }
0x87: {  	_ =	shalt  }
.Lfunc_end0:
.L_simem_size_0:
called_computation.1_lowered:
.L_overlay_start_0:
0x88: {  	s2 =	sld [smem:$0x3FD9]  }
0x89: {  	s3 =	sld [smem:$0x3FFE];
	_ =	sdelay $0x1  }
0x8a: {  	s1 =	srdreg.scid  }
0x8b: {  	s0 =	sand.u32 $0x1, s1  }
0x8c: {  	s17 =	sshll.u32 s0, $0xA;
	s2 =	sadd.s32 s3, s2  }
0x8d: {  	s2 =	sadd.s32 s2, s17  }
0x8e: {  	[smem:$0x3FC0] =	sst s2  }
0x8f: {  	_ = 	snop  }
0x90: {  	s2 =	sld [smem:$0x3FD0];
	(tm) =	ssettm $0x1  }
0x91: {  	s18 =	sld [smem:$0x3FFB];
	_ =	sdelay $0x3  }
0x92: {  	_ =	strace s18  }
0x93: {  	s3 =	sld [smem:$0x3FFC];
	_ =	sdelay $0x3  }
0x94: {  	_ =	strace s3  }
0x95: {  	s3 =	sld [smem:$0x3FFD];
	_ =	sdelay $0x3  }
0x96: {  	_ =	strace s3  }
0x97: {  	_ =	strace $0x8FFFFFFF  }
0x98: {  	s19 =	sld [smem:$0x3FDB];
	_ =	sdelay $0x1  }
0x99: {  	s4 =	simm.s32 $_scs_section_size  }
0x9a: {  	s5 =	simm.s32 $_size__tile_overlayer_lowered;
	s6 =	simm.s32 $_tile_overlayer_lowered  }
0x9b: {  	s22 =	simm.s32 $0x1BFF;
	s21 =	sshll.u32 s6, $0x1;
	s3 =	sadd.s32 s4, s19  }
0x9c: {  	s7 =	simm.s32 $0x0;
	s20 =	sshll.u32 s5, $0x1;
	s5 =	sadd.s32 s21, s3  }
0x9d: {  	[timem:s7], [sflag:s22] =	dma.local [hbm:s5], s20  }
0x9e: {  	_ =	swait.ge [sflag:s22], s20  }
0x9f: {  	s4 =	ssub.s32 $0x0, s20;
	[sflag:s22] =	ssyncset.done $0x0  }
0xa0: {  	[sflag:s22] =	ssyncadd.s32 s4;
	_ =	sdelay $0x1  }
0xa1: {  	s23 =	simm.s32 $0x1B8B  }
0xa2: {  	_ =	swait.ge [sflag:s23], $0x1  }
0xa3: {  	[sflag:s23] =	ssyncset.done $0x0  }
0xa4: {  	s25 =	simm.s32 $0x1B8E;
	s24 =	sld [smem:$0x3FFE];
	[sflag:s23] =	ssyncadd.s32 $0xFFFFFFFF  }
0xa5: {  	s26 =	simm.s32 $execute0_lowered;
	[smem:$0x3FD2] =	sst s25  }
0xa6: {  	s5 =	sshll.u32 s26, $0x1;
	_ =	strace $0x80000049;
	[dreg:$0x1] =	wrdreg $0xFFFFFFFF  }
0xa7: {  	s28 =	simm.s32 $_size_execute0_lowered;
	s3 =	sadd.s32 s3, s5;
	[dreg:$0x0] =	wrdreg $0x0  }
0xa8: {  	s5 =	sshll.u32 s28, $0x1;
	[dreg:$0x2] =	wrdreg s3  }
0xa9: {  	[dreg:$0x3] =	wrdreg s5  }
0xaa: {  	[dreg:$0x4] =	wrdreg $0xC0  }
0xab: {  	_ =	task [dreg:s7], $0x5FFFF  }
0xac: {  	[dreg:$0x1] =	wrdreg $0xFFFFFFFF  }
0xad: {  	[dreg:$0x0] =	wrdreg $0x60  }
0xae: {  	[dreg:$0x2] =	wrdreg s24  }
0xaf: {  	[dreg:$0x3] =	wrdreg s2  }
0xb0: {  	[dreg:$0x4] =	wrdreg $0x5A900  }
0xb1: {  	[dreg:$0x5] =	wrdreg $0x9  }
0xb2: {  	_ =	task.clear_ibuf [dreg:s7], $0x6FFFF;
	_ =	strace $0x90000049  }
0xb3: {  	s29 =	simm.s32 $0x9;
	_ =	strace $0x8000004B  }
0xb4: {  	_ =	swait.ge [sflag:s29], $0x1  }
0xb5: {  	[sflag:s29] =	ssyncadd.s32 $0xFFFFFFFF  }
0xb6: {  	_ =	strace $0x9000004B  }
0xb7: {  	_ =	sfence  }
0xb8: {  	s30 =	sld [smem:$0x0];
	_ =	sdelay $0x2  }
0xb9: {  	s31 =	sshll.u32 s1, $0xD;
	s1 =	sshrl.u32 s1, $0x2  }
0xba: {  	s3 =	sand.u32 $0x4000, s31;
	s1 =	sadd.s32 s1, s30  }
0xbb: {  	s0 =	sor.u32 s3, s0;
	s1 =	sshll.u32 s1, $0x11  }
0xbc: {  	s0 =	sor.u32 s1, s0  }
0xbd: {  	s0 =	sadd.s32 $0x8F2B, s0  }
0xbe: {  	[sflag:s0] =	ssyncadd.remote.s32 $0x1  }
0xbf: {  	_ =	sfence.sel $0xFFFF  }
0xc0: {  	[dreg:$0x0] =	wrdreg $0xFFFFFFFF;
	(pc) =	sbr.abs _section_cstart, $3  }
0xc1: {  	[dreg:$0x1] =	wrdreg $0xFFFFFFFF  }
0xc2: {  	_ =	task.clear_ibuf [dreg:s7], $0x2FFFF;
	_ =	strace $0x9FFFFFFF  }
0xc3: {  	(tm) =	ssettm $0x7FFFFFFF  }
tec
execute0_lowered:
.L_overlay_start_1:
0x0: {  	(tag) =	ssettag $0x1  }
0x1: {  	s0 =	rddreg [dreg:$0x0]  }
0x2: {  	s1 =	rddreg [dreg:$0x1]  }
0x3: {  	s2 =	rddreg [dreg:$0x2];
	s3 =	simm.s32 $0x0;
	s4 =	srdreg.scid  }
0x4: {  	s13 =	stileid.u32;
	s30 =	simm.s32 $0x5;
	s31 =	simm.s32 $0x80  }
0x5: {  	[smem:$0x7FF] =	sst s3;
	s5 =	sadd.s32 $0x16E00, s0;
	s6 =	sadd.s32 $0xCA00, s0  }
0x6: {  	s4 =	sand.u32 $0x1, s4;
	s7 =	sadd.s32 $0x2600, s0;
	s8 =	sadd.s32 $0x42E00, s0  }
0x7: {  	s11 =	smul.u32 $0x7530, s13;
	s0 =	sadd.s32 $0x4D200, s0;
	_ =	strace $0x8000004A  }
0x8: {  	s9 =	ssub.s32 $0x2, s4;
	s20 =	sshll.u32 s4, $0x4;
	s4 =	smul.u32 $0x75300, s4  }
0x9: {  	s10 =	sshrl.u32 s9, $0x1;
	s28 =	sadd.s32 s11, s2;
	s12 =	sadd.s32 $0x1770, s11  }
0xa: {  	s21 =	sadd.s32 $0x2EE0, s11;
	s22 =	sadd.s32 $0x4650, s11;
	s23 =	sadd.s32 $0x5DC0, s11  }
0xb: {  	s9 =	ssub.s32 s9, s10;
	s10 =	sor.u32 s13, s20;
	s29 =	sadd.s32 s12, s2  }
0xc: {  	s14 =	sadd.s32 s21, s2;
	s15 =	sadd.s32 s22, s2;
	[dreg:$0x4] =	wrdreg s28  }
0xd: {  	s17 =	sadd.s32 s23, s2;
	s11 =	sadd.s32 s11, s4;
	[dreg:$0x6] =	wrdreg s14  }
0xe: {  	s12 =	sadd.s32 s4, s12;
	s13 =	sadd.s32 s4, s21;
	[dreg:$0x7] =	wrdreg s15  }
0xf: {  	s10 =	smul.u32 $0x2900, s10;
	[dreg:$0x8] =	wrdreg s17;
	s11 =	sshrl.u32 s11, $0x3  }
0x10: {  	s14 =	sadd.s32 s4, s22;
	s4 =	sadd.s32 s4, s23;
	s17 =	sshrl.u32 s12, $0x3  }
0x11: {  	s18 =	sshrl.u32 s13, $0x3;
	s15 =	simm.s32 $0x2190;
	[dreg:$0x5] =	wrdreg s29  }
0x12: {  	s11 =	sadd.s32 s0, s11;
	s19 =	sshrl.u32 s14, $0x3;
	s4 =	sshrl.u32 s4, $0x3  }
0x13: {  	s14 =	simm.s32 $0x1990;
	[dreg:$0xc] =	wrdreg s11;
	s11 =	sadd.s32 s0, s17  }
0x14: {  	s16 =	sshrl.u32 s10, $0x3;
	s20 =	sadd.s32 s0, s19;
	[dreg:$0xd] =	wrdreg s11  }
0x15: {  	s22 =	sor.u32 $0x80, s10;
	s24 =	sadd.s32 s6, s16;
	[dreg:$0xf] =	wrdreg s20  }
0x16: {  	s23 =	sadd.s32 $0x100, s10;
	s25 =	sadd.s32 s7, s16;
	[dreg:$0x9] =	wrdreg s24  }
0x17: {  	s17 =	simm.s32 $0x2290;
	s26 =	sadd.s32 s8, s16;
	[dreg:$0xa] =	wrdreg s25  }
0x18: {  	s19 =	simm.s32 $0x3B20;
	s11 =	sadd.s32 s0, s18;
	[dreg:$0xb] =	wrdreg s26  }
0x19: {  	s0 =	sadd.s32 s0, s4;
	s21 =	sadd.s32 $0x510, s16;
	[dreg:$0xe] =	wrdreg s11  }
0x1a: {  	s4 =	simm.s32 $0x190;
	[dreg:$0x10] =	wrdreg s0;
	s24 =	sadd.s32 s6, s21  }
0x1b: {  	s16 =	simm.s32 $0x2210;
	s25 =	sadd.s32 s7, s21;
	[dreg:$0x11] =	wrdreg s24  }
0x1c: {  	s18 =	simm.s32 $0x2320;
	s0 =	sadd.s32 s8, s21;
	[dreg:$0x12] =	wrdreg s25  }
0x1d: {  	s20 =	simm.s32 $0x1;
	s26 =	smax.u32 s9, $0x1;
	[dreg:$0x13] =	wrdreg s0  }
0x1e: {  	s21 =	simm.s32 $0x2;
	[dreg:$0x14] =	wrdreg s26;
	s0 =	simm.s32 $0x100  }
0x1f: {  	v0 =	vimm.f32 $0.0e+00;
	s24 =	simm.s32 $0x3;
	s25 =	simm.s32 $0x4;
	s26 =	simm.s32 $0x0  }
.LBB2_1:
0x20: {  	s9 =	simm.s32 $0xC0;
	s10 =	simm.s32 $0x0  }
.LBB2_2:
0x21: {  	p0 =	sne.s32 s9, $0x5D00;
	[tilespmem:s10+$0x4340] =	vst v0;
	s11 =	smov.u32 s9;
	s9 =	sadd.s32 $0xC0, s9  }
.Ltmp0:
0x22: {  	[tilespmem:s10+$0x4320] =	vst v0;
	(pc) =	sbr.rel @p0 .LBB2_2-.Ltmp0, $2  }
0x23: {  	[tilespmem:s10+$0x4330] =	vst v0;
	_ =	sdelay $0x2  }
0x24: {  	s10 =	sshra.s32 s11, $0x2  }
0x25: {  	[tilespmem:s10+$0x4340] =	vst v0  }
0x26: {  	[tilespmem:s10+$0x4320] =	vst v0  }
0x27: {  	[tilespmem:s10+$0x4330] =	vst v0;
	s13 =	simm.s32 $0x4320  }
0x28: {  	[spmem:s28] =	stream.linear.scatter [tilespmem:s13], [sflag:$0x5], $0x1770, $0x38;
	[tilespmem:$0xCFC0] =	vst v63  }
0x29: {  	_ =	swait.ge [sflag:s30], $0x1770  }
0x2a: {  	[sflag:s30] =	ssyncset.done $0x0  }
0x2b: {  	[sflag:s30] =	ssyncadd.s32 $0xFFFFE890  }
0x2c: {  	[spmem:s29] =	stream.linear.scatter [tilespmem:s13], [sflag:$0x5], $0x1770, $0x38;
	[tilespmem:$0xCFC0] =	vst v63  }
0x2d: {  	_ =	swait.ge [sflag:s30], $0x1770  }
0x2e: {  	[sflag:s30] =	ssyncset.done $0x0  }
0x2f: {  	s9 =	rddreg [dreg:$0x6];
	[sflag:s30] =	ssyncadd.s32 $0xFFFFE890  }
0x30: {  	[spmem:s9] =	stream.linear.scatter [tilespmem:s13], [sflag:$0x5], $0x1770, $0x38;
	[tilespmem:$0xCFC0] =	vst v63  }
0x31: {  	_ =	swait.ge [sflag:s30], $0x1770  }
0x32: {  	[sflag:s30] =	ssyncset.done $0x0  }
0x33: {  	s29 =	rddreg [dreg:$0x7];
	[sflag:s30] =	ssyncadd.s32 $0xFFFFE890  }
0x34: {  	[spmem:s29] =	stream.linear.scatter [tilespmem:s13], [sflag:$0x5], $0x1770, $0x38;
	[tilespmem:$0xCFC0] =	vst v63  }
0x35: {  	_ =	swait.ge [sflag:s30], $0x1770  }
0x36: {  	[sflag:s30] =	ssyncset.done $0x0  }
0x37: {  	s11 =	rddreg [dreg:$0x8];
	[sflag:s30] =	ssyncadd.s32 $0xFFFFE890  }
0x38: {  	[spmem:s11] =	stream.linear.scatter [tilespmem:s13], [sflag:$0x5], $0x1770, $0x38;
	[tilespmem:$0xCFC0] =	vst v63  }
0x39: {  	_ =	swait.ge [sflag:s30], $0x1770  }
0x3a: {  	[sflag:s30] =	ssyncset.done $0x0  }
0x3b: {  	[sflag:s30] =	ssyncadd.s32 $0xFFFFE890  }
0x3c: {  	[bflag:$0x0] =	sbarrier.arrive $0xFFFF  }
0x3d: {  	s28 =	simm.s32 $0x0;
	s12 =	rddreg [dreg:$0x9]  }
0x3e: {  	[tilespmem:s28], [sflag:$0x5] =	stream.linear.gather [hbm4b:s12+s28], $0x80, $0x38;
	[tilespmem:$0xCFC0] =	vst v63  }
0x3f: {  	_ =	swait.ge [sflag:s30], $0x80  }
0x40: {  	[sflag:s30] =	ssyncset.done $0x0  }
0x41: {  	s13 =	rddreg [dreg:$0xa];
	[sflag:s30] =	ssyncadd.s32 $0xFFFFFF80  }
0x42: {  	[tilespmem:s31], [sflag:$0x5] =	stream.linear.gather [hbm4b:s13+s28], $0x80, $0x38;
	[tilespmem:$0xCFC0] =	vst v63  }
0x43: {  	_ =	swait.ge [sflag:s30], $0x80  }
0x44: {  	[sflag:s30] =	ssyncset.done $0x0  }
0x45: {  	s29 =	rddreg [dreg:$0xb];
	[sflag:s30] =	ssyncadd.s32 $0xFFFFFF80  }
0x46: {  	[tilespmem:s0], [sflag:$0x5] =	stream.linear.gather [hbm4b:s29+s28], $0x80, $0x38;
	[tilespmem:$0xCFC0] =	vst v63  }
0x47: {  	_ =	swait.ge [sflag:s30], $0x80  }
0x48: {  	[sflag:s30] =	ssyncset.done $0x0  }
0x49: {  	[sflag:s30] =	ssyncadd.s32 $0xFFFFFF80  }
0x4a: {  	[tilespmem:s4], [sflag:$0x1] =	stream.indirect.gather [hbm4b:s5+s31], $0x30, s31, s31, $0xb8;
	[tilespmem:$0xCFC0] =	vst v63  }
0x4b: {  	_ = 	snop  }
0x4c: {  	[tilespmem:s14], [sflag:$0x2] =	stream.indirect.gather [hbm4b:s1+s31], $0x10, s28, s31, $0xb8;
	[tilespmem:$0xCFC0] =	vst v63  }
.LBB2_4:
0x4d: {  	s9 =	sshll.u32 s28, $0x8  }
0x4e: {  	s10 =	sadd.s32 s9, s22  }
0x4f: {  	s10 =	sshrl.u32 s10, $0x3  }
0x50: {  	s11 =	sadd.s32 s6, s10  }
0x51: {  	[tilespmem:s15], [sflag:$0x5] =	stream.linear.gather [hbm4b:s11+s3], $0x80, $0x38;
	[tilespmem:$0xCFC0] =	vst v63  }
0x52: {  	_ =	swait.ge [sflag:s30], $0x80  }
0x53: {  	[sflag:s30] =	ssyncset.done $0x0  }
0x54: {  	s13 =	sadd.s32 s7, s10;
	[sflag:s30] =	ssyncadd.s32 $0xFFFFFF80  }
0x55: {  	[tilespmem:s16], [sflag:$0x5] =	stream.linear.gather [hbm4b:s13+s3], $0x80, $0x38;
	[tilespmem:$0xCFC0] =	vst v63  }
0x56: {  	_ =	swait.ge [sflag:s30], $0x80  }
0x57: {  	[sflag:s30] =	ssyncset.done $0x0  }
0x58: {  	s10 =	sadd.s32 s8, s10;
	[sflag:s30] =	ssyncadd.s32 $0xFFFFFF80  }
0x59: {  	[tilespmem:s17], [sflag:$0x5] =	stream.linear.gather [hbm4b:s10+s3], $0x80, $0x38;
	[tilespmem:$0xCFC0] =	vst v63  }
0x5a: {  	_ =	swait.ge [sflag:s30], $0x80  }
0x5b: {  	[sflag:s30] =	ssyncset.done $0x0  }
0x5c: {  	[sflag:s30] =	ssyncadd.s32 $0xFFFFFF80  }
0x5d: {  	[tilespmem:s18], [sflag:$0x3] =	stream.indirect.gather [hbm4b:s5+s31], $0x30, s16, s31, $0xb8;
	[tilespmem:$0xCFC0] =	vst v63  }
0x5e: {  	_ = 	snop  }
0x5f: {  	[tilespmem:s19], [sflag:$0x4] =	stream.indirect.gather [hbm4b:s1+s31], $0x10, s15, s31, $0xb8;
	[tilespmem:$0xCFC0] =	vst v63  }
0x60: {  	_ =	swait.ge [sflag:s20], $0x1800  }
0x61: {  	[sflag:s20] =	ssyncset.done $0x0  }
0x62: {  	[sflag:s20] =	ssyncadd.s32 $0xFFFFE800  }
0x63: {  	_ =	swait.ge [sflag:s21], $0x800  }
0x64: {  	[sflag:s21] =	ssyncset.done $0x0  }
0x65: {  	s10 =	simm.s32 $0x1C0;
	[sflag:s21] =	ssyncadd.s32 $0xFFFFF800  }
0x66: {  	s12 =	simm.s32 $0x19A0;
	v1 =	vld [tilespmem:s10+$0xFFFFFFF0]  }
0x67: {  	v2 =	vld [tilespmem:s12+$0xFFFFFFF0];
	_ =	sdelay $0x4  }
0x68: {  	v1 =	vadd.f32 v1, v2;
	_ =	sdelay $0x1  }
0x69: {  	v2 =	vmul.f32 $2.000000030e-01, v1;
	_ =	sdelay $0x1  }
0x6a: {  	v1 =	vmax.f32 v1, v2  }
0x6b: {  	v1 =	vmul.f32 $1.442695020e+00, v1;
	_ =	sdelay $0x1  }
0x6c: {  	(erf) = vpow2.f32 v1;
	_ =	sdelay $0x3  }
0x6d: {  	s11 =	simm.s32 $0x101  }
0x6e: {  	v1 =	vld.msk [tilespmem:s11+$0xFFFFFFFF ss:$0x0], $0xffff;
	_ =	sdelay $0x3  }
0x6f: {  	v2 =	vld [tilespmem:s10+$0xFFFFFFD0];
	v3 =	vpop (erf)  }
0x70: {  	v4 =	vld [tilespmem:s10+$0xFFFFFFE0];
	v1 =	vmul.f32 v3, v1;
	_ =	sdelay $0x1  }
0x71: {  	v3 =	vbroadcast v1, $0x0;
	_ =	sdelay $0x1  }
0x72: {  	v2 =	vmul.f32 v3, v2  }
0x73: {  	[tilespmem:s10+$0xFFFFFFF0] =	vst v1;
	v1 =	vmul.f32 v3, v4  }
0x74: {  	[tilespmem:s10+$0xFFFFFFD0] =	vst v2  }
0x75: {  	[tilespmem:s10+$0xFFFFFFE0] =	vst v1;
	v1 =	vld [tilespmem:s10+$0x20]  }
0x76: {  	v2 =	vld [tilespmem:s12+$0x0];
	_ =	sdelay $0x4  }
0x77: {  	v1 =	vadd.f32 v1, v2;
	_ =	sdelay $0x1  }
0x78: {  	v2 =	vmul.f32 $2.000000030e-01, v1;
	_ =	sdelay $0x1  }
0x79: {  	v1 =	vmax.f32 v1, v2  }
0x7a: {  	v1 =	vmul.f32 $1.442695020e+00, v1;
	_ =	sdelay $0x1  }
0x7b: {  	(erf) = vpow2.f32 v1;
	_ =	sdelay $0x4  }
0x7c: {  	v1 =	vld.msk [tilespmem:s11+$0x0 ss:$0x0], $0xffff;
	_ =	sdelay $0x2  }
0x7d: {  	v3 =	vld [tilespmem:s10+$0x10]  }
0x7e: {  	v2 =	vld [tilespmem:s10+$0x0];
	v63 =	vpop (erf)  }
0x7f: {  	v1 =	vmul.f32 v63, v1;
	_ =	sdelay $0x1  }
0x80: {  	v4 =	vbroadcast v1, $0x0;
	_ =	sdelay $0x1  }
0x81: {  	s29 =	simm.s32 $0x19C0;
	s13 =	simm.s32 $0x1C0;
	s12 =	simm.s32 $0x0;
	[tilespmem:s10+$0x20] =	vst v1;
	v2 =	vmul.f32 v4, v2;
	v1 =	vmul.f32 v4, v3  }
.LBB2_5:
0x82: {  	s12 =	sadd.s32 $0x2, s12;
	s11 =	sadd.s32 $0x2, s11;
	s10 =	sadd.s32 $0x60, s10  }
0x83: {  	p0 =	slt.u32 s12, $0x7E;
	[tilespmem:s13+$0x0] =	vst v2  }
0x84: {  	v2 =	vld [tilespmem:s10+$0xFFFFFFF0];
	[tilespmem:s13+$0x10] =	vst v1;
	s13 =	smov.u32 s10  }
0x85: {  	v1 =	vld [tilespmem:s29+$0xFFFFFFF0];
	_ =	sdelay $0x4  }
0x86: {  	v1 =	vadd.f32 v2, v1;
	_ =	sdelay $0x1  }
0x87: {  	v2 =	vmul.f32 $2.000000030e-01, v1;
	_ =	sdelay $0x1  }
0x88: {  	v1 =	vmax.f32 v1, v2  }
0x89: {  	v1 =	vmul.f32 $1.442695020e+00, v1;
	_ =	sdelay $0x1  }
0x8a: {  	(erf) = vpow2.f32 v1;
	_ =	sdelay $0x3  }
0x8b: {  	v1 =	vld.msk [tilespmem:s11+$0xFFFFFFFF ss:$0x0], $0xffff;
	_ =	sdelay $0x3  }
0x8c: {  	v2 =	vld [tilespmem:s10+$0xFFFFFFE0]  }
0x8d: {  	v3 =	vld [tilespmem:s10+$0xFFFFFFD0];
	v4 =	vpop (erf)  }
0x8e: {  	v1 =	vmul.f32 v4, v1;
	_ =	sdelay $0x1  }
0x8f: {  	v4 =	vbroadcast v1, $0x0;
	[tilespmem:s10+$0xFFFFFFF0] =	vst v1;
	_ =	sdelay $0x1  }
0x90: {  	v1 =	vmul.f32 v4, v3;
	v2 =	vmul.f32 v4, v2;
	_ =	sdelay $0x1  }
0x91: {  	[tilespmem:s10+$0xFFFFFFD0] =	vst v1  }
0x92: {  	[tilespmem:s10+$0xFFFFFFE0] =	vst v2;
	v1 =	vld [tilespmem:s10+$0x20]  }
0x93: {  	v2 =	vld [tilespmem:s29+$0x0];
	_ =	sdelay $0x4  }
0x94: {  	v1 =	vadd.f32 v1, v2;
	_ =	sdelay $0x1  }
0x95: {  	v2 =	vmul.f32 $2.000000030e-01, v1;
	_ =	sdelay $0x1  }
0x96: {  	v1 =	vmax.f32 v1, v2  }
0x97: {  	v1 =	vmul.f32 $1.442695020e+00, v1;
	_ =	sdelay $0x1  }
0x98: {  	(erf) = vpow2.f32 v1;
	_ =	sdelay $0x3  }
0x99: {  	v1 =	vld.msk [tilespmem:s11+$0x0 ss:$0x0], $0xffff;
	_ =	sdelay $0x3  }
0x9a: {  	v2 =	vld [tilespmem:s10+$0x0]  }
0x9b: {  	v3 =	vld [tilespmem:s10+$0x10];
	v4 =	vpop (erf)  }
.Ltmp1:
0x9c: {  	v1 =	vmul.f32 v4, v1;
	(pc) =	sbr.rel @p0 .LBB2_5-.Ltmp1, $3  }
0x9d: {  	_ = 	snop  }
0x9e: {  	v4 =	vbroadcast v1, $0x0;
	[tilespmem:s10+$0x20] =	vst v1;
	_ =	sdelay $0x1  }
0x9f: {  	s29 =	sadd.s32 $0x20, s29;
	v2 =	vmul.f32 v4, v2;
	v1 =	vmul.f32 v4, v3  }
0xa0: {  	_ = 	snop  }
0xa1: {  	[tilespmem:s13+$0x0] =	vst v2  }
0xa2: {  	[tilespmem:s13+$0x10] =	vst v1  }
0xa3: {  	[spmem:s2] =	stream.indirect.scatter.add.f32 [tilespmem:s4], [sflag:$0x5], $0x30, s3, s31, $0xb8;
	[tilespmem:$0xCFC0] =	vst v63  }
0xa4: {  	s9 =	sadd.s32 s9, s23;
	_ =	swait.ge [sflag:s30], $0x1800  }
0xa5: {  	s9 =	sshrl.u32 s9, $0x3;
	[sflag:s30] =	ssyncset.done $0x0  }
0xa6: {  	s10 =	sadd.s32 s6, s9;
	[sflag:s30] =	ssyncadd.s32 $0xFFFFE800  }
0xa7: {  	[tilespmem:s3], [sflag:$0x5] =	stream.linear.gather [hbm4b:s10+s3], $0x80, $0x38;
	[tilespmem:$0xCFC0] =	vst v63  }
0xa8: {  	_ =	swait.ge [sflag:s30], $0x80  }
0xa9: {  	[sflag:s30] =	ssyncset.done $0x0  }
0xaa: {  	s29 =	sadd.s32 s7, s9;
	[sflag:s30] =	ssyncadd.s32 $0xFFFFFF80  }
0xab: {  	[tilespmem:s31], [sflag:$0x5] =	stream.linear.gather [hbm4b:s29+s3], $0x80, $0x38;
	[tilespmem:$0xCFC0] =	vst v63  }
0xac: {  	_ =	swait.ge [sflag:s30], $0x80  }
0xad: {  	[sflag:s30] =	ssyncset.done $0x0  }
0xae: {  	s9 =	sadd.s32 s8, s9;
	[sflag:s30] =	ssyncadd.s32 $0xFFFFFF80  }
0xaf: {  	[tilespmem:s0], [sflag:$0x5] =	stream.linear.gather [hbm4b:s9+s3], $0x80, $0x38;
	[tilespmem:$0xCFC0] =	vst v63  }
0xb0: {  	_ =	swait.ge [sflag:s30], $0x80  }
0xb1: {  	[sflag:s30] =	ssyncset.done $0x0  }
0xb2: {  	[sflag:s30] =	ssyncadd.s32 $0xFFFFFF80  }
0xb3: {  	[tilespmem:s4], [sflag:$0x1] =	stream.indirect.gather [hbm4b:s5+s31], $0x30, s31, s31, $0xb8;
	[tilespmem:$0xCFC0] =	vst v63  }
0xb4: {  	_ = 	snop  }
0xb5: {  	[tilespmem:s14], [sflag:$0x2] =	stream.indirect.gather [hbm4b:s1+s31], $0x10, s3, s31, $0xb8;
	[tilespmem:$0xCFC0] =	vst v63  }
0xb6: {  	_ =	swait.ge [sflag:s24], $0x1800  }
0xb7: {  	[sflag:s24] =	ssyncset.done $0x0  }
0xb8: {  	[sflag:s24] =	ssyncadd.s32 $0xFFFFE800  }
0xb9: {  	_ =	swait.ge [sflag:s25], $0x800  }
0xba: {  	[sflag:s25] =	ssyncset.done $0x0  }
0xbb: {  	s9 =	simm.s32 $0x2350;
	[sflag:s25] =	ssyncadd.s32 $0xFFFFF800  }
0xbc: {  	s11 =	simm.s32 $0x3B30;
	v1 =	vld [tilespmem:s9+$0xFFFFFFF0]  }
0xbd: {  	v2 =	vld [tilespmem:s11+$0xFFFFFFF0];
	_ =	sdelay $0x4  }
0xbe: {  	v1 =	vadd.f32 v1, v2;
	_ =	sdelay $0x1  }
0xbf: {  	v2 =	vmul.f32 $2.000000030e-01, v1;
	_ =	sdelay $0x1  }
0xc0: {  	v1 =	vmax.f32 v1, v2  }
0xc1: {  	v1 =	vmul.f32 $1.442695020e+00, v1;
	_ =	sdelay $0x1  }
0xc2: {  	(erf) = vpow2.f32 v1;
	_ =	sdelay $0x3  }
0xc3: {  	s10 =	simm.s32 $0x2291  }
0xc4: {  	v1 =	vld.msk [tilespmem:s10+$0xFFFFFFFF ss:$0x0], $0xffff;
	_ =	sdelay $0x3  }
0xc5: {  	v2 =	vld [tilespmem:s9+$0xFFFFFFD0];
	v3 =	vpop (erf)  }
0xc6: {  	v4 =	vld [tilespmem:s9+$0xFFFFFFE0];
	v1 =	vmul.f32 v3, v1;
	_ =	sdelay $0x1  }
0xc7: {  	v3 =	vbroadcast v1, $0x0;
	_ =	sdelay $0x1  }
0xc8: {  	v2 =	vmul.f32 v3, v2  }
0xc9: {  	[tilespmem:s9+$0xFFFFFFF0] =	vst v1;
	v1 =	vmul.f32 v3, v4  }
0xca: {  	[tilespmem:s9+$0xFFFFFFD0] =	vst v2  }
0xcb: {  	[tilespmem:s9+$0xFFFFFFE0] =	vst v1;
	v1 =	vld [tilespmem:s9+$0x20]  }
0xcc: {  	v2 =	vld [tilespmem:s11+$0x0];
	_ =	sdelay $0x4  }
0xcd: {  	v1 =	vadd.f32 v1, v2;
	_ =	sdelay $0x1  }
0xce: {  	v2 =	vmul.f32 $2.000000030e-01, v1;
	_ =	sdelay $0x1  }
0xcf: {  	v1 =	vmax.f32 v1, v2  }
0xd0: {  	v1 =	vmul.f32 $1.442695020e+00, v1;
	_ =	sdelay $0x1  }
0xd1: {  	(erf) = vpow2.f32 v1;
	_ =	sdelay $0x4  }
0xd2: {  	v1 =	vld.msk [tilespmem:s10+$0x0 ss:$0x0], $0xffff;
	_ =	sdelay $0x2  }
0xd3: {  	v3 =	vld [tilespmem:s9+$0x10]  }
0xd4: {  	v2 =	vld [tilespmem:s9+$0x0];
	v63 =	vpop (erf)  }
0xd5: {  	v1 =	vmul.f32 v63, v1;
	_ =	sdelay $0x1  }
0xd6: {  	v4 =	vbroadcast v1, $0x0;
	_ =	sdelay $0x1  }
0xd7: {  	s12 =	simm.s32 $0x2350;
	s13 =	simm.s32 $0x3B50;
	s11 =	simm.s32 $0x0;
	[tilespmem:s9+$0x20] =	vst v1;
	v2 =	vmul.f32 v4, v2;
	v1 =	vmul.f32 v4, v3  }
.LBB2_7:
0xd8: {  	s11 =	sadd.s32 $0x2, s11;
	s10 =	sadd.s32 $0x2, s10;
	s9 =	sadd.s32 $0x60, s9  }
0xd9: {  	p0 =	slt.u32 s11, $0x7E;
	[tilespmem:s12+$0x0] =	vst v2  }
0xda: {  	v2 =	vld [tilespmem:s9+$0xFFFFFFF0];
	[tilespmem:s12+$0x10] =	vst v1;
	s12 =	smov.u32 s9  }
0xdb: {  	v1 =	vld [tilespmem:s13+$0xFFFFFFF0];
	_ =	sdelay $0x4  }
0xdc: {  	v1 =	vadd.f32 v2, v1;
	_ =	sdelay $0x1  }
0xdd: {  	v2 =	vmul.f32 $2.000000030e-01, v1;
	_ =	sdelay $0x1  }
0xde: {  	v1 =	vmax.f32 v1, v2  }
0xdf: {  	v1 =	vmul.f32 $1.442695020e+00, v1;
	_ =	sdelay $0x1  }
0xe0: {  	(erf) = vpow2.f32 v1;
	_ =	sdelay $0x3  }
0xe1: {  	v1 =	vld.msk [tilespmem:s10+$0xFFFFFFFF ss:$0x0], $0xffff;
	_ =	sdelay $0x3  }
0xe2: {  	v2 =	vld [tilespmem:s9+$0xFFFFFFE0]  }
0xe3: {  	v3 =	vld [tilespmem:s9+$0xFFFFFFD0];
	v4 =	vpop (erf)  }
0xe4: {  	v1 =	vmul.f32 v4, v1;
	_ =	sdelay $0x1  }
0xe5: {  	v4 =	vbroadcast v1, $0x0;
	[tilespmem:s9+$0xFFFFFFF0] =	vst v1;
	_ =	sdelay $0x1  }
0xe6: {  	v1 =	vmul.f32 v4, v3;
	v2 =	vmul.f32 v4, v2;
	_ =	sdelay $0x1  }
0xe7: {  	[tilespmem:s9+$0xFFFFFFD0] =	vst v1  }
0xe8: {  	[tilespmem:s9+$0xFFFFFFE0] =	vst v2;
	v1 =	vld [tilespmem:s9+$0x20]  }
0xe9: {  	v2 =	vld [tilespmem:s13+$0x0];
	_ =	sdelay $0x4  }
0xea: {  	v1 =	vadd.f32 v1, v2;
	_ =	sdelay $0x1  }
0xeb: {  	v2 =	vmul.f32 $2.000000030e-01, v1;
	_ =	sdelay $0x1  }
0xec: {  	v1 =	vmax.f32 v1, v2  }
0xed: {  	v1 =	vmul.f32 $1.442695020e+00, v1;
	_ =	sdelay $0x1  }
0xee: {  	(erf) = vpow2.f32 v1;
	_ =	sdelay $0x3  }
0xef: {  	v1 =	vld.msk [tilespmem:s10+$0x0 ss:$0x0], $0xffff;
	_ =	sdelay $0x3  }
0xf0: {  	v2 =	vld [tilespmem:s9+$0x0]  }
0xf1: {  	v3 =	vld [tilespmem:s9+$0x10];
	v4 =	vpop (erf)  }
.Ltmp2:
0xf2: {  	v1 =	vmul.f32 v4, v1;
	(pc) =	sbr.rel @p0 .LBB2_7-.Ltmp2, $3  }
0xf3: {  	_ = 	snop  }
0xf4: {  	v4 =	vbroadcast v1, $0x0;
	[tilespmem:s9+$0x20] =	vst v1;
	_ =	sdelay $0x1  }
0xf5: {  	s13 =	sadd.s32 $0x20, s13;
	v2 =	vmul.f32 v4, v2;
	v1 =	vmul.f32 v4, v3  }
0xf6: {  	s28 =	sadd.s32 $0x1, s28  }
0xf7: {  	[tilespmem:s12+$0x0] =	vst v2;
	p0 =	sne.s32 s28, $0x28  }
.Ltmp3:
0xf8: {  	[tilespmem:s12+$0x10] =	vst v1;
	(pc) =	sbr.rel @p0 .LBB2_4-.Ltmp3, $4  }
0xf9: {  	[spmem:s2] =	stream.indirect.scatter.add.f32 [tilespmem:s18], [sflag:$0x5], $0x30, s15, s31, $0xb8;
	[tilespmem:$0xCFC0] =	vst v63  }
0xfa: {  	_ =	swait.ge [sflag:s30], $0x1800  }
0xfb: {  	[sflag:s30] =	ssyncset.done $0x0  }
0xfc: {  	[sflag:s30] =	ssyncadd.s32 $0xFFFFE800  }
0xfd: {  	s9 =	rddreg [dreg:$0x11]  }
0xfe: {  	[tilespmem:s15], [sflag:$0x5] =	stream.linear.gather [hbm4b:s9+s3], $0x80, $0x38;
	[tilespmem:$0xCFC0] =	vst v63  }
0xff: {  	_ =	swait.ge [sflag:s30], $0x80  }
0x100: {  	[sflag:s30] =	ssyncset.done $0x0  }
0x101: {  	s28 =	rddreg [dreg:$0x12];
	[sflag:s30] =	ssyncadd.s32 $0xFFFFFF80  }
0x102: {  	[tilespmem:s16], [sflag:$0x5] =	stream.linear.gather [hbm4b:s28+s3], $0x80, $0x38;
	[tilespmem:$0xCFC0] =	vst v63  }
0x103: {  	_ =	swait.ge [sflag:s30], $0x80  }
0x104: {  	[sflag:s30] =	ssyncset.done $0x0  }
0x105: {  	s29 =	rddreg [dreg:$0x13];
	[sflag:s30] =	ssyncadd.s32 $0xFFFFFF80  }
0x106: {  	[tilespmem:s17], [sflag:$0x5] =	stream.linear.gather [hbm4b:s29+s3], $0x80, $0x38;
	[tilespmem:$0xCFC0] =	vst v63  }
0x107: {  	_ =	swait.ge [sflag:s30], $0x80  }
0x108: {  	[sflag:s30] =	ssyncset.done $0x0  }
0x109: {  	[sflag:s30] =	ssyncadd.s32 $0xFFFFFF80  }
0x10a: {  	[tilespmem:s18], [sflag:$0x3] =	stream.indirect.gather [hbm4b:s5+s31], $0x30, s16, s31, $0xb8;
	[tilespmem:$0xCFC0] =	vst v63  }
0x10b: {  	_ = 	snop  }
0x10c: {  	[tilespmem:s19], [sflag:$0x4] =	stream.indirect.gather [hbm4b:s1+s31], $0x10, s15, s31, $0xb8;
	[tilespmem:$0xCFC0] =	vst v63  }
0x10d: {  	_ =	swait.ge [sflag:s20], $0x1800  }
0x10e: {  	[sflag:s20] =	ssyncset.done $0x0  }
0x10f: {  	[sflag:s20] =	ssyncadd.s32 $0xFFFFE800  }
0x110: {  	_ =	swait.ge [sflag:s21], $0x800  }
0x111: {  	[sflag:s21] =	ssyncset.done $0x0  }
0x112: {  	s9 =	simm.s32 $0x1C0;
	[sflag:s21] =	ssyncadd.s32 $0xFFFFF800  }
0x113: {  	s11 =	simm.s32 $0x19A0;
	v1 =	vld [tilespmem:s9+$0xFFFFFFF0]  }
0x114: {  	v2 =	vld [tilespmem:s11+$0xFFFFFFF0];
	_ =	sdelay $0x4  }
0x115: {  	v1 =	vadd.f32 v1, v2;
	_ =	sdelay $0x1  }
0x116: {  	v2 =	vmul.f32 $2.000000030e-01, v1;
	_ =	sdelay $0x1  }
0x117: {  	v1 =	vmax.f32 v1, v2  }
0x118: {  	v1 =	vmul.f32 $1.442695020e+00, v1;
	_ =	sdelay $0x1  }
0x119: {  	(erf) = vpow2.f32 v1;
	_ =	sdelay $0x3  }
0x11a: {  	s10 =	simm.s32 $0x101  }
0x11b: {  	v1 =	vld.msk [tilespmem:s10+$0xFFFFFFFF ss:$0x0], $0xffff;
	_ =	sdelay $0x3  }
0x11c: {  	v2 =	vld [tilespmem:s9+$0xFFFFFFD0];
	v3 =	vpop (erf)  }
0x11d: {  	v4 =	vld [tilespmem:s9+$0xFFFFFFE0];
	v1 =	vmul.f32 v3, v1;
	_ =	sdelay $0x1  }
0x11e: {  	v3 =	vbroadcast v1, $0x0;
	_ =	sdelay $0x1  }
0x11f: {  	v2 =	vmul.f32 v3, v2  }
0x120: {  	[tilespmem:s9+$0xFFFFFFF0] =	vst v1;
	v1 =	vmul.f32 v3, v4  }
0x121: {  	[tilespmem:s9+$0xFFFFFFD0] =	vst v2  }
0x122: {  	[tilespmem:s9+$0xFFFFFFE0] =	vst v1;
	v1 =	vld [tilespmem:s9+$0x20]  }
0x123: {  	v2 =	vld [tilespmem:s11+$0x0];
	_ =	sdelay $0x4  }
0x124: {  	v1 =	vadd.f32 v1, v2;
	_ =	sdelay $0x1  }
0x125: {  	v2 =	vmul.f32 $2.000000030e-01, v1;
	_ =	sdelay $0x1  }
0x126: {  	v1 =	vmax.f32 v1, v2  }
0x127: {  	v1 =	vmul.f32 $1.442695020e+00, v1;
	_ =	sdelay $0x1  }
0x128: {  	(erf) = vpow2.f32 v1;
	_ =	sdelay $0x4  }
0x129: {  	v1 =	vld.msk [tilespmem:s10+$0x0 ss:$0x0], $0xffff;
	_ =	sdelay $0x2  }
0x12a: {  	v3 =	vld [tilespmem:s9+$0x10]  }
0x12b: {  	v2 =	vld [tilespmem:s9+$0x0];
	v63 =	vpop (erf)  }
0x12c: {  	v1 =	vmul.f32 v63, v1;
	_ =	sdelay $0x1  }
0x12d: {  	v4 =	vbroadcast v1, $0x0;
	_ =	sdelay $0x1  }
0x12e: {  	s13 =	simm.s32 $0x19C0;
	s12 =	simm.s32 $0x1C0;
	s11 =	simm.s32 $0x0;
	[tilespmem:s9+$0x20] =	vst v1;
	v2 =	vmul.f32 v4, v2;
	v1 =	vmul.f32 v4, v3  }
.LBB2_10:
0x12f: {  	s11 =	sadd.s32 $0x2, s11;
	s10 =	sadd.s32 $0x2, s10;
	s9 =	sadd.s32 $0x60, s9  }
0x130: {  	p0 =	slt.u32 s11, $0x7E;
	[tilespmem:s12+$0x0] =	vst v2  }
0x131: {  	v2 =	vld [tilespmem:s9+$0xFFFFFFF0];
	[tilespmem:s12+$0x10] =	vst v1;
	s12 =	smov.u32 s9  }
0x132: {  	v1 =	vld [tilespmem:s13+$0xFFFFFFF0];
	_ =	sdelay $0x4  }
0x133: {  	v1 =	vadd.f32 v2, v1;
	_ =	sdelay $0x1  }
0x134: {  	v2 =	vmul.f32 $2.000000030e-01, v1;
	_ =	sdelay $0x1  }
0x135: {  	v1 =	vmax.f32 v1, v2  }
0x136: {  	v1 =	vmul.f32 $1.442695020e+00, v1;
	_ =	sdelay $0x1  }
0x137: {  	(erf) = vpow2.f32 v1;
	_ =	sdelay $0x3  }
0x138: {  	v1 =	vld.msk [tilespmem:s10+$0xFFFFFFFF ss:$0x0], $0xffff;
	_ =	sdelay $0x3  }
0x139: {  	v2 =	vld [tilespmem:s9+$0xFFFFFFE0]  }
0x13a: {  	v3 =	vld [tilespmem:s9+$0xFFFFFFD0];
	v4 =	vpop (erf)  }
0x13b: {  	v1 =	vmul.f32 v4, v1;
	_ =	sdelay $0x1  }
0x13c: {  	v4 =	vbroadcast v1, $0x0;
	[tilespmem:s9+$0xFFFFFFF0] =	vst v1;
	_ =	sdelay $0x1  }
0x13d: {  	v1 =	vmul.f32 v4, v3;
	v2 =	vmul.f32 v4, v2;
	_ =	sdelay $0x1  }
0x13e: {  	[tilespmem:s9+$0xFFFFFFD0] =	vst v1  }
0x13f: {  	[tilespmem:s9+$0xFFFFFFE0] =	vst v2;
	v1 =	vld [tilespmem:s9+$0x20]  }
0x140: {  	v2 =	vld [tilespmem:s13+$0x0];
	_ =	sdelay $0x4  }
0x141: {  	v1 =	vadd.f32 v1, v2;
	_ =	sdelay $0x1  }
0x142: {  	v2 =	vmul.f32 $2.000000030e-01, v1;
	_ =	sdelay $0x1  }
0x143: {  	v1 =	vmax.f32 v1, v2  }
0x144: {  	v1 =	vmul.f32 $1.442695020e+00, v1;
	_ =	sdelay $0x1  }
0x145: {  	(erf) = vpow2.f32 v1;
	_ =	sdelay $0x3  }
0x146: {  	v1 =	vld.msk [tilespmem:s10+$0x0 ss:$0x0], $0xffff;
	_ =	sdelay $0x3  }
0x147: {  	v2 =	vld [tilespmem:s9+$0x0]  }
0x148: {  	v3 =	vld [tilespmem:s9+$0x10];
	v4 =	vpop (erf)  }
.Ltmp4:
0x149: {  	v1 =	vmul.f32 v4, v1;
	(pc) =	sbr.rel @p0 .LBB2_10-.Ltmp4, $3  }
0x14a: {  	_ = 	snop  }
0x14b: {  	v4 =	vbroadcast v1, $0x0;
	[tilespmem:s9+$0x20] =	vst v1;
	_ =	sdelay $0x1  }
0x14c: {  	s13 =	sadd.s32 $0x20, s13;
	v2 =	vmul.f32 v4, v2;
	v1 =	vmul.f32 v4, v3  }
0x14d: {  	_ = 	snop  }
0x14e: {  	[tilespmem:s12+$0x0] =	vst v2  }
0x14f: {  	[tilespmem:s12+$0x10] =	vst v1  }
0x150: {  	[spmem:s2] =	stream.indirect.scatter.add.f32 [tilespmem:s4], [sflag:$0x5], $0x30, s3, s31, $0xb8;
	[tilespmem:$0xCFC0] =	vst v63  }
0x151: {  	_ =	swait.ge [sflag:s30], $0x1800  }
0x152: {  	[sflag:s30] =	ssyncset.done $0x0  }
0x153: {  	[sflag:s30] =	ssyncadd.s32 $0xFFFFE800  }
0x154: {  	_ =	swait.ge [sflag:s24], $0x1800  }
0x155: {  	[sflag:s24] =	ssyncset.done $0x0  }
0x156: {  	[sflag:s24] =	ssyncadd.s32 $0xFFFFE800  }
0x157: {  	_ =	swait.ge [sflag:s25], $0x800  }
0x158: {  	[sflag:s25] =	ssyncset.done $0x0  }
0x159: {  	s9 =	simm.s32 $0x2350;
	[sflag:s25] =	ssyncadd.s32 $0xFFFFF800  }
0x15a: {  	s11 =	simm.s32 $0x3B30;
	v1 =	vld [tilespmem:s9+$0xFFFFFFF0]  }
0x15b: {  	v2 =	vld [tilespmem:s11+$0xFFFFFFF0];
	_ =	sdelay $0x4  }
0x15c: {  	v1 =	vadd.f32 v1, v2;
	_ =	sdelay $0x1  }
0x15d: {  	v2 =	vmul.f32 $2.000000030e-01, v1;
	_ =	sdelay $0x1  }
0x15e: {  	v1 =	vmax.f32 v1, v2  }
0x15f: {  	v1 =	vmul.f32 $1.442695020e+00, v1;
	_ =	sdelay $0x1  }
0x160: {  	(erf) = vpow2.f32 v1;
	_ =	sdelay $0x3  }
0x161: {  	s10 =	simm.s32 $0x2291  }
0x162: {  	v1 =	vld.msk [tilespmem:s10+$0xFFFFFFFF ss:$0x0], $0xffff;
	_ =	sdelay $0x3  }
0x163: {  	v2 =	vld [tilespmem:s9+$0xFFFFFFD0];
	v3 =	vpop (erf)  }
0x164: {  	v4 =	vld [tilespmem:s9+$0xFFFFFFE0];
	v1 =	vmul.f32 v3, v1;
	_ =	sdelay $0x1  }
0x165: {  	v3 =	vbroadcast v1, $0x0;
	_ =	sdelay $0x1  }
0x166: {  	v2 =	vmul.f32 v3, v2  }
0x167: {  	[tilespmem:s9+$0xFFFFFFF0] =	vst v1;
	v1 =	vmul.f32 v3, v4  }
0x168: {  	[tilespmem:s9+$0xFFFFFFD0] =	vst v2  }
0x169: {  	[tilespmem:s9+$0xFFFFFFE0] =	vst v1;
	v1 =	vld [tilespmem:s9+$0x20]  }
0x16a: {  	v2 =	vld [tilespmem:s11+$0x0];
	_ =	sdelay $0x4  }
0x16b: {  	v1 =	vadd.f32 v1, v2;
	_ =	sdelay $0x1  }
0x16c: {  	v2 =	vmul.f32 $2.000000030e-01, v1;
	_ =	sdelay $0x1  }
0x16d: {  	v1 =	vmax.f32 v1, v2  }
0x16e: {  	v1 =	vmul.f32 $1.442695020e+00, v1;
	_ =	sdelay $0x1  }
0x16f: {  	(erf) = vpow2.f32 v1;
	_ =	sdelay $0x4  }
0x170: {  	v1 =	vld.msk [tilespmem:s10+$0x0 ss:$0x0], $0xffff;
	_ =	sdelay $0x2  }
0x171: {  	v3 =	vld [tilespmem:s9+$0x10]  }
0x172: {  	v2 =	vld [tilespmem:s9+$0x0];
	v63 =	vpop (erf)  }
0x173: {  	v1 =	vmul.f32 v63, v1;
	_ =	sdelay $0x1  }
0x174: {  	v4 =	vbroadcast v1, $0x0  }
0x175: {  	s13 =	simm.s32 $0x3B50;
	s28 =	rddreg [dreg:$0x4]  }
0x176: {  	s12 =	simm.s32 $0x2350;
	s29 =	rddreg [dreg:$0x5];
	s11 =	simm.s32 $0x0;
	[tilespmem:s9+$0x20] =	vst v1;
	v2 =	vmul.f32 v4, v2;
	v1 =	vmul.f32 v4, v3  }
.LBB2_12:
0x177: {  	s11 =	sadd.s32 $0x2, s11;
	s10 =	sadd.s32 $0x2, s10;
	s9 =	sadd.s32 $0x60, s9  }
0x178: {  	p0 =	slt.u32 s11, $0x7E;
	[tilespmem:s12+$0x0] =	vst v2  }
0x179: {  	v2 =	vld [tilespmem:s9+$0xFFFFFFF0];
	[tilespmem:s12+$0x10] =	vst v1;
	s12 =	smov.u32 s9  }
0x17a: {  	v1 =	vld [tilespmem:s13+$0xFFFFFFF0];
	_ =	sdelay $0x4  }
0x17b: {  	v1 =	vadd.f32 v2, v1;
	_ =	sdelay $0x1  }
0x17c: {  	v2 =	vmul.f32 $2.000000030e-01, v1;
	_ =	sdelay $0x1  }
0x17d: {  	v1 =	vmax.f32 v1, v2  }
0x17e: {  	v1 =	vmul.f32 $1.442695020e+00, v1;
	_ =	sdelay $0x1  }
0x17f: {  	(erf) = vpow2.f32 v1;
	_ =	sdelay $0x3  }
0x180: {  	v1 =	vld.msk [tilespmem:s10+$0xFFFFFFFF ss:$0x0], $0xffff;
	_ =	sdelay $0x3  }
0x181: {  	v2 =	vld [tilespmem:s9+$0xFFFFFFE0]  }
0x182: {  	v3 =	vld [tilespmem:s9+$0xFFFFFFD0];
	v4 =	vpop (erf)  }
0x183: {  	v1 =	vmul.f32 v4, v1;
	_ =	sdelay $0x1  }
0x184: {  	v4 =	vbroadcast v1, $0x0;
	[tilespmem:s9+$0xFFFFFFF0] =	vst v1;
	_ =	sdelay $0x1  }
0x185: {  	v1 =	vmul.f32 v4, v3;
	v2 =	vmul.f32 v4, v2;
	_ =	sdelay $0x1  }
0x186: {  	[tilespmem:s9+$0xFFFFFFD0] =	vst v1  }
0x187: {  	[tilespmem:s9+$0xFFFFFFE0] =	vst v2;
	v1 =	vld [tilespmem:s9+$0x20]  }
0x188: {  	v2 =	vld [tilespmem:s13+$0x0];
	_ =	sdelay $0x4  }
0x189: {  	v1 =	vadd.f32 v1, v2;
	_ =	sdelay $0x1  }
0x18a: {  	v2 =	vmul.f32 $2.000000030e-01, v1;
	_ =	sdelay $0x1  }
0x18b: {  	v1 =	vmax.f32 v1, v2  }
0x18c: {  	v1 =	vmul.f32 $1.442695020e+00, v1;
	_ =	sdelay $0x1  }
0x18d: {  	(erf) = vpow2.f32 v1;
	_ =	sdelay $0x3  }
0x18e: {  	v1 =	vld.msk [tilespmem:s10+$0x0 ss:$0x0], $0xffff;
	_ =	sdelay $0x3  }
0x18f: {  	v2 =	vld [tilespmem:s9+$0x0]  }
0x190: {  	v3 =	vld [tilespmem:s9+$0x10];
	v4 =	vpop (erf)  }
.Ltmp5:
0x191: {  	v1 =	vmul.f32 v4, v1;
	(pc) =	sbr.rel @p0 .LBB2_12-.Ltmp5, $3  }
0x192: {  	_ = 	snop  }
0x193: {  	v4 =	vbroadcast v1, $0x0;
	[tilespmem:s9+$0x20] =	vst v1;
	_ =	sdelay $0x1  }
0x194: {  	s13 =	sadd.s32 $0x20, s13;
	v2 =	vmul.f32 v4, v2;
	v1 =	vmul.f32 v4, v3  }
0x195: {  	_ = 	snop  }
0x196: {  	[tilespmem:s12+$0x0] =	vst v2  }
0x197: {  	[tilespmem:s12+$0x10] =	vst v1  }
0x198: {  	[spmem:s2] =	stream.indirect.scatter.add.f32 [tilespmem:s18], [sflag:$0x5], $0x30, s15, s31, $0xb8;
	[tilespmem:$0xCFC0] =	vst v63  }
0x199: {  	_ =	swait.ge [sflag:s30], $0x1800  }
0x19a: {  	[sflag:s30] =	ssyncset.done $0x0  }
0x19b: {  	s9 =	stileid.u32;
	[sflag:s30] =	ssyncadd.s32 $0xFFFFE800  }
0x19c: {  	s9 =	sshll.u32 s9, $0x6;
	[bflag:$0x0] =	sbarrier.arrive $0xFFFF  }
0x19d: {  	s10 =	sshrl.u32 s28, $0x3;
	s9 =	sor.u32 $0x1C05, s9;
	s11 =	rddreg [dreg:$0xc]  }
0x19e: {  	[hbm:s11], [sflag:s9] =	dma.local [spmem:s10], $0x2EE  }
0x19f: {  	_ =	swait.ge [sflag:s30], $0x2EE  }
0x1a0: {  	[sflag:s30] =	ssyncset.done $0x0  }
0x1a1: {  	s12 =	sshrl.u32 s29, $0x3;
	s13 =	rddreg [dreg:$0xd];
	[sflag:s30] =	ssyncadd.s32 $0xFFFFFD12  }
0x1a2: {  	[hbm:s13], [sflag:s9] =	dma.local [spmem:s12], $0x2EE  }
0x1a3: {  	_ =	swait.ge [sflag:s30], $0x2EE  }
0x1a4: {  	[sflag:s30] =	ssyncset.done $0x0;
	s12 =	rddreg [dreg:$0x6]  }
0x1a5: {  	s13 =	rddreg [dreg:$0xe];
	[sflag:s30] =	ssyncadd.s32 $0xFFFFFD12;
	s10 =	sshrl.u32 s12, $0x3  }
0x1a6: {  	[hbm:s13], [sflag:s9] =	dma.local [spmem:s10], $0x2EE  }
0x1a7: {  	_ =	swait.ge [sflag:s30], $0x2EE  }
0x1a8: {  	[sflag:s30] =	ssyncset.done $0x0;
	s12 =	rddreg [dreg:$0x7]  }
0x1a9: {  	s13 =	rddreg [dreg:$0xf];
	[sflag:s30] =	ssyncadd.s32 $0xFFFFFD12;
	s10 =	sshrl.u32 s12, $0x3  }
0x1aa: {  	[hbm:s13], [sflag:s9] =	dma.local [spmem:s10], $0x2EE  }
0x1ab: {  	_ =	swait.ge [sflag:s30], $0x2EE  }
0x1ac: {  	[sflag:s30] =	ssyncset.done $0x0;
	s11 =	rddreg [dreg:$0x8]  }
0x1ad: {  	s12 =	rddreg [dreg:$0x10];
	[sflag:s30] =	ssyncadd.s32 $0xFFFFFD12;
	s10 =	sshrl.u32 s11, $0x3  }
0x1ae: {  	[hbm:s12], [sflag:s9] =	dma.local [spmem:s10], $0x2EE  }
0x1af: {  	_ =	swait.ge [sflag:s30], $0x2EE  }
0x1b0: {  	s26 =	sadd.s32 $0x1, s26;
	s13 =	rddreg [dreg:$0x14]  }
0x1b1: {  	p0 =	sne.s32 s26, s13  }
.Ltmp6:
0x1b2: {  	_ = 	snop;
	(pc) =	sbr.rel @p0 .LBB2_1-.Ltmp6, $3  }
0x1b3: {  	_ =	sdelay $0x1  }
0x1b4: {  	[sflag:s30] =	ssyncset.done $0x0  }
0x1b5: {  	[sflag:s30] =	ssyncadd.s32 $0xFFFFFD12  }
0x1b6: {  	_ =	sfence.sel $0x180000  }
0x1b7: {  	[bflag:$0x0] =	sbarrier.arrive $0xFFFF  }
0x1b8: {  	_ =	strace $0x9000004A  }
0x1b9: {  	s0 =	stileid.u32;
	[bflag:$0x2] =	sbarrier.arrive $0xFFFF  }
0x1ba: {  	p0 =	sne.s32 s0, $0x0;
	s0 =	rddreg [dreg:$0x3]  }
0x1bb: {  	s0 =	sadd.s32 @!p0 $0x100000, s0  }
0x1bc: {  	[sflag:s0] =	ssyncadd.tile.s32 @!p0 $0x1;
	_ =	shalt  }
.Lfunc_end2:
_tile_overlayer_lowered:
.L_overlay_start_2:
0x1bd: {  	(tag) =	ssettag $0x2  }
0x1be: {  	s0 =	rddreg [dreg:$0x0];
	s2 =	stileid.u32  }
0x1bf: {  	s1 =	rddreg [dreg:$0x1];
	p0 =	sne.s32 s2, $0x0  }
0x1c0: {  	s3 =	rddreg [dreg:$0x2];
	[bflag:$0x3] =	sbarrier.arrive $0xFFFF;
	s2 =	simm.s32 @!p0 $0x1C05  }
0x1c1: {  	[timem:s3], [sflag:s2] =	dma.local @!p0 [hbm:s0], s1  }
0x1c2: {  	s0 =	simm.s32 @!p0 $0x5  }
0x1c3: {  	_ =	swait.ge @!p0 [sflag:s0], s1  }
0x1c4: {  	s1 =	ssub.s32 @!p0 $0x0, s1;
	[sflag:s0] =	ssyncset.done @!p0 $0x0  }
0x1c5: {  	[sflag:s0] =	ssyncadd.s32 @!p0 s1  }
0x1c6: {  	[bflag:$0x3] =	sbarrier.arrive $0xFFFF  }
0x1c7: {  	_ =	shalt  }

// kernel: kernel.7.cloned.1.call-start
scs
__scs_entry_jumppad:
0x0: {  	(pc) =	sbr.rel $0x88, $3  }
0x1: {  	(tag) =	ssettag $0x0;
	lr =	simm.s32 $0x1  }
0x2: {  	[smem:$0x3F99] =	sst lr;
	_ =	strace $0xD0000000  }
0x3: {  	_ = 	snop  }
0x4: {  	_ = 	snop  }
0x5: {  	_ = 	snop  }
0x6: {  	_ = 	snop  }
0x7: {  	_ = 	snop  }
__scs_overlays_trampoline_lowered:
0x8: {  	[smem:$0x3FA8] =	sst s0  }
0x9: {  	[smem:$0x3FA9] =	sst s1  }
0xa: {  	[smem:$0x3FAA] =	sst s2  }
0xb: {  	[smem:$0x3FAB] =	sst s3  }
0xc: {  	[smem:$0x3FAC] =	sst s4  }
0xd: {  	[smem:$0x3FAD] =	sst s5  }
0xe: {  	[smem:$0x3FAE] =	sst s6  }
0xf: {  	[smem:$0x3FAF] =	sst s7  }
0x10: {  	[smem:$0x3FB0] =	sst s8  }
0x11: {  	[smem:$0x3FB1] =	sst s9;
	s0 =	simm.s32 @!p0 $0x0  }
0x12: {  	s1 =	sld [smem:$0x3F97];
	s0 =	simm.s32 @p0 $0x1  }
0x13: {  	[smem:$0x3FB2] =	sst s0;
	s0 =	simm.s32 @!p1 $0x0  }
0x14: {  	s2 =	sld [smem:$0x3F96];
	s0 =	simm.s32 @p1 $0x1  }
0x15: {  	[smem:$0x3FB3] =	sst s0;
	s0 =	simm.s32 @!p2 $0x0  }
0x16: {  	s3 =	sld [smem:$0x3FDB];
	s0 =	simm.s32 @p2 $0x1  }
0x17: {  	s4 =	simm.s32 $0x1BF5;
	[smem:$0x3FB5] =	sst s0  }
0x18: {  	s0 =	sld [smem:$0x3F98];
	_ =	swait.ge [sflag:s4], $0x0  }
0x19: {  	s7 =	sld [smem:$0x3F99]  }
0x1a: {  	s8 =	sadd.s32 $0xFFFFE003, lr  }
0x1b: {  	s9 =	sadd.s32 $0xFFFFFEF7, lr;
	s5 =	simm.s32 $0xFFFFFFFF;
	p2 =	slt.u32 s8, $0xFFFFF086  }
0x1c: {  	p1 =	slt.u32 s9, $0xF7A;
	s5 =	simm.s32 @!p2 $0x0  }
0x1d: {  	s5 =	simm.s32 @p1 $0x1;
	p0 =	seq.s32 s7, s2  }
0x1e: {  	s7 =	smul.u32 @!p0 $0xF7A, s2;
	p2 =	seq.s32 @!p0 s5, $0x0  }
0x1f: {  	s9 =	smul.u32 $0xF7A, s1;
	s8 =	simm.s32 @!p0 $0x1BF5;
	p2 =	por !p2, p0  }
0x20: {  	[sflag:s8] =	ssyncset.s32 @!p0 $0xFFFFF086;
	s6 =	sadd.s32 @!p0 s3, s7;
	s7 =	simm.s32 @!p0 $0x108  }
0x21: {  	s3 =	sadd.s32 s3, s9;
	s6 =	sadd.s32 @!p0 $0x88, s6;
	s7 =	simm.s32 @p2 $0x1082  }
0x22: {  	[simem:s7], [sflag:s8] =	dma.local @!p0 [hbm:s6], $0xF7A  }
0x23: {  	s9 =	sor.u32 $0xD0000000, s2;
	s6 =	simm.s32 $0x108;
	_ =	swait.ge @!p0 [sflag:s8], $0x0  }
0x24: {  	s3 =	sadd.s32 $0x88, s3;
	s6 =	simm.s32 @!p1 $0x1082;
	[sflag:s4] =	ssyncset.s32 $0xFFFFF086  }
0x25: {  	[simem:s6], [sflag:s4] =	dma.local [hbm:s3], $0xF7A  }
0x26: {  	[smem:$0x3F99] =	sst s1;
	(tag) =	ssettag s2;
	_ =	strace s9  }
0x27: {  	s1 =	sld [smem:$0x3FA9]  }
0x28: {  	s2 =	sld [smem:$0x3FAA]  }
0x29: {  	s4 =	sld [smem:$0x3FAC]  }
0x2a: {  	p0 =	seq.s32 s5, $0x0;
	s5 =	sld [smem:$0x3FAD]  }
0x2b: {  	s6 =	sld [smem:$0x3FAE]  }
0x2c: {  	s7 =	sld [smem:$0x3FAF]  }
0x2d: {  	s3 =	simm.s32 $0x108;
	s8 =	sld [smem:$0x3FB0]  }
0x2e: {  	s3 =	simm.s32 @!p0 $0x1082;
	s9 =	sld [smem:$0x3FB1]  }
0x2f: {  	lr =	sadd.s32 s0, s3;
	s0 =	sld [smem:$0x3FA8]  }
0x30: {  	s3 =	sld [smem:$0x3FAB]  }
0x31: {  	[smem:$0x3FB4] =	sst s10  }
0x32: {  	s10 =	sld [smem:$0x3FB2];
	_ =	sdelay $0x3  }
0x33: {  	p0 =	seq.s32 s10, $0x1;
	s10 =	sld [smem:$0x3FB4];
	_ =	sdelay $0x3  }
0x34: {  	[smem:$0x3FB4] =	sst s10  }
0x35: {  	s10 =	sld [smem:$0x3FB3];
	_ =	sdelay $0x3  }
0x36: {  	p1 =	seq.s32 s10, $0x1;
	s10 =	sld [smem:$0x3FB4];
	_ =	sdelay $0x3  }
0x37: {  	[smem:$0x3FB4] =	sst s10  }
0x38: {  	s10 =	sld [smem:$0x3FB5]  }
0x39: {  	_ = 	snop;
	(pc) =	sbr.ind lr, $3  }
0x3a: {  	_ = 	snop  }
0x3b: {  	_ = 	snop  }
0x3c: {  	p2 =	seq.s32 s10, $0x1;
	s10 =	sld [smem:$0x3FB4]  }
0x3d: {  	_ =	shalt  }
0x3e: {  	_ =	shalt  }
0x3f: {  	_ =	shalt  }
0x40: {  	_ =	shalt  }
0x41: {  	_ =	shalt  }
0x42: {  	_ =	shalt  }
0x43: {  	_ =	shalt  }
0x44: {  	_ =	shalt  }
0x45: {  	_ =	shalt  }
0x46: {  	_ =	shalt  }
0x47: {  	_ =	shalt  }
0x48: {  	_ =	shalt  }
0x49: {  	_ =	shalt  }
0x4a: {  	_ =	shalt  }
0x4b: {  	_ =	shalt  }
0x4c: {  	_ =	shalt  }
0x4d: {  	_ =	shalt  }
0x4e: {  	_ =	shalt  }
0x4f: {  	_ =	shalt  }
0x50: {  	_ =	shalt  }
0x51: {  	_ =	shalt  }
0x52: {  	_ =	shalt  }
0x53: {  	_ =	shalt  }
0x54: {  	_ =	shalt  }
0x55: {  	_ =	shalt  }
0x56: {  	_ =	shalt  }
0x57: {  	_ =	shalt  }
0x58: {  	_ =	shalt  }
0x59: {  	_ =	shalt  }
0x5a: {  	_ =	shalt  }
0x5b: {  	_ =	shalt  }
0x5c: {  	_ =	shalt  }
0x5d: {  	_ =	shalt  }
0x5e: {  	_ =	shalt  }
0x5f: {  	_ =	shalt  }
0x60: {  	_ =	shalt  }
0x61: {  	_ =	shalt  }
0x62: {  	_ =	shalt  }
0x63: {  	_ =	shalt  }
0x64: {  	_ =	shalt  }
0x65: {  	_ =	shalt  }
0x66: {  	_ =	shalt  }
0x67: {  	_ =	shalt  }
0x68: {  	_ =	shalt  }
0x69: {  	_ =	shalt  }
0x6a: {  	_ =	shalt  }
0x6b: {  	_ =	shalt  }
0x6c: {  	_ =	shalt  }
0x6d: {  	_ =	shalt  }
0x6e: {  	_ =	shalt  }
0x6f: {  	_ =	shalt  }
0x70: {  	_ =	shalt  }
0x71: {  	_ =	shalt  }
0x72: {  	_ =	shalt  }
0x73: {  	_ =	shalt  }
0x74: {  	_ =	shalt  }
0x75: {  	_ =	shalt  }
0x76: {  	_ =	shalt  }
0x77: {  	_ =	shalt  }
0x78: {  	_ =	shalt  }
0x79: {  	_ =	shalt  }
0x7a: {  	_ =	shalt  }
0x7b: {  	_ =	shalt  }
0x7c: {  	_ =	shalt  }
0x7d: {  	_ =	shalt  }
0x7e: {  	_ =	shalt  }
0x7f: {  	_ =	shalt  }
0x80: {  	_ =	shalt  }
0x81: {  	_ =	shalt  }
0x82: {  	_ =	shalt  }
0x83: {  	_ =	shalt  }
0x84: {  	_ =	shalt  }
0x85: {  	_ =	shalt  }
0x86: {  	_ =	shalt  }
0x87: {  	_ =	shalt  }
.Lfunc_end0:
.L_simem_size_0:
called_computation_lowered:
.L_overlay_start_0:
0x88: {  	s2 =	sld [smem:$0x3FD9]  }
0x89: {  	s3 =	sld [smem:$0x3FFE];
	_ =	sdelay $0x1  }
0x8a: {  	s1 =	srdreg.scid  }
0x8b: {  	s0 =	sand.u32 $0x1, s1  }
0x8c: {  	s17 =	sshll.u32 s0, $0xA;
	s2 =	sadd.s32 s3, s2  }
0x8d: {  	s2 =	sadd.s32 s2, s17  }
0x8e: {  	[smem:$0x3FC0] =	sst s2  }
0x8f: {  	_ = 	snop  }
0x90: {  	s2 =	sld [smem:$0x3FD0];
	(tm) =	ssettm $0x1  }
0x91: {  	s18 =	sld [smem:$0x3FFB];
	_ =	sdelay $0x3  }
0x92: {  	_ =	strace s18  }
0x93: {  	s3 =	sld [smem:$0x3FFC];
	_ =	sdelay $0x3  }
0x94: {  	_ =	strace s3  }
0x95: {  	s3 =	sld [smem:$0x3FFD];
	_ =	sdelay $0x3  }
0x96: {  	_ =	strace s3  }
0x97: {  	_ =	strace $0x8FFFFFFF  }
0x98: {  	s19 =	sld [smem:$0x3FDB];
	_ =	sdelay $0x1  }
0x99: {  	s4 =	simm.s32 $_scs_section_size  }
0x9a: {  	s5 =	simm.s32 $_size__tile_overlayer_lowered;
	s6 =	simm.s32 $_tile_overlayer_lowered  }
0x9b: {  	s22 =	simm.s32 $0x1BFF;
	s21 =	sshll.u32 s6, $0x1;
	s3 =	sadd.s32 s4, s19  }
0x9c: {  	s7 =	simm.s32 $0x0;
	s20 =	sshll.u32 s5, $0x1;
	s5 =	sadd.s32 s21, s3  }
0x9d: {  	[timem:s7], [sflag:s22] =	dma.local [hbm:s5], s20  }
0x9e: {  	_ =	swait.ge [sflag:s22], s20  }
0x9f: {  	s4 =	ssub.s32 $0x0, s20;
	[sflag:s22] =	ssyncset.done $0x0  }
0xa0: {  	[sflag:s22] =	ssyncadd.s32 s4;
	_ =	sdelay $0x1  }
0xa1: {  	s23 =	simm.s32 $0x1B8B  }
0xa2: {  	_ =	swait.ge [sflag:s23], $0x1  }
0xa3: {  	[sflag:s23] =	ssyncset.done $0x0  }
0xa4: {  	s25 =	simm.s32 $0x1B8E;
	s24 =	sld [smem:$0x3FFE];
	[sflag:s23] =	ssyncadd.s32 $0xFFFFFFFF  }
0xa5: {  	s26 =	simm.s32 $execute0_lowered;
	[smem:$0x3FD2] =	sst s25  }
0xa6: {  	s5 =	sshll.u32 s26, $0x1;
	_ =	strace $0x80000046;
	[dreg:$0x1] =	wrdreg $0xFFFFFFFF  }
0xa7: {  	s28 =	simm.s32 $_size_execute0_lowered;
	s3 =	sadd.s32 s3, s5;
	[dreg:$0x0] =	wrdreg $0x0  }
0xa8: {  	s5 =	sshll.u32 s28, $0x1;
	[dreg:$0x2] =	wrdreg s3  }
0xa9: {  	[dreg:$0x3] =	wrdreg s5  }
0xaa: {  	[dreg:$0x4] =	wrdreg $0xC0  }
0xab: {  	_ =	task [dreg:s7], $0x5FFFF  }
0xac: {  	[dreg:$0x1] =	wrdreg $0xFFFFFFFF  }
0xad: {  	[dreg:$0x0] =	wrdreg $0x60  }
0xae: {  	[dreg:$0x2] =	wrdreg s24  }
0xaf: {  	[dreg:$0x3] =	wrdreg s2  }
0xb0: {  	[dreg:$0x4] =	wrdreg $0x97E00  }
0xb1: {  	[dreg:$0x5] =	wrdreg $0x9  }
0xb2: {  	_ =	task.clear_ibuf [dreg:s7], $0x6FFFF;
	_ =	strace $0x90000046  }
0xb3: {  	s29 =	simm.s32 $0x9;
	_ =	strace $0x80000048  }
0xb4: {  	_ =	swait.ge [sflag:s29], $0x1  }
0xb5: {  	[sflag:s29] =	ssyncadd.s32 $0xFFFFFFFF  }
0xb6: {  	_ =	strace $0x90000048  }
0xb7: {  	_ =	sfence  }
0xb8: {  	s30 =	sld [smem:$0x0];
	_ =	sdelay $0x2  }
0xb9: {  	s31 =	sshll.u32 s1, $0xD;
	s1 =	sshrl.u32 s1, $0x2  }
0xba: {  	s3 =	sand.u32 $0x4000, s31;
	s1 =	sadd.s32 s1, s30  }
0xbb: {  	s0 =	sor.u32 s3, s0;
	s1 =	sshll.u32 s1, $0x11  }
0xbc: {  	s0 =	sor.u32 s1, s0  }
0xbd: {  	s0 =	sadd.s32 $0x8F2B, s0  }
0xbe: {  	[sflag:s0] =	ssyncadd.remote.s32 $0x1  }
0xbf: {  	_ =	sfence.sel $0xFFFF  }
0xc0: {  	[dreg:$0x0] =	wrdreg $0xFFFFFFFF;
	(pc) =	sbr.abs _section_cstart, $3  }
0xc1: {  	[dreg:$0x1] =	wrdreg $0xFFFFFFFF  }
0xc2: {  	_ =	task.clear_ibuf [dreg:s7], $0x2FFFF;
	_ =	strace $0x9FFFFFFF  }
0xc3: {  	(tm) =	ssettm $0x7FFFFFFF  }
tec
execute0_lowered:
.L_overlay_start_1:
0x0: {  	(tag) =	ssettag $0x1  }
0x1: {  	s0 =	rddreg [dreg:$0x0]  }
0x2: {  	s1 =	rddreg [dreg:$0x1]  }
0x3: {  	s2 =	rddreg [dreg:$0x2];
	s3 =	simm.s32 $0x0;
	s4 =	srdreg.scid  }
0x4: {  	s21 =	stileid.u32;
	s28 =	simm.s32 $0x1;
	s29 =	simm.s32 $0x2  }
0x5: {  	s30 =	simm.s32 $0x0;
	[smem:$0x7FF] =	sst s3;
	s5 =	sadd.s32 $0x16E00, s0  }
0x6: {  	s6 =	sadd.s32 $0xCA00, s0;
	s4 =	sand.u32 $0x1, s4;
	s7 =	sadd.s32 $0x2600, s0  }
0x7: {  	s14 =	smul.u32 $0x15F90, s21;
	s8 =	sadd.s32 $0x42E00, s0;
	s0 =	sadd.s32 $0x4D200, s0  }
0x8: {  	_ =	strace $0x80000047;
	s9 =	ssub.s32 $0x2, s4;
	s20 =	smul.u32 $0x15F900, s4  }
0x9: {  	s4 =	sshll.u32 s4, $0x4;
	s10 =	sshrl.u32 s9, $0x1;
	s16 =	sadd.s32 $0x4650, s14  }
0xa: {  	s17 =	sadd.s32 $0x8CA0, s14;
	s18 =	sadd.s32 $0xD2F0, s14;
	s19 =	sadd.s32 $0x11940, s14  }
0xb: {  	s4 =	sor.u32 s21, s4;
	s15 =	ssub.s32 s9, s10;
	s9 =	sadd.s32 s14, s2  }
0xc: {  	s10 =	sadd.s32 s16, s2;
	s11 =	sadd.s32 s17, s2;
	s12 =	sadd.s32 s18, s2  }
0xd: {  	s13 =	sadd.s32 s19, s2;
	s31 =	sadd.s32 s14, s20;
	s16 =	sadd.s32 s20, s16  }
0xe: {  	s14 =	smul.u32 $0x2900, s4;
	s23 =	sadd.s32 s20, s17;
	s24 =	sadd.s32 s20, s18  }
0xf: {  	s25 =	sadd.s32 s20, s19;
	s21 =	sshrl.u32 s31, $0x3;
	s16 =	sshrl.u32 s16, $0x3  }
0x10: {  	s26 =	sshrl.u32 s24, $0x3;
	s31 =	sshrl.u32 s25, $0x3;
	s20 =	smax.u32 s15, $0x1  }
0x11: {  	s24 =	simm.s32 $0x100;
	s25 =	simm.s32 $0x190;
	s4 =	sadd.s32 s0, s21  }
0x12: {  	s22 =	sadd.s32 s0, s16;
	s18 =	sadd.s32 s0, s26;
	s19 =	sadd.s32 s0, s31  }
0x13: {  	s21 =	simm.s32 $0x5190;
	[dreg:$0x4] =	wrdreg s4;
	s4 =	sshrl.u32 s23, $0x3  }
0x14: {  	s26 =	simm.s32 $0x4990;
	[dreg:$0x5] =	wrdreg s22;
	s4 =	sadd.s32 s0, s4  }
0x15: {  	v0 =	vimm.f32 $0.0e+00;
	s22 =	simm.s32 $0x3;
	s23 =	simm.s32 $0x80;
	[dreg:$0x6] =	wrdreg s4  }
.LBB2_1:
0x16: {  	s0 =	simm.s32 $0x0;
	s4 =	simm.s32 $0x240  }
.LBB2_2:
0x17: {  	p0 =	sne.s32 s4, $0x11700;
	[tilespmem:s0+$0x5210] =	vst v0  }
0x18: {  	[tilespmem:s0+$0x5190] =	vst v0  }
0x19: {  	[tilespmem:s0+$0x51A0] =	vst v0  }
0x1a: {  	[tilespmem:s0+$0x51B0] =	vst v0  }
.Ltmp0:
0x1b: {  	[tilespmem:s0+$0x51C0] =	vst v0;
	(pc) =	sbr.rel @p0 .LBB2_2-.Ltmp0, $4  }
0x1c: {  	[tilespmem:s0+$0x51D0] =	vst v0  }
0x1d: {  	[tilespmem:s0+$0x51E0] =	vst v0  }
0x1e: {  	[tilespmem:s0+$0x51F0] =	vst v0  }
0x1f: {  	[tilespmem:s0+$0x5200] =	vst v0;
	s0 =	sshra.s32 s4, $0x2;
	s4 =	sadd.s32 $0x240, s4  }
0x20: {  	[tilespmem:s0+$0x5210] =	vst v0  }
0x21: {  	[tilespmem:s0+$0x5190] =	vst v0  }
0x22: {  	[tilespmem:s0+$0x51A0] =	vst v0  }
0x23: {  	[tilespmem:s0+$0x51B0] =	vst v0  }
0x24: {  	[tilespmem:s0+$0x51C0] =	vst v0  }
0x25: {  	[tilespmem:s0+$0x51D0] =	vst v0  }
0x26: {  	[tilespmem:s0+$0x51E0] =	vst v0  }
0x27: {  	[tilespmem:s0+$0x51F0] =	vst v0  }
0x28: {  	[tilespmem:s0+$0x5200] =	vst v0  }
0x29: {  	[spmem:s9] =	stream.linear.scatter [tilespmem:s21], [sflag:$0x3], $0x4650, $0x38;
	[tilespmem:$0x1F770] =	vst v63  }
0x2a: {  	_ =	swait.ge [sflag:s22], $0x4650  }
0x2b: {  	[sflag:s22] =	ssyncset.done $0x0  }
0x2c: {  	[sflag:s22] =	ssyncadd.s32 $0xFFFFB9B0  }
0x2d: {  	[spmem:s10] =	stream.linear.scatter [tilespmem:s21], [sflag:$0x3], $0x4650, $0x38;
	[tilespmem:$0x1F770] =	vst v63  }
0x2e: {  	_ =	swait.ge [sflag:s22], $0x4650  }
0x2f: {  	[sflag:s22] =	ssyncset.done $0x0  }
0x30: {  	[sflag:s22] =	ssyncadd.s32 $0xFFFFB9B0  }
0x31: {  	[spmem:s11] =	stream.linear.scatter [tilespmem:s21], [sflag:$0x3], $0x4650, $0x38;
	[tilespmem:$0x1F770] =	vst v63  }
0x32: {  	_ =	swait.ge [sflag:s22], $0x4650  }
0x33: {  	[sflag:s22] =	ssyncset.done $0x0  }
0x34: {  	[sflag:s22] =	ssyncadd.s32 $0xFFFFB9B0  }
0x35: {  	[spmem:s12] =	stream.linear.scatter [tilespmem:s21], [sflag:$0x3], $0x4650, $0x38;
	[tilespmem:$0x1F770] =	vst v63  }
0x36: {  	_ =	swait.ge [sflag:s22], $0x4650  }
0x37: {  	[sflag:s22] =	ssyncset.done $0x0  }
0x38: {  	[sflag:s22] =	ssyncadd.s32 $0xFFFFB9B0  }
0x39: {  	[spmem:s13] =	stream.linear.scatter [tilespmem:s21], [sflag:$0x3], $0x4650, $0x38;
	[tilespmem:$0x1F770] =	vst v63  }
0x3a: {  	_ =	swait.ge [sflag:s22], $0x4650  }
0x3b: {  	[sflag:s22] =	ssyncset.done $0x0  }
0x3c: {  	[sflag:s22] =	ssyncadd.s32 $0xFFFFB9B0  }
0x3d: {  	s31 =	simm.s32 $0x0;
	[bflag:$0x0] =	sbarrier.arrive $0xFFFF  }
.LBB2_4:
0x3e: {  	s0 =	sshll.u32 s31, $0x7  }
0x3f: {  	s0 =	sadd.s32 s14, s0  }
0x40: {  	s0 =	sshrl.u32 s0, $0x3  }
0x41: {  	s4 =	sadd.s32 s6, s0  }
0x42: {  	[tilespmem:s3], [sflag:$0x3] =	stream.linear.gather [hbm4b:s4+s3], $0x80, $0x38;
	[tilespmem:$0x1F770] =	vst v63  }
0x43: {  	_ =	swait.ge [sflag:s22], $0x80  }
0x44: {  	[sflag:s22] =	ssyncset.done $0x0  }
0x45: {  	s17 =	sadd.s32 s7, s0;
	[sflag:s22] =	ssyncadd.s32 $0xFFFFFF80  }
0x46: {  	[tilespmem:s23], [sflag:$0x3] =	stream.linear.gather [hbm4b:s17+s3], $0x80, $0x38;
	[tilespmem:$0x1F770] =	vst v63  }
0x47: {  	_ =	swait.ge [sflag:s22], $0x80  }
0x48: {  	[sflag:s22] =	ssyncset.done $0x0  }
0x49: {  	s0 =	sadd.s32 s8, s0;
	[sflag:s22] =	ssyncadd.s32 $0xFFFFFF80  }
0x4a: {  	[tilespmem:s24], [sflag:$0x3] =	stream.linear.gather [hbm4b:s0+s3], $0x80, $0x38;
	[tilespmem:$0x1F770] =	vst v63  }
0x4b: {  	_ =	swait.ge [sflag:s22], $0x80  }
0x4c: {  	[sflag:s22] =	ssyncset.done $0x0  }
0x4d: {  	[sflag:s22] =	ssyncadd.s32 $0xFFFFFF80  }
0x4e: {  	[tilespmem:s25], [sflag:$0x1] =	stream.indirect.gather [hbm4b:s5+s23], $0x90, s23, s23, $0xb8;
	[tilespmem:$0x1F770] =	vst v63  }
0x4f: {  	_ = 	snop  }
0x50: {  	[tilespmem:s26], [sflag:$0x2] =	stream.indirect.gather [hbm4b:s1+s23], $0x10, s3, s23, $0xb8;
	[tilespmem:$0x1F770] =	vst v63  }
0x51: {  	_ =	swait.ge [sflag:s28], $0x4800  }
0x52: {  	[sflag:s28] =	ssyncset.done $0x0  }
0x53: {  	[sflag:s28] =	ssyncadd.s32 $0xFFFFB800  }
0x54: {  	_ =	swait.ge [sflag:s29], $0x800  }
0x55: {  	[sflag:s29] =	ssyncset.done $0x0  }
0x56: {  	s0 =	simm.s32 $0x220;
	[sflag:s29] =	ssyncadd.s32 $0xFFFFF800  }
0x57: {  	s15 =	simm.s32 $0x49A0;
	v1 =	vld [tilespmem:s0+$0xFFFFFFF0]  }
0x58: {  	v2 =	vld [tilespmem:s15+$0xFFFFFFF0];
	_ =	sdelay $0x4  }
0x59: {  	v1 =	vadd.f32 v1, v2;
	_ =	sdelay $0x1  }
0x5a: {  	v2 =	vmul.f32 $2.000000030e-01, v1;
	_ =	sdelay $0x1  }
0x5b: {  	v1 =	vmax.f32 v1, v2  }
0x5c: {  	v1 =	vmul.f32 $1.442695020e+00, v1;
	_ =	sdelay $0x1  }
0x5d: {  	(erf) = vpow2.f32 v1;
	_ =	sdelay $0x3  }
0x5e: {  	s4 =	simm.s32 $0x101  }
0x5f: {  	v1 =	vld.msk [tilespmem:s4+$0xFFFFFFFF ss:$0x0], $0xffff;
	_ =	sdelay $0x3  }
0x60: {  	v2 =	vld [tilespmem:s0+$0xFFFFFFC0];
	v3 =	vpop (erf)  }
0x61: {  	v4 =	vld [tilespmem:s0+$0xFFFFFFB0];
	v1 =	vmul.f32 v3, v1  }
0x62: {  	v3 =	vld [tilespmem:s0+$0xFFFFFFE0]  }
0x63: {  	v5 =	vld [tilespmem:s0+$0xFFFFFF70];
	v6 =	vbroadcast v1, $0x2  }
0x64: {  	v7 =	vld [tilespmem:s0+$0xFFFFFFA0]  }
0x65: {  	v10 =	vld [tilespmem:s0+$0xFFFFFF90];
	v9 =	vbroadcast v1, $0x3;
	v2 =	vmul.f32 v2, v6  }
0x66: {  	v8 =	vld [tilespmem:s0+$0xFFFFFFD0];
	[tilespmem:s0+$0xFFFFFFF0] =	vst v1;
	v11 =	vbroadcast v1, $0x0;
	v4 =	vmul.f32 v4, v6  }
0x67: {  	v63 =	vld [tilespmem:s0+$0xFFFFFF80];
	v1 =	vbroadcast v1, $0x1;
	[tilespmem:s0+$0xFFFFFFC0] =	vst v2;
	v2 =	vmul.f32 v3, v9  }
0x68: {  	v3 =	vmul.f32 v11, v5;
	[tilespmem:s0+$0xFFFFFFB0] =	vst v4  }
0x69: {  	v4 =	vmul.f32 v7, v1;
	[tilespmem:s0+$0xFFFFFFE0] =	vst v2  }
0x6a: {  	v1 =	vmul.f32 v1, v10;
	[tilespmem:s0+$0xFFFFFF70] =	vst v3  }
0x6b: {  	v2 =	vmul.f32 v8, v9;
	[tilespmem:s0+$0xFFFFFFA0] =	vst v4  }
0x6c: {  	v3 =	vmul.f32 v11, v63;
	[tilespmem:s0+$0xFFFFFF90] =	vst v1  }
0x6d: {  	[tilespmem:s0+$0xFFFFFFD0] =	vst v2  }
0x6e: {  	v1 =	vld [tilespmem:s0+$0x80];
	[tilespmem:s0+$0xFFFFFF80] =	vst v3  }
0x6f: {  	v2 =	vld [tilespmem:s15+$0x0];
	_ =	sdelay $0x4  }
0x70: {  	v1 =	vadd.f32 v1, v2;
	_ =	sdelay $0x1  }
0x71: {  	v2 =	vmul.f32 $2.000000030e-01, v1;
	_ =	sdelay $0x1  }
0x72: {  	v1 =	vmax.f32 v1, v2  }
0x73: {  	v2 =	vmul.f32 $1.442695020e+00, v1;
	_ =	sdelay $0x1  }
0x74: {  	(erf) = vpow2.f32 v2;
	_ =	sdelay $0x4  }
0x75: {  	v3 =	vld.msk [tilespmem:s4+$0x0 ss:$0x0], $0xffff  }
0x76: {  	v1 =	vld [tilespmem:s0+$0x20]  }
0x77: {  	s16 =	simm.s32 $0x49C0;
	s17 =	simm.s32 $0x220;
	s15 =	simm.s32 $0x0;
	v2 =	vld [tilespmem:s0+$0x70]  }
.LBB2_5:
0x78: {  	s15 =	sadd.s32 $0x2, s15;
	v4 =	vld [tilespmem:s0+$0x0];
	s4 =	sadd.s32 $0x2, s4;
	s17 =	sadd.s32 $0x120, s17  }
0x79: {  	p0 =	slt.u32 s15, $0x7E;
	v5 =	vld [tilespmem:s0+$0x10];
	v6 =	vpop (erf)  }
0x7a: {  	v3 =	vmul.f32 v6, v3;
	v6 =	vld [tilespmem:s0+$0x60]  }
0x7b: {  	v7 =	vld [tilespmem:s0+$0x30]  }
0x7c: {  	v8 =	vbroadcast v3, $0x0;
	v9 =	vbroadcast v3, $0x1;
	v10 =	vld [tilespmem:s0+$0x40];
	[tilespmem:s0+$0x80] =	vst v3  }
0x7d: {  	v11 =	vbroadcast v3, $0x2;
	v3 =	vbroadcast v3, $0x3  }
0x7e: {  	v4 =	vmul.f32 v8, v4;
	v5 =	vmul.f32 v8, v5  }
0x7f: {  	v2 =	vmul.f32 v2, v3;
	v8 =	vld [tilespmem:s0+$0x50];
	v6 =	vmul.f32 v6, v3  }
0x80: {  	v1 =	vmul.f32 v9, v1;
	[tilespmem:s0+$0x0] =	vst v4;
	v3 =	vmul.f32 v7, v9  }
0x81: {  	v4 =	vmul.f32 v10, v11;
	[tilespmem:s0+$0x70] =	vst v2  }
0x82: {  	[tilespmem:s0+$0x60] =	vst v6  }
0x83: {  	[tilespmem:s0+$0x40] =	vst v4  }
0x84: {  	[tilespmem:s0+$0x20] =	vst v1;
	v1 =	vmul.f32 v8, v11  }
0x85: {  	[tilespmem:s0+$0x30] =	vst v3  }
0x86: {  	[tilespmem:s0+$0x50] =	vst v1  }
0x87: {  	v1 =	vld [tilespmem:s17+$0xFFFFFFF0];
	[tilespmem:s0+$0x10] =	vst v5;
	s0 =	smov.u32 s17  }
0x88: {  	v2 =	vld [tilespmem:s16+$0xFFFFFFF0];
	_ =	sdelay $0x4  }
0x89: {  	v1 =	vadd.f32 v1, v2;
	_ =	sdelay $0x1  }
0x8a: {  	v2 =	vmul.f32 $2.000000030e-01, v1;
	_ =	sdelay $0x1  }
0x8b: {  	v1 =	vmax.f32 v1, v2  }
0x8c: {  	v1 =	vmul.f32 $1.442695020e+00, v1;
	_ =	sdelay $0x1  }
0x8d: {  	(erf) = vpow2.f32 v1;
	_ =	sdelay $0x3  }
0x8e: {  	v1 =	vld.msk [tilespmem:s4+$0xFFFFFFFF ss:$0x0], $0xffff;
	_ =	sdelay $0x1  }
0x8f: {  	v2 =	vld [tilespmem:s17+$0xFFFFFFE0]  }
0x90: {  	v3 =	vld [tilespmem:s17+$0xFFFFFFA0]  }
0x91: {  	v4 =	vld [tilespmem:s17+$0xFFFFFFC0]  }
0x92: {  	v5 =	vld [tilespmem:s17+$0xFFFFFFB0];
	v6 =	vpop (erf)  }
0x93: {  	v1 =	vmul.f32 v6, v1;
	v6 =	vld [tilespmem:s17+$0xFFFFFF90]  }
0x94: {  	v7 =	vld [tilespmem:s17+$0xFFFFFFD0]  }
0x95: {  	v8 =	vld [tilespmem:s17+$0xFFFFFF70];
	v9 =	vbroadcast v1, $0x1;
	v10 =	vbroadcast v1, $0x2;
	[tilespmem:s17+$0xFFFFFFF0] =	vst v1  }
0x96: {  	v11 =	vbroadcast v1, $0x0;
	v1 =	vbroadcast v1, $0x3;
	v12 =	vld [tilespmem:s17+$0xFFFFFF80]  }
0x97: {  	v5 =	vmul.f32 v5, v10;
	v4 =	vmul.f32 v4, v10  }
0x98: {  	v3 =	vmul.f32 v3, v9;
	v6 =	vmul.f32 v9, v6  }
0x99: {  	[tilespmem:s17+$0xFFFFFFC0] =	vst v4;
	v4 =	vmul.f32 v7, v1;
	v1 =	vmul.f32 v2, v1  }
0x9a: {  	v2 =	vmul.f32 v11, v8;
	[tilespmem:s17+$0xFFFFFFB0] =	vst v5  }
0x9b: {  	v5 =	vmul.f32 v11, v12;
	[tilespmem:s17+$0xFFFFFFE0] =	vst v1  }
0x9c: {  	[tilespmem:s17+$0xFFFFFF70] =	vst v2  }
0x9d: {  	[tilespmem:s17+$0xFFFFFFA0] =	vst v3  }
0x9e: {  	[tilespmem:s17+$0xFFFFFFD0] =	vst v4  }
0x9f: {  	[tilespmem:s17+$0xFFFFFF90] =	vst v6  }
0xa0: {  	[tilespmem:s17+$0xFFFFFF80] =	vst v5;
	v1 =	vld [tilespmem:s17+$0x80]  }
0xa1: {  	v2 =	vld [tilespmem:s16+$0x0];
	_ =	sdelay $0x4  }
0xa2: {  	v1 =	vadd.f32 v1, v2;
	_ =	sdelay $0x1  }
0xa3: {  	v2 =	vmul.f32 $2.000000030e-01, v1;
	_ =	sdelay $0x1  }
0xa4: {  	v1 =	vmax.f32 v1, v2  }
0xa5: {  	v1 =	vmul.f32 $1.442695020e+00, v1;
	_ =	sdelay $0x1  }
0xa6: {  	(erf) = vpow2.f32 v1;
	_ =	sdelay $0x2  }
.Ltmp1:
0xa7: {  	(pc) =	sbr.rel @p0 .LBB2_5-.Ltmp1, $3  }
0xa8: {  	v3 =	vld.msk [tilespmem:s4+$0x0 ss:$0x0], $0xffff;
	_ =	sdelay $0x1  }
0xa9: {  	v1 =	vld [tilespmem:s17+$0x20]  }
0xaa: {  	s16 =	sadd.s32 $0x20, s16;
	v2 =	vld [tilespmem:s17+$0x70]  }
0xab: {  	_ = 	snop  }
0xac: {  	v4 =	vld [tilespmem:s0+$0x0];
	v5 =	vpop (erf)  }
0xad: {  	v3 =	vmul.f32 v5, v3  }
0xae: {  	v62 =	vld [tilespmem:s0+$0x60]  }
0xaf: {  	v7 =	vld [tilespmem:s0+$0x40];
	v6 =	vbroadcast v3, $0x0  }
0xb0: {  	v9 =	vbroadcast v3, $0x3  }
0xb1: {  	v10 =	vld [tilespmem:s0+$0x30];
	v4 =	vmul.f32 v6, v4  }
0xb2: {  	v12 =	vld [tilespmem:s0+$0x50];
	[tilespmem:s0+$0x80] =	vst v3;
	v11 =	vbroadcast v3, $0x2;
	v2 =	vmul.f32 v2, v9  }
0xb3: {  	v8 =	vld [tilespmem:s0+$0x10];
	v3 =	vbroadcast v3, $0x1;
	v5 =	vmul.f32 v62, v9;
	[tilespmem:s0+$0x0] =	vst v4  }
0xb4: {  	v63 =	vmul.f32 v7, v11;
	[tilespmem:s0+$0x70] =	vst v2  }
0xb5: {  	v1 =	vmul.f32 v3, v1;
	[tilespmem:s0+$0x60] =	vst v5  }
0xb6: {  	v2 =	vmul.f32 v10, v3;
	[tilespmem:s0+$0x40] =	vst v63  }
0xb7: {  	[tilespmem:s0+$0x20] =	vst v1;
	v1 =	vmul.f32 v12, v11  }
0xb8: {  	s31 =	sadd.s32 $0x1, s31;
	v3 =	vmul.f32 v6, v8;
	[tilespmem:s0+$0x30] =	vst v2  }
0xb9: {  	p0 =	sne.s32 s31, $0x52;
	[tilespmem:s0+$0x50] =	vst v1  }
.Ltmp2:
0xba: {  	[tilespmem:s0+$0x10] =	vst v3;
	(pc) =	sbr.rel @p0 .LBB2_4-.Ltmp2, $4  }
0xbb: {  	[spmem:s2] =	stream.indirect.scatter.add.f32 [tilespmem:s25], [sflag:$0x3], $0x90, s3, s23, $0xb8;
	[tilespmem:$0x1F770] =	vst v63  }
0xbc: {  	_ =	swait.ge [sflag:s22], $0x4800  }
0xbd: {  	[sflag:s22] =	ssyncset.done $0x0  }
0xbe: {  	[sflag:s22] =	ssyncadd.s32 $0xFFFFB800  }
0xbf: {  	s0 =	stileid.u32  }
0xc0: {  	[bflag:$0x0] =	sbarrier.arrive $0xFFFF;
	s0 =	sshll.u32 s0, $0x6  }
0xc1: {  	s4 =	sshrl.u32 s9, $0x3;
	s15 =	rddreg [dreg:$0x4];
	s0 =	sor.u32 $0x1C03, s0  }
0xc2: {  	[hbm:s15], [sflag:s0] =	dma.local [spmem:s4], $0x8CA  }
0xc3: {  	_ =	swait.ge [sflag:s22], $0x8CA  }
0xc4: {  	[sflag:s22] =	ssyncset.done $0x0  }
0xc5: {  	s17 =	sshrl.u32 s10, $0x3;
	s31 =	rddreg [dreg:$0x5];
	[sflag:s22] =	ssyncadd.s32 $0xFFFFF736  }
0xc6: {  	[hbm:s31], [sflag:s0] =	dma.local [spmem:s17], $0x8CA  }
0xc7: {  	_ =	swait.ge [sflag:s22], $0x8CA  }
0xc8: {  	[sflag:s22] =	ssyncset.done $0x0  }
0xc9: {  	s15 =	sshrl.u32 s11, $0x3;
	s16 =	rddreg [dreg:$0x6];
	[sflag:s22] =	ssyncadd.s32 $0xFFFFF736  }
0xca: {  	[hbm:s16], [sflag:s0] =	dma.local [spmem:s15], $0x8CA  }
0xcb: {  	_ =	swait.ge [sflag:s22], $0x8CA  }
0xcc: {  	[sflag:s22] =	ssyncset.done $0x0  }
0xcd: {  	s17 =	sshrl.u32 s12, $0x3;
	[sflag:s22] =	ssyncadd.s32 $0xFFFFF736  }
0xce: {  	[hbm:s18], [sflag:s0] =	dma.local [spmem:s17], $0x8CA  }
0xcf: {  	s30 =	sadd.s32 $0x1, s30;
	_ =	swait.ge [sflag:s22], $0x8CA  }
0xd0: {  	p0 =	sne.s32 s30, s20;
	[sflag:s22] =	ssyncset.done $0x0  }
.Ltmp3:
0xd1: {  	s31 =	sshrl.u32 s13, $0x3;
	[sflag:s22] =	ssyncadd.s32 $0xFFFFF736;
	(pc) =	sbr.rel @p0 .LBB2_1-.Ltmp3, $4  }
0xd2: {  	[hbm:s19], [sflag:s0] =	dma.local [spmem:s31], $0x8CA  }
0xd3: {  	_ =	swait.ge [sflag:s22], $0x8CA  }
0xd4: {  	[sflag:s22] =	ssyncset.done $0x0  }
0xd5: {  	[sflag:s22] =	ssyncadd.s32 $0xFFFFF736  }
0xd6: {  	_ =	sfence.sel $0x180000  }
0xd7: {  	[bflag:$0x0] =	sbarrier.arrive $0xFFFF  }
0xd8: {  	_ =	strace $0x90000047  }
0xd9: {  	s0 =	stileid.u32;
	[bflag:$0x2] =	sbarrier.arrive $0xFFFF  }
0xda: {  	p0 =	sne.s32 s0, $0x0;
	s0 =	rddreg [dreg:$0x3]  }
0xdb: {  	s0 =	sadd.s32 @!p0 $0x100000, s0  }
0xdc: {  	[sflag:s0] =	ssyncadd.tile.s32 @!p0 $0x1;
	_ =	shalt  }
.Lfunc_end2:
_tile_overlayer_lowered:
.L_overlay_start_2:
0xdd: {  	(tag) =	ssettag $0x2  }
0xde: {  	s0 =	rddreg [dreg:$0x0];
	s2 =	stileid.u32  }
0xdf: {  	s1 =	rddreg [dreg:$0x1];
	p0 =	sne.s32 s2, $0x0  }
0xe0: {  	s3 =	rddreg [dreg:$0x2];
	[bflag:$0x3] =	sbarrier.arrive $0xFFFF;
	s2 =	simm.s32 @!p0 $0x1C03  }
0xe1: {  	[timem:s3], [sflag:s2] =	dma.local @!p0 [hbm:s0], s1  }
0xe2: {  	s0 =	simm.s32 @!p0 $0x3  }
0xe3: {  	_ =	swait.ge @!p0 [sflag:s0], s1  }
0xe4: {  	s1 =	ssub.s32 @!p0 $0x0, s1;
	[sflag:s0] =	ssyncset.done @!p0 $0x0  }
0xe5: {  	[sflag:s0] =	ssyncadd.s32 @!p0 s1  }
0xe6: {  	[bflag:$0x3] =	sbarrier.arrive $0xFFFF  }
0xe7: {  	_ =	shalt  }

</sc_bundles>
